<compile_context>
chip_gen: v7x
topology: tpu7x:2x2x1
jax: 0.10.2.dev20260603
libtpu: 0.0.44.dev20260713+nightly
codegen_flags: <defaults>
</compile_context>

<pallas_src>
import jax
import jax.numpy as jnp
from jax import lax
from jax.experimental import pallas as pl
from jax.experimental.pallas import tpu as pltpu
from jax.experimental.pallas import tpu_sc as plsc

NV = 10000
NP = 10240
E = 320000
D = 128
G = 64
NC = 2
NS = 16
CH = 125
CPW = 80
NH = 2
CHH = CPW // NH
ZB = 64
RPS = NP // NS
BLK = 1024
NBLK = NP // BLK

def _sc_mesh():
    return plsc.VectorSubcoreMesh(core_axis_name="c", subcore_axis_name="s")



def _sc_deg_body(dst_hbm, out_hbm, dstv, ones, zbuf, acc):
    c = lax.axis_index("c")
    s = lax.axis_index("s")
    w = s * NC + c

    @pl.loop(0, ZB)
    def _(r):
        zbuf[r, pl.ds(0, 16)] = jnp.zeros((16,), jnp.float32)

    @pl.loop(0, CH)
    def _(r):
        ones[r, pl.ds(0, 16)] = jnp.ones((16,), jnp.float32)

    @pl.loop(0, RPS, step=ZB)
    def _(r0):
        pltpu.sync_copy(zbuf, acc.at[pl.ds(s * RPS + r0, ZB)])
    plsc.subcore_barrier()

    pltpu.sync_copy(dst_hbm.at[w], dstv)

    @pl.loop(0, CPW)
    def _(j):
        pltpu.sync_copy(ones, acc.at[dstv.at[j]], add=True)
    plsc.subcore_barrier()

    pltpu.sync_copy(acc.at[pl.ds(s * RPS, RPS)],
                    out_hbm.at[c].at[pl.ds(s * RPS, RPS)])


def _sc_deg(dstp):
    return pl.kernel(
        _sc_deg_body,
        out_type=jax.ShapeDtypeStruct((NC, NP, 16), jnp.float32),
        mesh=_sc_mesh(),
        scratch_types=[
            pltpu.VMEM((CPW, CH), jnp.int32),
            pltpu.VMEM((CH, 16), jnp.float32),
            pltpu.VMEM((ZB, 16), jnp.float32),
            pltpu.VMEM_SHARED((NP, 16), jnp.float32),
        ],
    )(dstp)


def _sc_edge_body(g_hbm, src_hbm, dst_hbm, out_hbm,
                  sdv, buf0, buf1, acc, gsem0, gsem1, ssem0, ssem1):
    c = lax.axis_index("c")
    s = lax.axis_index("s")
    w = s * NC + c

    @pl.loop(0, ZB)
    def _(r):
        @pl.loop(0, D, step=16)
        def _(cc):
            buf0[r, pl.ds(cc, 16)] = jnp.zeros((16,), jnp.float32)

    @pl.loop(0, RPS, step=ZB)
    def _(r0):
        pltpu.sync_copy(buf0.at[pl.ds(0, ZB)], acc.at[pl.ds(s * RPS + r0, ZB)])
    plsc.subcore_barrier()

    @pl.loop(0, NH)
    def _(p):
        pltpu.sync_copy(src_hbm.at[w].at[pl.ds(p * CHH, CHH)],
                        sdv.at[pl.ds(0, CHH)])
        pltpu.sync_copy(dst_hbm.at[w].at[pl.ds(p * CHH, CHH)],
                        sdv.at[pl.ds(CHH, CHH)])

        pltpu.async_copy(g_hbm.at[sdv.at[0]], buf0, gsem0)
        pltpu.async_copy(g_hbm.at[sdv.at[1]], buf1, gsem1)

        @pl.loop(0, CHH - 2, step=2)
        def _(j):
            pltpu.make_async_copy(g_hbm.at[sdv.at[j]], buf0, gsem0).wait()
            pltpu.async_copy(buf0, acc.at[sdv.at[CHH + j]], ssem0, add=True)
            pltpu.make_async_copy(g_hbm.at[sdv.at[j + 1]], buf1, gsem1).wait()
            pltpu.async_copy(buf1, acc.at[sdv.at[CHH + j + 1]], ssem1,
                             add=True)
            pltpu.make_async_copy(buf0, acc.at[sdv.at[CHH + j]], ssem0).wait()
            pltpu.async_copy(g_hbm.at[sdv.at[j + 2]], buf0, gsem0)
            pltpu.make_async_copy(buf1, acc.at[sdv.at[CHH + j + 1]],
                                  ssem1).wait()
            pltpu.async_copy(g_hbm.at[sdv.at[j + 3]], buf1, gsem1)

        pltpu.make_async_copy(g_hbm.at[sdv.at[CHH - 2]], buf0, gsem0).wait()
        pltpu.sync_copy(buf0, acc.at[sdv.at[2 * CHH - 2]], add=True)
        pltpu.make_async_copy(g_hbm.at[sdv.at[CHH - 1]], buf1, gsem1).wait()
        pltpu.sync_copy(buf1, acc.at[sdv.at[2 * CHH - 1]], add=True)
    plsc.subcore_barrier()

    pltpu.sync_copy(acc.at[pl.ds(s * RPS, RPS)],
                    out_hbm.at[c].at[pl.ds(s * RPS, RPS)])


def _sc_edge(g, srcp, dstp):
    return pl.kernel(
        _sc_edge_body,
        out_type=jax.ShapeDtypeStruct((NC, NP, D), jnp.float32),
        mesh=_sc_mesh(),
        scratch_types=[
            pltpu.VMEM((2 * CHH, CH), jnp.int32),
            pltpu.VMEM((CH, D), jnp.float32),
            pltpu.VMEM((CH, D), jnp.float32),
            pltpu.VMEM_SHARED((NP, D), jnp.float32),
            pltpu.SemaphoreType.DMA,
            pltpu.SemaphoreType.DMA,
            pltpu.SemaphoreType.DMA,
            pltpu.SemaphoreType.DMA,
        ],
    )(g, srcp, dstp)



def _tc_enc_body(x_ref, wenc_ref, benc_ref, h_ref):
    h_ref[...] = jnp.maximum(
        jnp.dot(x_ref[...], wenc_ref[...], preferred_element_type=jnp.float32)
        + benc_ref[...], 0.0)


def _tc_enc(xp, W_enc, benc):
    return pl.pallas_call(
        _tc_enc_body,
        grid=(NBLK,),
        in_specs=[
            pl.BlockSpec((BLK, D), lambda i: (i, 0)),
            pl.BlockSpec((D, D), lambda i: (0, 0)),
            pl.BlockSpec((1, D), lambda i: (0, 0)),
        ],
        out_specs=pl.BlockSpec((BLK, D), lambda i: (i, 0)),
        out_shape=jax.ShapeDtypeStruct((NP, D), jnp.float32),
    )(xp, W_enc, benc)


def _tc0_body(h_ref, d0_ref, d1_ref, wc1_ref, g_ref, dinv_ref):
    i = pl.program_id(0)
    cnt = d0_ref[0][:, 0:1] + d1_ref[0][:, 0:1]
    rows = lax.broadcasted_iota(jnp.int32, (BLK, 1), 0) + i * BLK
    dinv = jnp.where(rows < NV, lax.rsqrt(cnt + 1.0), 0.0)
    g_ref[...] = jnp.dot(h_ref[...], wc1_ref[...],
                         preferred_element_type=jnp.float32) * dinv
    dinv_ref[...] = jnp.broadcast_to(dinv, (BLK, 16))


def _tc0(h1, degs, W_c1):
    return pl.pallas_call(
        _tc0_body,
        grid=(NBLK,),
        in_specs=[
            pl.BlockSpec((BLK, D), lambda i: (i, 0)),
            pl.BlockSpec((1, BLK, 16), lambda i: (0, i, 0)),
            pl.BlockSpec((1, BLK, 16), lambda i: (1, i, 0)),
            pl.BlockSpec((D, D), lambda i: (0, 0)),
        ],
        out_specs=[
            pl.BlockSpec((BLK, D), lambda i: (i, 0)),
            pl.BlockSpec((BLK, 16), lambda i: (i, 0)),
        ],
        out_shape=[
            jax.ShapeDtypeStruct((NP, D), jnp.float32),
            jax.ShapeDtypeStruct((NP, 16), jnp.float32),
        ],
    )(h1, degs, degs, W_c1)


def _tc_mid_body(sa_ref, sb_ref, gp_ref, dv_ref, b_ref, w_ref, gn_ref):
    dinv = dv_ref[...][:, 0:1]
    h = jnp.maximum(
        dinv * (sa_ref[0] + sb_ref[0] + gp_ref[...]) + b_ref[...], 0.0)
    gn_ref[...] = jnp.dot(h, w_ref[...],
                          preferred_element_type=jnp.float32) * dinv


def _tc_mid(sarr, gp, dinv16, b, W):
    return pl.pallas_call(
        _tc_mid_body,
        grid=(NBLK,),
        in_specs=[
            pl.BlockSpec((1, BLK, D), lambda i: (0, i, 0)),
            pl.BlockSpec((1, BLK, D), lambda i: (1, i, 0)),
            pl.BlockSpec((BLK, D), lambda i: (i, 0)),
            pl.BlockSpec((BLK, 16), lambda i: (i, 0)),
            pl.BlockSpec((1, D), lambda i: (0, 0)),
            pl.BlockSpec((D, D), lambda i: (0, 0)),
        ],
        out_specs=pl.BlockSpec((BLK, D), lambda i: (i, 0)),
        out_shape=jax.ShapeDtypeStruct((NP, D), jnp.float32),
    )(sarr, sarr, gp, dinv16, b, W)


def _tc_fin_body(sa_ref, sb_ref, gp_ref, dv_ref, b_ref, bt_ref,
                 wdec_ref, bdec_ref, y_ref, acc):
    i = pl.program_id(0)

    @pl.when(i == 0)
    def _():
        acc[...] = jnp.zeros((G, D), jnp.float32)

    dinv = dv_ref[...][:, 0:1]
    h = jnp.maximum(
        dinv * (sa_ref[0] + sb_ref[0] + gp_ref[...]) + b_ref[...], 0.0)
    bt = bt_ref[0, 0, :]
    oh = (lax.broadcasted_iota(jnp.int32, (G, BLK), 0)
          == bt[None, :]).astype(jnp.float32)
    acc[...] += jnp.dot(oh, h, preferred_element_type=jnp.float32)

    @pl.when(i == NBLK - 1)
    def _():
        y_ref[...] = jnp.dot(acc[...], wdec_ref[...],
                             preferred_element_type=jnp.float32) + bdec_ref[...]


def _tc_fin(sarr, gp, dinv16, b, batchp, W_dec, bdec):
    return pl.pallas_call(
        _tc_fin_body,
        grid=(NBLK,),
        in_specs=[
            pl.BlockSpec((1, BLK, D), lambda i: (0, i, 0)),
            pl.BlockSpec((1, BLK, D), lambda i: (1, i, 0)),
            pl.BlockSpec((BLK, D), lambda i: (i, 0)),
            pl.BlockSpec((BLK, 16), lambda i: (i, 0)),
            pl.BlockSpec((1, D), lambda i: (0, 0)),
            pl.BlockSpec((1, 1, BLK), lambda i: (i, 0, 0)),
            pl.BlockSpec((D, D), lambda i: (0, 0)),
            pl.BlockSpec((1, D), lambda i: (0, 0)),
        ],
        out_specs=pl.BlockSpec((G, D), lambda i: (0, 0)),
        out_shape=jax.ShapeDtypeStruct((G, D), jnp.float32),
        scratch_shapes=[pltpu.VMEM((G, D), jnp.float32)],
    )(sarr, sarr, gp, dinv16, b, batchp, W_dec, bdec)



def kernel(x, edge_index, batch,
           W_enc, b_enc, W_c1, b_c1, W_c2, b_c2, W_c3, b_c3, W_dec, b_dec):
    nw = NC * NS
    srcp = edge_index[0].reshape(nw, CPW, CH)
    dstp = edge_index[1].reshape(nw, CPW, CH)
    xp = jnp.zeros((NP, D), jnp.float32).at[:NV].set(x)
    batchp = jnp.concatenate(
        [batch, jnp.full((NP - NV,), G, jnp.int32)]).reshape(NBLK, 1, BLK)
    benc = b_enc.reshape(1, D)
    b1 = b_c1.reshape(1, D)
    b2 = b_c2.reshape(1, D)
    b3 = b_c3.reshape(1, D)
    bdec = b_dec.reshape(1, D)

    degs = _sc_deg(dstp)
    h1 = _tc_enc(xp, W_enc, benc)
    g1, dinv16 = _tc0(h1, degs, W_c1)
    s1 = _sc_edge(g1, srcp, dstp)
    g2 = _tc_mid(s1, g1, dinv16, b1, W_c2)
    s2 = _sc_edge(g2, srcp, dstp)
    g3 = _tc_mid(s2, g2, dinv16, b2, W_c3)
    s3 = _sc_edge(g3, srcp, dstp)
    return _tc_fin(s3, g3, dinv16, b3, batchp, W_dec, bdec)

# --- scband reference (transcript-rebuilt; emitter-appended) ---
"""Pipeline reference for scband-basic-gcn-33277406610019 (READ-ONLY COPY).

The authoritative reference and input builder live on the scoring server;
editing this copy changes nothing except your own understanding.
"""

import jax, jax.numpy as jnp
import numpy as np

N_NODES = 10000
N_EDGES = 320000
N_GRAPHS = 64
D = 128


def _linear_init(key, fan_in, fan_out):
    kw, kb = jax.random.split(key)
    bound = 1.0 / np.sqrt(fan_in)
    W = jax.random.uniform(kw, (fan_in, fan_out), minval=-bound, maxval=bound, dtype=jnp.float32)
    b = jax.random.uniform(kb, (fan_out,), minval=-bound, maxval=bound, dtype=jnp.float32)
    return W, b


def setup_inputs(seed: int = 0) -> dict:
    key = jax.random.key(seed)
    ks = jax.random.split(key, 8)
    x = jax.random.normal(ks[0], (N_NODES, D), dtype=jnp.float32)
    edge_index = jax.random.randint(ks[1], (2, N_EDGES), 0, N_NODES, dtype=jnp.int32)
    batch = jnp.sort(jax.random.randint(ks[2], (N_NODES,), 0, N_GRAPHS, dtype=jnp.int32))
    W_enc, b_enc = _linear_init(ks[3], D, D)
    W_c1, b_c1 = _linear_init(ks[4], D, D)
    W_c2, b_c2 = _linear_init(ks[5], D, D)
    W_c3, b_c3 = _linear_init(ks[6], D, D)
    W_dec, b_dec = _linear_init(ks[7], D, D)
    return {
        "x": x, "edge_index": edge_index, "batch": batch,
        "W_enc": W_enc, "b_enc": b_enc,
        "W_c1": W_c1, "b_c1": b_c1,
        "W_c2": W_c2, "b_c2": b_c2,
        "W_c3": W_c3, "b_c3": b_c3,
        "W_dec": W_dec, "b_dec": b_dec,
    }


def _gcn_conv(h, edge_index, W, b):
    # Kipf-Welling GCNConv: x' = D^{-1/2} (A + I) D^{-1/2} (X W) + b
    loop = jnp.arange(N_NODES, dtype=edge_index.dtype)
    src = jnp.concatenate([edge_index[0], loop])
    dst = jnp.concatenate([edge_index[1], loop])
    deg = jnp.zeros((N_NODES,), jnp.float32).at[dst].add(1.0)
    dinv = jax.lax.rsqrt(deg)  # deg >= 1 because of self-loops
    norm = dinv[src] * dinv[dst]
    hW = h @ W
    msg = jnp.take(hW, src, axis=0) * norm[:, None]
    out = jnp.zeros_like(hW).at[dst].add(msg)
    return out + b


def reference(x, edge_index, batch, W_enc, b_enc, W_c1, b_c1, W_c2, b_c2, W_c3, b_c3, W_dec, b_dec):
    h = jax.nn.relu(x @ W_enc + b_enc)
    h = jax.nn.relu(_gcn_conv(h, edge_index, W_c1, b_c1))
    h = jax.nn.relu(_gcn_conv(h, edge_index, W_c2, b_c2))
    h = jax.nn.relu(_gcn_conv(h, edge_index, W_c3, b_c3))
    pooled = jax.ops.segment_sum(h, batch, num_segments=N_GRAPHS)
    yhat = pooled @ W_dec + b_dec
    return yhat

if __name__ == "__main__":
    import jax
    _d = setup_inputs()
    print(jax.jit(kernel)(*tuple(_d.values())))

</pallas_src>

<mosaic_0001>
#map = affine_map<(d0, d1) -> (0, 0)>
#map1 = affine_map<(d0, d1) -> (0, 0, 0)>
module attributes {stable_mosaic.version = 14 : i64} {
  func.func @_sc_edge_body(%arg0: i32, %arg1: i32, %arg2: memref<10240x128xf32, #tpu.memory_space<hbm>>, %arg3: memref<32x80x125xi32, #tpu.memory_space<hbm>>, %arg4: memref<32x80x125xi32, #tpu.memory_space<hbm>>, %arg5: memref<2x10240x128xf32, #tpu.memory_space<hbm>>, %arg6: memref<80x125xi32, #tpu.memory_space<vmem>>, %arg7: memref<125x128xf32, #tpu.memory_space<vmem>>, %arg8: memref<125x128xf32, #tpu.memory_space<vmem>>, %arg9: memref<10240x128xf32, #tpu.memory_space<vmem_shared>>, %arg10: memref<!tpu.dma_semaphore, #tpu.memory_space<semaphore_mem>>, %arg11: memref<!tpu.dma_semaphore, #tpu.memory_space<semaphore_mem>>, %arg12: memref<!tpu.dma_semaphore, #tpu.memory_space<semaphore_mem>>, %arg13: memref<!tpu.dma_semaphore, #tpu.memory_space<semaphore_mem>>) attributes {dimension_semantics = [#tpu.dimension_semantics<core_parallel>, #tpu.dimension_semantics<subcore_parallel>], iteration_bounds = array<i64: 2, 16>, scalar_prefetch = 0 : i64, scratch_operands = 8 : i64, tpu.core_type = #tpu.core_type<sc_vector_subcore>, window_params = [{transform_indices = #map}, {transform_indices = #map1}, {transform_indices = #map1}, {transform_indices = #map1}]} {
    %mul3A = arith.constant 2 : i32
    %mul3A_0 = arith.muli %arg1, %mul3A : i32
    %add3A = arith.addi %mul3A_0, %arg0 : i32
    %scan3A = arith.constant 0 : i32
    %scan3A_1 = arith.constant 64 : i32
    %scan3A_2 = arith.addi %scan3A, %scan3A_1 : i32
    %scan3A_3 = arith.constant 1 : i32
    scf.for %scan3A_20 = %scan3A to %scan3A_2 step %scan3A_3  : i32 {
      %mul3A_21 = arith.constant 1 : i32
      %mul3A_22 = arith.muli %scan3A_20, %mul3A_21 : i32
      %add3A_23 = arith.constant 0 : i32
      %add3A_24 = arith.addi %add3A_23, %mul3A_22 : i32
      %scan3A_25 = arith.constant 0 : i32
      %scan3A_26 = arith.constant 8 : i32
      %scan3A_27 = arith.addi %scan3A_25, %scan3A_26 : i32
      %scan3A_28 = arith.constant 1 : i32
      scf.for %scan3A_30 = %scan3A_25 to %scan3A_27 step %scan3A_28  : i32 {
        %mul3A_31 = arith.constant 16 : i32
        %mul3A_32 = arith.muli %scan3A_30, %mul3A_31 : i32
        %add3A_33 = arith.constant 0 : i32
        %add3A_34 = arith.addi %add3A_33, %mul3A_32 : i32
        %broadcast_in_dim3A = arith.constant 0.000000e+00 : f32
        %broadcast_in_dim3A_35 = vector.broadcast %broadcast_in_dim3A : f32 to vector<16xf32>
        %swap3A = arith.index_cast %add3A_24 : i32 to index
        %swap3A_36 = arith.index_cast %add3A_34 : i32 to index
        %swap3A_37 = tpu.vector_load %arg7[%swap3A, %swap3A_36] {strides = array<i32>} : memref<125x128xf32, #tpu.memory_space<vmem>>, vector<1x16xf32>,
        %swap3A_38 = vector.shape_cast %swap3A_37 : vector<1x16xf32> to vector<16xf32>
        %swap3A_39 = vector.shape_cast %broadcast_in_dim3A_35 : vector<16xf32> to vector<1x16xf32>
        tpu.vector_store %arg7[%swap3A, %swap3A_36], %swap3A_39 {strides = array<i32>} : memref<125x128xf32, #tpu.memory_space<vmem>>, vector<1x16xf32>,
      }
      %scan3A_29 = arith.constant 8 : i32
    }
    %scan3A_4 = arith.constant 64 : i32
    %scan3A_5 = arith.constant 0 : i32
    %scan3A_6 = arith.constant 10 : i32
    %scan3A_7 = arith.addi %scan3A_5, %scan3A_6 : i32
    %scan3A_8 = arith.constant 1 : i32
    scf.for %scan3A_20 = %scan3A_5 to %scan3A_7 step %scan3A_8  : i32 {
      %mul3A_21 = arith.constant 64 : i32
      %mul3A_22 = arith.muli %scan3A_20, %mul3A_21 : i32
      %add3A_23 = arith.constant 0 : i32
      %add3A_24 = arith.addi %add3A_23, %mul3A_22 : i32
      %mul3A_25 = arith.constant 640 : i32
      %mul3A_26 = arith.muli %arg1, %mul3A_25 : i32
      %add3A_27 = arith.addi %mul3A_26, %add3A_24 : i32
      "tpu.region"() ({
        %run_scoped3A = tpu.sem_alloc : memref<!tpu.dma_semaphore, #tpu.memory_space<semaphore_mem>>
        %dma_start3A = arith.constant 0 : i32
        %dma_start3A_28 = arith.constant 0 : i32
        %dma_start3A_29 = tpu.memref_slice %arg7[%dma_start3A, %dma_start3A_28] : memref<125x128xf32, #tpu.memory_space<vmem>> -> memref<64x128xf32, #tpu.memory_space<vmem>>
        %dma_start3A_30 = arith.constant 0 : i32
        %dma_start3A_31 = tpu.memref_slice %arg9[%add3A_27, %dma_start3A_30] : memref<10240x128xf32, #tpu.memory_space<vmem_shared>> -> memref<64x128xf32, #tpu.memory_space<vmem_shared>>
        %dma_start3A_32 = arith.constant 0 : i32
        %dma_start3A_33 = tpu.memref_slice %arg9[%add3A_27, %dma_start3A_32] : memref<10240x128xf32, #tpu.memory_space<vmem_shared>> -> memref<64x128xf32, #tpu.memory_space<vmem_shared>>
        %dma_start3A_34 = arith.constant 0 : i32
        %dma_start3A_35 = arith.constant 0 : i32
        %dma_start3A_36 = tpu.memref_slice %arg7[%dma_start3A_34, %dma_start3A_35] : memref<125x128xf32, #tpu.memory_space<vmem>> -> memref<64x128xf32, #tpu.memory_space<vmem>>
        tpu.enqueue_dma source(%dma_start3A_36 : memref<64x128xf32, #tpu.memory_space<vmem>>) target(%dma_start3A_33 : memref<64x128xf32, #tpu.memory_space<vmem_shared>>) target_semaphore(%run_scoped3A : memref<!tpu.dma_semaphore, #tpu.memory_space<semaphore_mem>>)
        %dma_wait3A = arith.constant 0 : i32
        %dma_wait3A_37 = arith.constant 0 : i32
        %dma_wait3A_38 = tpu.memref_slice %arg7[%dma_wait3A, %dma_wait3A_37] : memref<125x128xf32, #tpu.memory_space<vmem>> -> memref<64x128xf32, #tpu.memory_space<vmem>>
        %dma_wait3A_39 = arith.constant 0 : i32
        %dma_wait3A_40 = tpu.memref_slice %arg9[%add3A_27, %dma_wait3A_39] : memref<10240x128xf32, #tpu.memory_space<vmem_shared>> -> memref<64x128xf32, #tpu.memory_space<vmem_shared>>
        %dma_wait3A_41 = arith.constant 0 : i32
        %dma_wait3A_42 = tpu.memref_slice %arg9[%add3A_27, %dma_wait3A_41] : memref<10240x128xf32, #tpu.memory_space<vmem_shared>> -> memref<64x128xf32, #tpu.memory_space<vmem_shared>>
        %dma_wait3A_43 = arith.constant 0 : i32
        %dma_wait3A_44 = arith.constant 0 : i32
        %dma_wait3A_45 = tpu.memref_slice %arg7[%dma_wait3A_43, %dma_wait3A_44] : memref<125x128xf32, #tpu.memory_space<vmem>> -> memref<64x128xf32, #tpu.memory_space<vmem>>
        tpu.wait_dma2 semaphore(%run_scoped3A : memref<!tpu.dma_semaphore, #tpu.memory_space<semaphore_mem>>) src(%dma_wait3A_45 : memref<64x128xf32, #tpu.memory_space<vmem>>) dst(%dma_wait3A_42 : memref<64x128xf32, #tpu.memory_space<vmem_shared>>)
        tpu.yield
      }) : () -> ()
    }
    %scan3A_9 = arith.constant 10 : i32
    %barrier3A = arith.constant 0 : index
    tpu.barrier barrier_id(%barrier3A)
    %scan3A_10 = arith.constant 0 : i32
    %scan3A_11 = arith.constant 2 : i32
    %scan3A_12 = arith.addi %scan3A_10, %scan3A_11 : i32
    %scan3A_13 = arith.constant 1 : i32
    scf.for %scan3A_20 = %scan3A_10 to %scan3A_12 step %scan3A_13  : i32 {
      %mul3A_21 = arith.constant 1 : i32
      %mul3A_22 = arith.muli %scan3A_20, %mul3A_21 : i32
      %add3A_23 = arith.constant 0 : i32
      %add3A_24 = arith.addi %add3A_23, %mul3A_22 : i32
      %mul3A_25 = arith.constant 40 : i32
      %mul3A_26 = arith.muli %add3A_24, %mul3A_25 : i32
      "tpu.region"() ({
        %run_scoped3A_61 = tpu.sem_alloc : memref<!tpu.dma_semaphore, #tpu.memory_space<semaphore_mem>>
        %dma_start3A_62 = arith.constant 0 : i32
        %dma_start3A_63 = arith.constant 0 : i32
        %dma_start3A_64 = tpu.memref_slice %arg6[%dma_start3A_62, %dma_start3A_63] : memref<80x125xi32, #tpu.memory_space<vmem>> -> memref<40x125xi32, #tpu.memory_space<vmem>>
        %dma_start3A_65 = arith.constant 0 : i32
        %dma_start3A_66 = arith.constant 0 : i32
        %dma_start3A_67 = tpu.memref_slice %arg3[%add3A, %dma_start3A_65, %dma_start3A_66] : memref<32x80x125xi32, #tpu.memory_space<hbm>> -> memref<1x80x125xi32, #tpu.memory_space<hbm>>
        %dma_start3A_68 = tpu.memref_squeeze %dma_start3A_67 : memref<1x80x125xi32, #tpu.memory_space<hbm>> -> memref<80x125xi32, #tpu.memory_space<hbm>>
        %dma_start3A_69 = arith.constant 0 : i32
        %dma_start3A_70 = tpu.memref_slice %dma_start3A_68[%mul3A_26, %dma_start3A_69] : memref<80x125xi32, #tpu.memory_space<hbm>> -> memref<40x125xi32, #tpu.memory_space<hbm>>
        %dma_start3A_71 = arith.constant 0 : i32
        %dma_start3A_72 = arith.constant 0 : i32
        %dma_start3A_73 = tpu.memref_slice %arg6[%dma_start3A_71, %dma_start3A_72] : memref<80x125xi32, #tpu.memory_space<vmem>> -> memref<40x125xi32, #tpu.memory_space<vmem>>
        %dma_start3A_74 = arith.constant 0 : i32
        %dma_start3A_75 = arith.constant 0 : i32
        %dma_start3A_76 = tpu.memref_slice %arg3[%add3A, %dma_start3A_74, %dma_start3A_75] : memref<32x80x125xi32, #tpu.memory_space<hbm>> -> memref<1x80x125xi32, #tpu.memory_space<hbm>>
        %dma_start3A_77 = tpu.memref_squeeze %dma_start3A_76 : memref<1x80x125xi32, #tpu.memory_space<hbm>> -> memref<80x125xi32, #tpu.memory_space<hbm>>
        %dma_start3A_78 = arith.constant 0 : i32
        %dma_start3A_79 = tpu.memref_slice %dma_start3A_77[%mul3A_26, %dma_start3A_78] : memref<80x125xi32, #tpu.memory_space<hbm>> -> memref<40x125xi32, #tpu.memory_space<hbm>>
        tpu.enqueue_dma source(%dma_start3A_79 : memref<40x125xi32, #tpu.memory_space<hbm>>) target(%dma_start3A_73 : memref<40x125xi32, #tpu.memory_space<vmem>>) target_semaphore(%run_scoped3A_61 : memref<!tpu.dma_semaphore, #tpu.memory_space<semaphore_mem>>)
        %dma_wait3A_80 = arith.constant 0 : i32
        %dma_wait3A_81 = arith.constant 0 : i32
        %dma_wait3A_82 = tpu.memref_slice %arg6[%dma_wait3A_80, %dma_wait3A_81] : memref<80x125xi32, #tpu.memory_space<vmem>> -> memref<40x125xi32, #tpu.memory_space<vmem>>
        %dma_wait3A_83 = arith.constant 0 : i32
        %dma_wait3A_84 = arith.constant 0 : i32
        %dma_wait3A_85 = tpu.memref_slice %arg3[%add3A, %dma_wait3A_83, %dma_wait3A_84] : memref<32x80x125xi32, #tpu.memory_space<hbm>> -> memref<1x80x125xi32, #tpu.memory_space<hbm>>
        %dma_wait3A_86 = tpu.memref_squeeze %dma_wait3A_85 : memref<1x80x125xi32, #tpu.memory_space<hbm>> -> memref<80x125xi32, #tpu.memory_space<hbm>>
        %dma_wait3A_87 = arith.constant 0 : i32
        %dma_wait3A_88 = tpu.memref_slice %dma_wait3A_86[%mul3A_26, %dma_wait3A_87] : memref<80x125xi32, #tpu.memory_space<hbm>> -> memref<40x125xi32, #tpu.memory_space<hbm>>
        %dma_wait3A_89 = arith.constant 0 : i32
        %dma_wait3A_90 = arith.constant 0 : i32
        %dma_wait3A_91 = tpu.memref_slice %arg6[%dma_wait3A_89, %dma_wait3A_90] : memref<80x125xi32, #tpu.memory_space<vmem>> -> memref<40x125xi32, #tpu.memory_space<vmem>>
        %dma_wait3A_92 = arith.constant 0 : i32
        %dma_wait3A_93 = arith.constant 0 : i32
        %dma_wait3A_94 = tpu.memref_slice %arg3[%add3A, %dma_wait3A_92, %dma_wait3A_93] : memref<32x80x125xi32, #tpu.memory_space<hbm>> -> memref<1x80x125xi32, #tpu.memory_space<hbm>>
        %dma_wait3A_95 = tpu.memref_squeeze %dma_wait3A_94 : memref<1x80x125xi32, #tpu.memory_space<hbm>> -> memref<80x125xi32, #tpu.memory_space<hbm>>
        %dma_wait3A_96 = arith.constant 0 : i32
        %dma_wait3A_97 = tpu.memref_slice %dma_wait3A_95[%mul3A_26, %dma_wait3A_96] : memref<80x125xi32, #tpu.memory_space<hbm>> -> memref<40x125xi32, #tpu.memory_space<hbm>>
        tpu.wait_dma2 semaphore(%run_scoped3A_61 : memref<!tpu.dma_semaphore, #tpu.memory_space<semaphore_mem>>) src(%dma_wait3A_97 : memref<40x125xi32, #tpu.memory_space<hbm>>) dst(%dma_wait3A_91 : memref<40x125xi32, #tpu.memory_space<vmem>>)
        tpu.yield
      }) : () -> ()
      %mul3A_27 = arith.constant 40 : i32
      %mul3A_28 = arith.muli %add3A_24, %mul3A_27 : i32
      "tpu.region"() ({
        %run_scoped3A_61 = tpu.sem_alloc : memref<!tpu.dma_semaphore, #tpu.memory_space<semaphore_mem>>
        %dma_start3A_62 = arith.constant 40 : i32
        %dma_start3A_63 = arith.constant 0 : i32
        %dma_start3A_64 = tpu.memref_slice %arg6[%dma_start3A_62, %dma_start3A_63] : memref<80x125xi32, #tpu.memory_space<vmem>> -> memref<40x125xi32, #tpu.memory_space<vmem>>
        %dma_start3A_65 = arith.constant 0 : i32
        %dma_start3A_66 = arith.constant 0 : i32
        %dma_start3A_67 = tpu.memref_slice %arg4[%add3A, %dma_start3A_65, %dma_start3A_66] : memref<32x80x125xi32, #tpu.memory_space<hbm>> -> memref<1x80x125xi32, #tpu.memory_space<hbm>>
        %dma_start3A_68 = tpu.memref_squeeze %dma_start3A_67 : memref<1x80x125xi32, #tpu.memory_space<hbm>> -> memref<80x125xi32, #tpu.memory_space<hbm>>
        %dma_start3A_69 = arith.constant 0 : i32
        %dma_start3A_70 = tpu.memref_slice %dma_start3A_68[%mul3A_28, %dma_start3A_69] : memref<80x125xi32, #tpu.memory_space<hbm>> -> memref<40x125xi32, #tpu.memory_space<hbm>>
        %dma_start3A_71 = arith.constant 40 : i32
        %dma_start3A_72 = arith.constant 0 : i32
        %dma_start3A_73 = tpu.memref_slice %arg6[%dma_start3A_71, %dma_start3A_72] : memref<80x125xi32, #tpu.memory_space<vmem>> -> memref<40x125xi32, #tpu.memory_space<vmem>>
        %dma_start3A_74 = arith.constant 0 : i32
        %dma_start3A_75 = arith.constant 0 : i32
        %dma_start3A_76 = tpu.memref_slice %arg4[%add3A, %dma_start3A_74, %dma_start3A_75] : memref<32x80x125xi32, #tpu.memory_space<hbm>> -> memref<1x80x125xi32, #tpu.memory_space<hbm>>
        %dma_start3A_77 = tpu.memref_squeeze %dma_start3A_76 : memref<1x80x125xi32, #tpu.memory_space<hbm>> -> memref<80x125xi32, #tpu.memory_space<hbm>>
        %dma_start3A_78 = arith.constant 0 : i32
        %dma_start3A_79 = tpu.memref_slice %dma_start3A_77[%mul3A_28, %dma_start3A_78] : memref<80x125xi32, #tpu.memory_space<hbm>> -> memref<40x125xi32, #tpu.memory_space<hbm>>
        tpu.enqueue_dma source(%dma_start3A_79 : memref<40x125xi32, #tpu.memory_space<hbm>>) target(%dma_start3A_73 : memref<40x125xi32, #tpu.memory_space<vmem>>) target_semaphore(%run_scoped3A_61 : memref<!tpu.dma_semaphore, #tpu.memory_space<semaphore_mem>>)
        %dma_wait3A_80 = arith.constant 40 : i32
        %dma_wait3A_81 = arith.constant 0 : i32
        %dma_wait3A_82 = tpu.memref_slice %arg6[%dma_wait3A_80, %dma_wait3A_81] : memref<80x125xi32, #tpu.memory_space<vmem>> -> memref<40x125xi32, #tpu.memory_space<vmem>>
        %dma_wait3A_83 = arith.constant 0 : i32
        %dma_wait3A_84 = arith.constant 0 : i32
        %dma_wait3A_85 = tpu.memref_slice %arg4[%add3A, %dma_wait3A_83, %dma_wait3A_84] : memref<32x80x125xi32, #tpu.memory_space<hbm>> -> memref<1x80x125xi32, #tpu.memory_space<hbm>>
        %dma_wait3A_86 = tpu.memref_squeeze %dma_wait3A_85 : memref<1x80x125xi32, #tpu.memory_space<hbm>> -> memref<80x125xi32, #tpu.memory_space<hbm>>
        %dma_wait3A_87 = arith.constant 0 : i32
        %dma_wait3A_88 = tpu.memref_slice %dma_wait3A_86[%mul3A_28, %dma_wait3A_87] : memref<80x125xi32, #tpu.memory_space<hbm>> -> memref<40x125xi32, #tpu.memory_space<hbm>>
        %dma_wait3A_89 = arith.constant 40 : i32
        %dma_wait3A_90 = arith.constant 0 : i32
        %dma_wait3A_91 = tpu.memref_slice %arg6[%dma_wait3A_89, %dma_wait3A_90] : memref<80x125xi32, #tpu.memory_space<vmem>> -> memref<40x125xi32, #tpu.memory_space<vmem>>
        %dma_wait3A_92 = arith.constant 0 : i32
        %dma_wait3A_93 = arith.constant 0 : i32
        %dma_wait3A_94 = tpu.memref_slice %arg4[%add3A, %dma_wait3A_92, %dma_wait3A_93] : memref<32x80x125xi32, #tpu.memory_space<hbm>> -> memref<1x80x125xi32, #tpu.memory_space<hbm>>
        %dma_wait3A_95 = tpu.memref_squeeze %dma_wait3A_94 : memref<1x80x125xi32, #tpu.memory_space<hbm>> -> memref<80x125xi32, #tpu.memory_space<hbm>>
        %dma_wait3A_96 = arith.constant 0 : i32
        %dma_wait3A_97 = tpu.memref_slice %dma_wait3A_95[%mul3A_28, %dma_wait3A_96] : memref<80x125xi32, #tpu.memory_space<hbm>> -> memref<40x125xi32, #tpu.memory_space<hbm>>
        tpu.wait_dma2 semaphore(%run_scoped3A_61 : memref<!tpu.dma_semaphore, #tpu.memory_space<semaphore_mem>>) src(%dma_wait3A_97 : memref<40x125xi32, #tpu.memory_space<hbm>>) dst(%dma_wait3A_91 : memref<40x125xi32, #tpu.memory_space<vmem>>)
        tpu.yield
      }) : () -> ()
      %dma_start3A = arith.constant 0 : i32
      %dma_start3A_29 = arith.constant 0 : i32
      %dma_start3A_30 = tpu.memref_slice %arg6[%dma_start3A, %dma_start3A_29] : memref<80x125xi32, #tpu.memory_space<vmem>> -> memref<1x125xi32, #tpu.memory_space<vmem>>
      %dma_start3A_31 = tpu.memref_squeeze %dma_start3A_30 : memref<1x125xi32, #tpu.memory_space<vmem>> -> memref<125xi32, #tpu.memory_space<vmem>>
      %dma_start3A_32 = arith.constant 0 : i32
      %dma_start3A_33 = arith.constant 0 : i32
      %dma_start3A_34 = tpu.memref_slice %arg2[%dma_start3A_32, %dma_start3A_33] : memref<10240x128xf32, #tpu.memory_space<hbm>> -> memref<10240x128xf32, #tpu.memory_space<hbm>>
      tpu.enqueue_indirect_dma source(%dma_start3A_34 : memref<10240x128xf32, #tpu.memory_space<hbm>>) target(%arg7 : memref<125x128xf32, #tpu.memory_space<vmem>>) offsets(%dma_start3A_31 : memref<125xi32, #tpu.memory_space<vmem>>) semaphore(%arg10 : memref<!tpu.dma_semaphore, #tpu.memory_space<semaphore_mem>>)
      %dma_start3A_35 = arith.constant 1 : i32
      %dma_start3A_36 = arith.constant 0 : i32
      %dma_start3A_37 = tpu.memref_slice %arg6[%dma_start3A_35, %dma_start3A_36] : memref<80x125xi32, #tpu.memory_space<vmem>> -> memref<1x125xi32, #tpu.memory_space<vmem>>
      %dma_start3A_38 = tpu.memref_squeeze %dma_start3A_37 : memref<1x125xi32, #tpu.memory_space<vmem>> -> memref<125xi32, #tpu.memory_space<vmem>>
      %dma_start3A_39 = arith.constant 0 : i32
      %dma_start3A_40 = arith.constant 0 : i32
      %dma_start3A_41 = tpu.memref_slice %arg2[%dma_start3A_39, %dma_start3A_40] : memref<10240x128xf32, #tpu.memory_space<hbm>> -> memref<10240x128xf32, #tpu.memory_space<hbm>>
      tpu.enqueue_indirect_dma source(%dma_start3A_41 : memref<10240x128xf32, #tpu.memory_space<hbm>>) target(%arg8 : memref<125x128xf32, #tpu.memory_space<vmem>>) offsets(%dma_start3A_38 : memref<125xi32, #tpu.memory_space<vmem>>) semaphore(%arg11 : memref<!tpu.dma_semaphore, #tpu.memory_space<semaphore_mem>>)
      %scan3A_42 = arith.constant 0 : i32
      %scan3A_43 = arith.constant 19 : i32
      %scan3A_44 = arith.addi %scan3A_42, %scan3A_43 : i32
      %scan3A_45 = arith.constant 1 : i32
      scf.for %scan3A_61 = %scan3A_42 to %scan3A_44 step %scan3A_45  : i32 {
        %mul3A_62 = arith.constant 2 : i32
        %mul3A_63 = arith.muli %scan3A_61, %mul3A_62 : i32
        %add3A_64 = arith.constant 0 : i32
        %add3A_65 = arith.addi %add3A_64, %mul3A_63 : i32
        %dma_wait3A_66 = arith.constant 0 : i32
        %dma_wait3A_67 = tpu.memref_slice %arg6[%add3A_65, %dma_wait3A_66] : memref<80x125xi32, #tpu.memory_space<vmem>> -> memref<1x125xi32, #tpu.memory_space<vmem>>
        %dma_wait3A_68 = tpu.memref_squeeze %dma_wait3A_67 : memref<1x125xi32, #tpu.memory_space<vmem>> -> memref<125xi32, #tpu.memory_space<vmem>>
        %dma_wait3A_69 = arith.constant 0 : i32
        %dma_wait3A_70 = arith.constant 0 : i32
        %dma_wait3A_71 = tpu.memref_slice %arg2[%dma_wait3A_69, %dma_wait3A_70] : memref<10240x128xf32, #tpu.memory_space<hbm>> -> memref<10240x128xf32, #tpu.memory_space<hbm>>
        tpu.wait_indirect_dma semaphore(%arg10 : memref<!tpu.dma_semaphore, #tpu.memory_space<semaphore_mem>>) src(%dma_wait3A_71 : memref<10240x128xf32, #tpu.memory_space<hbm>>) dst(%arg7 : memref<125x128xf32, #tpu.memory_space<vmem>>)
        %add3A_72 = arith.constant 40 : i32
        %add3A_73 = arith.addi %add3A_72, %add3A_65 : i32
        %dma_start3A_74 = arith.constant 0 : i32
        %dma_start3A_75 = tpu.memref_slice %arg6[%add3A_73, %dma_start3A_74] : memref<80x125xi32, #tpu.memory_space<vmem>> -> memref<1x125xi32, #tpu.memory_space<vmem>>
        %dma_start3A_76 = tpu.memref_squeeze %dma_start3A_75 : memref<1x125xi32, #tpu.memory_space<vmem>> -> memref<125xi32, #tpu.memory_space<vmem>>
        %dma_start3A_77 = arith.constant 0 : i32
        %dma_start3A_78 = arith.constant 0 : i32
        %dma_start3A_79 = tpu.memref_slice %arg9[%dma_start3A_77, %dma_start3A_78] : memref<10240x128xf32, #tpu.memory_space<vmem_shared>> -> memref<10240x128xf32, #tpu.memory_space<vmem_shared>>
        tpu.enqueue_indirect_dma source(%arg7 : memref<125x128xf32, #tpu.memory_space<vmem>>) target(%dma_start3A_79 : memref<10240x128xf32, #tpu.memory_space<vmem_shared>>) offsets(%dma_start3A_76 : memref<125xi32, #tpu.memory_space<vmem>>) semaphore(%arg12 : memref<!tpu.dma_semaphore, #tpu.memory_space<semaphore_mem>>) {add = true}
        %add3A_80 = arith.constant 1 : i32
        %add3A_81 = arith.addi %add3A_65, %add3A_80 : i32
        %dma_wait3A_82 = arith.constant 0 : i32
        %dma_wait3A_83 = tpu.memref_slice %arg6[%add3A_81, %dma_wait3A_82] : memref<80x125xi32, #tpu.memory_space<vmem>> -> memref<1x125xi32, #tpu.memory_space<vmem>>
        %dma_wait3A_84 = tpu.memref_squeeze %dma_wait3A_83 : memref<1x125xi32, #tpu.memory_space<vmem>> -> memref<125xi32, #tpu.memory_space<vmem>>
        %dma_wait3A_85 = arith.constant 0 : i32
        %dma_wait3A_86 = arith.constant 0 : i32
        %dma_wait3A_87 = tpu.memref_slice %arg2[%dma_wait3A_85, %dma_wait3A_86] : memref<10240x128xf32, #tpu.memory_space<hbm>> -> memref<10240x128xf32, #tpu.memory_space<hbm>>
        tpu.wait_indirect_dma semaphore(%arg11 : memref<!tpu.dma_semaphore, #tpu.memory_space<semaphore_mem>>) src(%dma_wait3A_87 : memref<10240x128xf32, #tpu.memory_space<hbm>>) dst(%arg8 : memref<125x128xf32, #tpu.memory_space<vmem>>)
        %add3A_88 = arith.constant 40 : i32
        %add3A_89 = arith.addi %add3A_88, %add3A_65 : i32
        %add3A_90 = arith.constant 1 : i32
        %add3A_91 = arith.addi %add3A_89, %add3A_90 : i32
        %dma_start3A_92 = arith.constant 0 : i32
        %dma_start3A_93 = tpu.memref_slice %arg6[%add3A_91, %dma_start3A_92] : memref<80x125xi32, #tpu.memory_space<vmem>> -> memref<1x125xi32, #tpu.memory_space<vmem>>
        %dma_start3A_94 = tpu.memref_squeeze %dma_start3A_93 : memref<1x125xi32, #tpu.memory_space<vmem>> -> memref<125xi32, #tpu.memory_space<vmem>>
        %dma_start3A_95 = arith.constant 0 : i32
        %dma_start3A_96 = arith.constant 0 : i32
        %dma_start3A_97 = tpu.memref_slice %arg9[%dma_start3A_95, %dma_start3A_96] : memref<10240x128xf32, #tpu.memory_space<vmem_shared>> -> memref<10240x128xf32, #tpu.memory_space<vmem_shared>>
        tpu.enqueue_indirect_dma source(%arg8 : memref<125x128xf32, #tpu.memory_space<vmem>>) target(%dma_start3A_97 : memref<10240x128xf32, #tpu.memory_space<vmem_shared>>) offsets(%dma_start3A_94 : memref<125xi32, #tpu.memory_space<vmem>>) semaphore(%arg13 : memref<!tpu.dma_semaphore, #tpu.memory_space<semaphore_mem>>) {add = true}
        %add3A_98 = arith.constant 40 : i32
        %add3A_99 = arith.addi %add3A_98, %add3A_65 : i32
        %dma_wait3A_100 = arith.constant 0 : i32
        %dma_wait3A_101 = tpu.memref_slice %arg6[%add3A_99, %dma_wait3A_100] : memref<80x125xi32, #tpu.memory_space<vmem>> -> memref<1x125xi32, #tpu.memory_space<vmem>>
        %dma_wait3A_102 = tpu.memref_squeeze %dma_wait3A_101 : memref<1x125xi32, #tpu.memory_space<vmem>> -> memref<125xi32, #tpu.memory_space<vmem>>
        %dma_wait3A_103 = arith.constant 0 : i32
        %dma_wait3A_104 = arith.constant 0 : i32
        %dma_wait3A_105 = tpu.memref_slice %arg9[%dma_wait3A_103, %dma_wait3A_104] : memref<10240x128xf32, #tpu.memory_space<vmem_shared>> -> memref<10240x128xf32, #tpu.memory_space<vmem_shared>>
        tpu.wait_indirect_dma semaphore(%arg12 : memref<!tpu.dma_semaphore, #tpu.memory_space<semaphore_mem>>) src(%arg7 : memref<125x128xf32, #tpu.memory_space<vmem>>) dst(%dma_wait3A_105 : memref<10240x128xf32, #tpu.memory_space<vmem_shared>>)
        %add3A_106 = arith.constant 2 : i32
        %add3A_107 = arith.addi %add3A_65, %add3A_106 : i32
        %dma_start3A_108 = arith.constant 0 : i32
        %dma_start3A_109 = tpu.memref_slice %arg6[%add3A_107, %dma_start3A_108] : memref<80x125xi32, #tpu.memory_space<vmem>> -> memref<1x125xi32, #tpu.memory_space<vmem>>
        %dma_start3A_110 = tpu.memref_squeeze %dma_start3A_109 : memref<1x125xi32, #tpu.memory_space<vmem>> -> memref<125xi32, #tpu.memory_space<vmem>>
        %dma_start3A_111 = arith.constant 0 : i32
        %dma_start3A_112 = arith.constant 0 : i32
        %dma_start3A_113 = tpu.memref_slice %arg2[%dma_start3A_111, %dma_start3A_112] : memref<10240x128xf32, #tpu.memory_space<hbm>> -> memref<10240x128xf32, #tpu.memory_space<hbm>>
        tpu.enqueue_indirect_dma source(%dma_start3A_113 : memref<10240x128xf32, #tpu.memory_space<hbm>>) target(%arg7 : memref<125x128xf32, #tpu.memory_space<vmem>>) offsets(%dma_start3A_110 : memref<125xi32, #tpu.memory_space<vmem>>) semaphore(%arg10 : memref<!tpu.dma_semaphore, #tpu.memory_space<semaphore_mem>>)
        %add3A_114 = arith.constant 40 : i32
        %add3A_115 = arith.addi %add3A_114, %add3A_65 : i32
        %add3A_116 = arith.constant 1 : i32
        %add3A_117 = arith.addi %add3A_115, %add3A_116 : i32
        %dma_wait3A_118 = arith.constant 0 : i32
        %dma_wait3A_119 = tpu.memref_slice %arg6[%add3A_117, %dma_wait3A_118] : memref<80x125xi32, #tpu.memory_space<vmem>> -> memref<1x125xi32, #tpu.memory_space<vmem>>
        %dma_wait3A_120 = tpu.memref_squeeze %dma_wait3A_119 : memref<1x125xi32, #tpu.memory_space<vmem>> -> memref<125xi32, #tpu.memory_space<vmem>>
        %dma_wait3A_121 = arith.constant 0 : i32
        %dma_wait3A_122 = arith.constant 0 : i32
        %dma_wait3A_123 = tpu.memref_slice %arg9[%dma_wait3A_121, %dma_wait3A_122] : memref<10240x128xf32, #tpu.memory_space<vmem_shared>> -> memref<10240x128xf32, #tpu.memory_space<vmem_shared>>
        tpu.wait_indirect_dma semaphore(%arg13 : memref<!tpu.dma_semaphore, #tpu.memory_space<semaphore_mem>>) src(%arg8 : memref<125x128xf32, #tpu.memory_space<vmem>>) dst(%dma_wait3A_123 : memref<10240x128xf32, #tpu.memory_space<vmem_shared>>)
        %add3A_124 = arith.constant 3 : i32
        %add3A_125 = arith.addi %add3A_65, %add3A_124 : i32
        %dma_start3A_126 = arith.constant 0 : i32
        %dma_start3A_127 = tpu.memref_slice %arg6[%add3A_125, %dma_start3A_126] : memref<80x125xi32, #tpu.memory_space<vmem>> -> memref<1x125xi32, #tpu.memory_space<vmem>>
        %dma_start3A_128 = tpu.memref_squeeze %dma_start3A_127 : memref<1x125xi32, #tpu.memory_space<vmem>> -> memref<125xi32, #tpu.memory_space<vmem>>
        %dma_start3A_129 = arith.constant 0 : i32
        %dma_start3A_130 = arith.constant 0 : i32
        %dma_start3A_131 = tpu.memref_slice %arg2[%dma_start3A_129, %dma_start3A_130] : memref<10240x128xf32, #tpu.memory_space<hbm>> -> memref<10240x128xf32, #tpu.memory_space<hbm>>
        tpu.enqueue_indirect_dma source(%dma_start3A_131 : memref<10240x128xf32, #tpu.memory_space<hbm>>) target(%arg8 : memref<125x128xf32, #tpu.memory_space<vmem>>) offsets(%dma_start3A_128 : memref<125xi32, #tpu.memory_space<vmem>>) semaphore(%arg11 : memref<!tpu.dma_semaphore, #tpu.memory_space<semaphore_mem>>)
      }
      %scan3A_46 = arith.constant 19 : i32
      %dma_wait3A = arith.constant 38 : i32
      %dma_wait3A_47 = arith.constant 0 : i32
      %dma_wait3A_48 = tpu.memref_slice %arg6[%dma_wait3A, %dma_wait3A_47] : memref<80x125xi32, #tpu.memory_space<vmem>> -> memref<1x125xi32, #tpu.memory_space<vmem>>
      %dma_wait3A_49 = tpu.memref_squeeze %dma_wait3A_48 : memref<1x125xi32, #tpu.memory_space<vmem>> -> memref<125xi32, #tpu.memory_space<vmem>>
      %dma_wait3A_50 = arith.constant 0 : i32
      %dma_wait3A_51 = arith.constant 0 : i32
      %dma_wait3A_52 = tpu.memref_slice %arg2[%dma_wait3A_50, %dma_wait3A_51] : memref<10240x128xf32, #tpu.memory_space<hbm>> -> memref<10240x128xf32, #tpu.memory_space<hbm>>
      tpu.wait_indirect_dma semaphore(%arg10 : memref<!tpu.dma_semaphore, #tpu.memory_space<semaphore_mem>>) src(%dma_wait3A_52 : memref<10240x128xf32, #tpu.memory_space<hbm>>) dst(%arg7 : memref<125x128xf32, #tpu.memory_space<vmem>>)
      %run_scoped3A = arith.constant 78 : i32
      "tpu.region"() ({
        %run_scoped3A_61 = tpu.sem_alloc : memref<!tpu.dma_semaphore, #tpu.memory_space<semaphore_mem>>
        %dma_start3A_62 = arith.constant 0 : i32
        %dma_start3A_63 = tpu.memref_slice %arg6[%run_scoped3A, %dma_start3A_62] : memref<80x125xi32, #tpu.memory_space<vmem>> -> memref<1x125xi32, #tpu.memory_space<vmem>>
        %dma_start3A_64 = tpu.memref_squeeze %dma_start3A_63 : memref<1x125xi32, #tpu.memory_space<vmem>> -> memref<125xi32, #tpu.memory_space<vmem>>
        %dma_start3A_65 = arith.constant 0 : i32
        %dma_start3A_66 = arith.constant 0 : i32
        %dma_start3A_67 = tpu.memref_slice %arg9[%dma_start3A_65, %dma_start3A_66] : memref<10240x128xf32, #tpu.memory_space<vmem_shared>> -> memref<10240x128xf32, #tpu.memory_space<vmem_shared>>
        tpu.enqueue_indirect_dma source(%arg7 : memref<125x128xf32, #tpu.memory_space<vmem>>) target(%dma_start3A_67 : memref<10240x128xf32, #tpu.memory_space<vmem_shared>>) offsets(%dma_start3A_64 : memref<125xi32, #tpu.memory_space<vmem>>) semaphore(%run_scoped3A_61 : memref<!tpu.dma_semaphore, #tpu.memory_space<semaphore_mem>>) {add = true}
        %dma_wait3A_68 = arith.constant 0 : i32
        %dma_wait3A_69 = tpu.memref_slice %arg6[%run_scoped3A, %dma_wait3A_68] : memref<80x125xi32, #tpu.memory_space<vmem>> -> memref<1x125xi32, #tpu.memory_space<vmem>>
        %dma_wait3A_70 = tpu.memref_squeeze %dma_wait3A_69 : memref<1x125xi32, #tpu.memory_space<vmem>> -> memref<125xi32, #tpu.memory_space<vmem>>
        %dma_wait3A_71 = arith.constant 0 : i32
        %dma_wait3A_72 = arith.constant 0 : i32
        %dma_wait3A_73 = tpu.memref_slice %arg9[%dma_wait3A_71, %dma_wait3A_72] : memref<10240x128xf32, #tpu.memory_space<vmem_shared>> -> memref<10240x128xf32, #tpu.memory_space<vmem_shared>>
        tpu.wait_indirect_dma semaphore(%run_scoped3A_61 : memref<!tpu.dma_semaphore, #tpu.memory_space<semaphore_mem>>) src(%arg7 : memref<125x128xf32, #tpu.memory_space<vmem>>) dst(%dma_wait3A_73 : memref<10240x128xf32, #tpu.memory_space<vmem_shared>>)
        tpu.yield
      }) : () -> ()
      %dma_wait3A_53 = arith.constant 39 : i32
      %dma_wait3A_54 = arith.constant 0 : i32
      %dma_wait3A_55 = tpu.memref_slice %arg6[%dma_wait3A_53, %dma_wait3A_54] : memref<80x125xi32, #tpu.memory_space<vmem>> -> memref<1x125xi32, #tpu.memory_space<vmem>>
      %dma_wait3A_56 = tpu.memref_squeeze %dma_wait3A_55 : memref<1x125xi32, #tpu.memory_space<vmem>> -> memref<125xi32, #tpu.memory_space<vmem>>
      %dma_wait3A_57 = arith.constant 0 : i32
      %dma_wait3A_58 = arith.constant 0 : i32
      %dma_wait3A_59 = tpu.memref_slice %arg2[%dma_wait3A_57, %dma_wait3A_58] : memref<10240x128xf32, #tpu.memory_space<hbm>> -> memref<10240x128xf32, #tpu.memory_space<hbm>>
      tpu.wait_indirect_dma semaphore(%arg11 : memref<!tpu.dma_semaphore, #tpu.memory_space<semaphore_mem>>) src(%dma_wait3A_59 : memref<10240x128xf32, #tpu.memory_space<hbm>>) dst(%arg8 : memref<125x128xf32, #tpu.memory_space<vmem>>)
      %run_scoped3A_60 = arith.constant 79 : i32
      "tpu.region"() ({
        %run_scoped3A_61 = tpu.sem_alloc : memref<!tpu.dma_semaphore, #tpu.memory_space<semaphore_mem>>
        %dma_start3A_62 = arith.constant 0 : i32
        %dma_start3A_63 = tpu.memref_slice %arg6[%run_scoped3A_60, %dma_start3A_62] : memref<80x125xi32, #tpu.memory_space<vmem>> -> memref<1x125xi32, #tpu.memory_space<vmem>>
        %dma_start3A_64 = tpu.memref_squeeze %dma_start3A_63 : memref<1x125xi32, #tpu.memory_space<vmem>> -> memref<125xi32, #tpu.memory_space<vmem>>
        %dma_start3A_65 = arith.constant 0 : i32
        %dma_start3A_66 = arith.constant 0 : i32
        %dma_start3A_67 = tpu.memref_slice %arg9[%dma_start3A_65, %dma_start3A_66] : memref<10240x128xf32, #tpu.memory_space<vmem_shared>> -> memref<10240x128xf32, #tpu.memory_space<vmem_shared>>
        tpu.enqueue_indirect_dma source(%arg8 : memref<125x128xf32, #tpu.memory_space<vmem>>) target(%dma_start3A_67 : memref<10240x128xf32, #tpu.memory_space<vmem_shared>>) offsets(%dma_start3A_64 : memref<125xi32, #tpu.memory_space<vmem>>) semaphore(%run_scoped3A_61 : memref<!tpu.dma_semaphore, #tpu.memory_space<semaphore_mem>>) {add = true}
        %dma_wait3A_68 = arith.constant 0 : i32
        %dma_wait3A_69 = tpu.memref_slice %arg6[%run_scoped3A_60, %dma_wait3A_68] : memref<80x125xi32, #tpu.memory_space<vmem>> -> memref<1x125xi32, #tpu.memory_space<vmem>>
        %dma_wait3A_70 = tpu.memref_squeeze %dma_wait3A_69 : memref<1x125xi32, #tpu.memory_space<vmem>> -> memref<125xi32, #tpu.memory_space<vmem>>
        %dma_wait3A_71 = arith.constant 0 : i32
        %dma_wait3A_72 = arith.constant 0 : i32
        %dma_wait3A_73 = tpu.memref_slice %arg9[%dma_wait3A_71, %dma_wait3A_72] : memref<10240x128xf32, #tpu.memory_space<vmem_shared>> -> memref<10240x128xf32, #tpu.memory_space<vmem_shared>>
        tpu.wait_indirect_dma semaphore(%run_scoped3A_61 : memref<!tpu.dma_semaphore, #tpu.memory_space<semaphore_mem>>) src(%arg8 : memref<125x128xf32, #tpu.memory_space<vmem>>) dst(%dma_wait3A_73 : memref<10240x128xf32, #tpu.memory_space<vmem_shared>>)
        tpu.yield
      }) : () -> ()
    }
    %scan3A_14 = arith.constant 2 : i32
    %barrier3A_15 = arith.constant 0 : index
    tpu.barrier barrier_id(%barrier3A_15)
    %mul3A_16 = arith.constant 640 : i32
    %mul3A_17 = arith.muli %arg1, %mul3A_16 : i32
    %mul3A_18 = arith.constant 640 : i32
    %mul3A_19 = arith.muli %arg1, %mul3A_18 : i32
    "tpu.region"() ({
      %run_scoped3A = tpu.sem_alloc : memref<!tpu.dma_semaphore, #tpu.memory_space<semaphore_mem>>
      %dma_start3A = arith.constant 0 : i32
      %dma_start3A_20 = arith.constant 0 : i32
      %dma_start3A_21 = tpu.memref_slice %arg5[%arg0, %dma_start3A, %dma_start3A_20] : memref<2x10240x128xf32, #tpu.memory_space<hbm>> -> memref<1x10240x128xf32, #tpu.memory_space<hbm>>
      %dma_start3A_22 = tpu.memref_squeeze %dma_start3A_21 : memref<1x10240x128xf32, #tpu.memory_space<hbm>> -> memref<10240x128xf32, #tpu.memory_space<hbm>>
      %dma_start3A_23 = arith.constant 0 : i32
      %dma_start3A_24 = tpu.memref_slice %dma_start3A_22[%mul3A_19, %dma_start3A_23] : memref<10240x128xf32, #tpu.memory_space<hbm>> -> memref<640x128xf32, #tpu.memory_space<hbm>>
      %dma_start3A_25 = arith.constant 0 : i32
      %dma_start3A_26 = tpu.memref_slice %arg9[%mul3A_17, %dma_start3A_25] : memref<10240x128xf32, #tpu.memory_space<vmem_shared>> -> memref<640x128xf32, #tpu.memory_space<vmem_shared>>
      tpu.enqueue_dma source(%dma_start3A_26 : memref<640x128xf32, #tpu.memory_space<vmem_shared>>) target(%dma_start3A_24 : memref<640x128xf32, #tpu.memory_space<hbm>>) target_semaphore(%run_scoped3A : memref<!tpu.dma_semaphore, #tpu.memory_space<semaphore_mem>>)
      %dma_wait3A = arith.constant 0 : i32
      %dma_wait3A_27 = arith.constant 0 : i32
      %dma_wait3A_28 = tpu.memref_slice %arg5[%arg0, %dma_wait3A, %dma_wait3A_27] : memref<2x10240x128xf32, #tpu.memory_space<hbm>> -> memref<1x10240x128xf32, #tpu.memory_space<hbm>>
      %dma_wait3A_29 = tpu.memref_squeeze %dma_wait3A_28 : memref<1x10240x128xf32, #tpu.memory_space<hbm>> -> memref<10240x128xf32, #tpu.memory_space<hbm>>
      %dma_wait3A_30 = arith.constant 0 : i32
      %dma_wait3A_31 = tpu.memref_slice %dma_wait3A_29[%mul3A_19, %dma_wait3A_30] : memref<10240x128xf32, #tpu.memory_space<hbm>> -> memref<640x128xf32, #tpu.memory_space<hbm>>
      %dma_wait3A_32 = arith.constant 0 : i32
      %dma_wait3A_33 = tpu.memref_slice %arg9[%mul3A_17, %dma_wait3A_32] : memref<10240x128xf32, #tpu.memory_space<vmem_shared>> -> memref<640x128xf32, #tpu.memory_space<vmem_shared>>
      tpu.wait_dma2 semaphore(%run_scoped3A : memref<!tpu.dma_semaphore, #tpu.memory_space<semaphore_mem>>) src(%dma_wait3A_33 : memref<640x128xf32, #tpu.memory_space<vmem_shared>>) dst(%dma_wait3A_31 : memref<640x128xf32, #tpu.memory_space<hbm>>)
      tpu.yield
    }) : () -> ()
    return
  }
}

#map = affine_map<(d0, d1) -> (0, 0, 0)>
module attributes {stable_mosaic.version = 14 : i64} {
  func.func @_sc_deg_body(%arg0: i32, %arg1: i32, %arg2: memref<32x80x125xi32, #tpu.memory_space<hbm>>, %arg3: memref<2x10240x16xf32, #tpu.memory_space<hbm>>, %arg4: memref<80x125xi32, #tpu.memory_space<vmem>>, %arg5: memref<125x16xf32, #tpu.memory_space<vmem>>, %arg6: memref<64x16xf32, #tpu.memory_space<vmem>>, %arg7: memref<10240x16xf32, #tpu.memory_space<vmem_shared>>) attributes {dimension_semantics = [#tpu.dimension_semantics<core_parallel>, #tpu.dimension_semantics<subcore_parallel>], iteration_bounds = array<i64: 2, 16>, scalar_prefetch = 0 : i64, scratch_operands = 4 : i64, tpu.core_type = #tpu.core_type<sc_vector_subcore>, window_params = [{transform_indices = #map}, {transform_indices = #map}]} {
    %mul3A = arith.constant 2 : i32
    %mul3A_0 = arith.muli %arg1, %mul3A : i32
    %add3A = arith.addi %mul3A_0, %arg0 : i32
    %scan3A = arith.constant 0 : i32
    %scan3A_1 = arith.constant 64 : i32
    %scan3A_2 = arith.addi %scan3A, %scan3A_1 : i32
    %scan3A_3 = arith.constant 1 : i32
    scf.for %scan3A_25 = %scan3A to %scan3A_2 step %scan3A_3  : i32 {
      %mul3A_26 = arith.constant 1 : i32
      %mul3A_27 = arith.muli %scan3A_25, %mul3A_26 : i32
      %add3A_28 = arith.constant 0 : i32
      %add3A_29 = arith.addi %add3A_28, %mul3A_27 : i32
      %broadcast_in_dim3A = arith.constant 0.000000e+00 : f32
      %broadcast_in_dim3A_30 = vector.broadcast %broadcast_in_dim3A : f32 to vector<16xf32>
      %swap3A = arith.index_cast %add3A_29 : i32 to index
      %swap3A_31 = arith.constant 0 : index
      %swap3A_32 = tpu.vector_load %arg6[%swap3A, %swap3A_31] {strides = array<i32>} : memref<64x16xf32, #tpu.memory_space<vmem>>, vector<1x16xf32>,
      %swap3A_33 = vector.shape_cast %swap3A_32 : vector<1x16xf32> to vector<16xf32>
      %swap3A_34 = vector.shape_cast %broadcast_in_dim3A_30 : vector<16xf32> to vector<1x16xf32>
      tpu.vector_store %arg6[%swap3A, %swap3A_31], %swap3A_34 {strides = array<i32>} : memref<64x16xf32, #tpu.memory_space<vmem>>, vector<1x16xf32>,
    }
    %scan3A_4 = arith.constant 64 : i32
    %scan3A_5 = arith.constant 0 : i32
    %scan3A_6 = arith.constant 125 : i32
    %scan3A_7 = arith.addi %scan3A_5, %scan3A_6 : i32
    %scan3A_8 = arith.constant 1 : i32
    scf.for %scan3A_25 = %scan3A_5 to %scan3A_7 step %scan3A_8  : i32 {
      %mul3A_26 = arith.constant 1 : i32
      %mul3A_27 = arith.muli %scan3A_25, %mul3A_26 : i32
      %add3A_28 = arith.constant 0 : i32
      %add3A_29 = arith.addi %add3A_28, %mul3A_27 : i32
      %broadcast_in_dim3A = arith.constant 1.000000e+00 : f32
      %broadcast_in_dim3A_30 = vector.broadcast %broadcast_in_dim3A : f32 to vector<16xf32>
      %swap3A = arith.index_cast %add3A_29 : i32 to index
      %swap3A_31 = arith.constant 0 : index
      %swap3A_32 = tpu.vector_load %arg5[%swap3A, %swap3A_31] {strides = array<i32>} : memref<125x16xf32, #tpu.memory_space<vmem>>, vector<1x16xf32>,
      %swap3A_33 = vector.shape_cast %swap3A_32 : vector<1x16xf32> to vector<16xf32>
      %swap3A_34 = vector.shape_cast %broadcast_in_dim3A_30 : vector<16xf32> to vector<1x16xf32>
      tpu.vector_store %arg5[%swap3A, %swap3A_31], %swap3A_34 {strides = array<i32>} : memref<125x16xf32, #tpu.memory_space<vmem>>, vector<1x16xf32>,
    }
    %scan3A_9 = arith.constant 125 : i32
    %scan3A_10 = arith.constant 0 : i32
    %scan3A_11 = arith.constant 10 : i32
    %scan3A_12 = arith.addi %scan3A_10, %scan3A_11 : i32
    %scan3A_13 = arith.constant 1 : i32
    scf.for %scan3A_25 = %scan3A_10 to %scan3A_12 step %scan3A_13  : i32 {
      %mul3A_26 = arith.constant 64 : i32
      %mul3A_27 = arith.muli %scan3A_25, %mul3A_26 : i32
      %add3A_28 = arith.constant 0 : i32
      %add3A_29 = arith.addi %add3A_28, %mul3A_27 : i32
      %mul3A_30 = arith.constant 640 : i32
      %mul3A_31 = arith.muli %arg1, %mul3A_30 : i32
      %add3A_32 = arith.addi %mul3A_31, %add3A_29 : i32
      "tpu.region"() ({
        %run_scoped3A = tpu.sem_alloc : memref<!tpu.dma_semaphore, #tpu.memory_space<semaphore_mem>>
        %dma_start3A = arith.constant 0 : i32
        %dma_start3A_33 = tpu.memref_slice %arg7[%add3A_32, %dma_start3A] : memref<10240x16xf32, #tpu.memory_space<vmem_shared>> -> memref<64x16xf32, #tpu.memory_space<vmem_shared>>
        %dma_start3A_34 = arith.constant 0 : i32
        %dma_start3A_35 = tpu.memref_slice %arg7[%add3A_32, %dma_start3A_34] : memref<10240x16xf32, #tpu.memory_space<vmem_shared>> -> memref<64x16xf32, #tpu.memory_space<vmem_shared>>
        tpu.enqueue_dma source(%arg6 : memref<64x16xf32, #tpu.memory_space<vmem>>) target(%dma_start3A_35 : memref<64x16xf32, #tpu.memory_space<vmem_shared>>) target_semaphore(%run_scoped3A : memref<!tpu.dma_semaphore, #tpu.memory_space<semaphore_mem>>)
        %dma_wait3A = arith.constant 0 : i32
        %dma_wait3A_36 = tpu.memref_slice %arg7[%add3A_32, %dma_wait3A] : memref<10240x16xf32, #tpu.memory_space<vmem_shared>> -> memref<64x16xf32, #tpu.memory_space<vmem_shared>>
        %dma_wait3A_37 = arith.constant 0 : i32
        %dma_wait3A_38 = tpu.memref_slice %arg7[%add3A_32, %dma_wait3A_37] : memref<10240x16xf32, #tpu.memory_space<vmem_shared>> -> memref<64x16xf32, #tpu.memory_space<vmem_shared>>
        tpu.wait_dma2 semaphore(%run_scoped3A : memref<!tpu.dma_semaphore, #tpu.memory_space<semaphore_mem>>) src(%arg6 : memref<64x16xf32, #tpu.memory_space<vmem>>) dst(%dma_wait3A_38 : memref<64x16xf32, #tpu.memory_space<vmem_shared>>)
        tpu.yield
      }) : () -> ()
    }
    %scan3A_14 = arith.constant 10 : i32
    %barrier3A = arith.constant 0 : index
    tpu.barrier barrier_id(%barrier3A)
    "tpu.region"() ({
      %run_scoped3A = tpu.sem_alloc : memref<!tpu.dma_semaphore, #tpu.memory_space<semaphore_mem>>
      %dma_start3A = arith.constant 0 : i32
      %dma_start3A_25 = arith.constant 0 : i32
      %dma_start3A_26 = tpu.memref_slice %arg2[%add3A, %dma_start3A, %dma_start3A_25] : memref<32x80x125xi32, #tpu.memory_space<hbm>> -> memref<1x80x125xi32, #tpu.memory_space<hbm>>
      %dma_start3A_27 = tpu.memref_squeeze %dma_start3A_26 : memref<1x80x125xi32, #tpu.memory_space<hbm>> -> memref<80x125xi32, #tpu.memory_space<hbm>>
      %dma_start3A_28 = arith.constant 0 : i32
      %dma_start3A_29 = arith.constant 0 : i32
      %dma_start3A_30 = tpu.memref_slice %arg2[%add3A, %dma_start3A_28, %dma_start3A_29] : memref<32x80x125xi32, #tpu.memory_space<hbm>> -> memref<1x80x125xi32, #tpu.memory_space<hbm>>
      %dma_start3A_31 = tpu.memref_squeeze %dma_start3A_30 : memref<1x80x125xi32, #tpu.memory_space<hbm>> -> memref<80x125xi32, #tpu.memory_space<hbm>>
      tpu.enqueue_dma source(%dma_start3A_31 : memref<80x125xi32, #tpu.memory_space<hbm>>) target(%arg4 : memref<80x125xi32, #tpu.memory_space<vmem>>) target_semaphore(%run_scoped3A : memref<!tpu.dma_semaphore, #tpu.memory_space<semaphore_mem>>)
      %dma_wait3A = arith.constant 0 : i32
      %dma_wait3A_32 = arith.constant 0 : i32
      %dma_wait3A_33 = tpu.memref_slice %arg2[%add3A, %dma_wait3A, %dma_wait3A_32] : memref<32x80x125xi32, #tpu.memory_space<hbm>> -> memref<1x80x125xi32, #tpu.memory_space<hbm>>
      %dma_wait3A_34 = tpu.memref_squeeze %dma_wait3A_33 : memref<1x80x125xi32, #tpu.memory_space<hbm>> -> memref<80x125xi32, #tpu.memory_space<hbm>>
      %dma_wait3A_35 = arith.constant 0 : i32
      %dma_wait3A_36 = arith.constant 0 : i32
      %dma_wait3A_37 = tpu.memref_slice %arg2[%add3A, %dma_wait3A_35, %dma_wait3A_36] : memref<32x80x125xi32, #tpu.memory_space<hbm>> -> memref<1x80x125xi32, #tpu.memory_space<hbm>>
      %dma_wait3A_38 = tpu.memref_squeeze %dma_wait3A_37 : memref<1x80x125xi32, #tpu.memory_space<hbm>> -> memref<80x125xi32, #tpu.memory_space<hbm>>
      tpu.wait_dma2 semaphore(%run_scoped3A : memref<!tpu.dma_semaphore, #tpu.memory_space<semaphore_mem>>) src(%dma_wait3A_38 : memref<80x125xi32, #tpu.memory_space<hbm>>) dst(%arg4 : memref<80x125xi32, #tpu.memory_space<vmem>>)
      tpu.yield
    }) : () -> ()
    %scan3A_15 = arith.constant 0 : i32
    %scan3A_16 = arith.constant 80 : i32
    %scan3A_17 = arith.addi %scan3A_15, %scan3A_16 : i32
    %scan3A_18 = arith.constant 1 : i32
    scf.for %scan3A_25 = %scan3A_15 to %scan3A_17 step %scan3A_18  : i32 {
      %mul3A_26 = arith.constant 1 : i32
      %mul3A_27 = arith.muli %scan3A_25, %mul3A_26 : i32
      %add3A_28 = arith.constant 0 : i32
      %add3A_29 = arith.addi %add3A_28, %mul3A_27 : i32
      "tpu.region"() ({
        %run_scoped3A = tpu.sem_alloc : memref<!tpu.dma_semaphore, #tpu.memory_space<semaphore_mem>>
        %dma_start3A = arith.constant 0 : i32
        %dma_start3A_30 = tpu.memref_slice %arg4[%add3A_29, %dma_start3A] : memref<80x125xi32, #tpu.memory_space<vmem>> -> memref<1x125xi32, #tpu.memory_space<vmem>>
        %dma_start3A_31 = tpu.memref_squeeze %dma_start3A_30 : memref<1x125xi32, #tpu.memory_space<vmem>> -> memref<125xi32, #tpu.memory_space<vmem>>
        %dma_start3A_32 = arith.constant 0 : i32
        %dma_start3A_33 = arith.constant 0 : i32
        %dma_start3A_34 = tpu.memref_slice %arg7[%dma_start3A_32, %dma_start3A_33] : memref<10240x16xf32, #tpu.memory_space<vmem_shared>> -> memref<10240x16xf32, #tpu.memory_space<vmem_shared>>
        tpu.enqueue_indirect_dma source(%arg5 : memref<125x16xf32, #tpu.memory_space<vmem>>) target(%dma_start3A_34 : memref<10240x16xf32, #tpu.memory_space<vmem_shared>>) offsets(%dma_start3A_31 : memref<125xi32, #tpu.memory_space<vmem>>) semaphore(%run_scoped3A : memref<!tpu.dma_semaphore, #tpu.memory_space<semaphore_mem>>) {add = true}
        %dma_wait3A = arith.constant 0 : i32
        %dma_wait3A_35 = tpu.memref_slice %arg4[%add3A_29, %dma_wait3A] : memref<80x125xi32, #tpu.memory_space<vmem>> -> memref<1x125xi32, #tpu.memory_space<vmem>>
        %dma_wait3A_36 = tpu.memref_squeeze %dma_wait3A_35 : memref<1x125xi32, #tpu.memory_space<vmem>> -> memref<125xi32, #tpu.memory_space<vmem>>
        %dma_wait3A_37 = arith.constant 0 : i32
        %dma_wait3A_38 = arith.constant 0 : i32
        %dma_wait3A_39 = tpu.memref_slice %arg7[%dma_wait3A_37, %dma_wait3A_38] : memref<10240x16xf32, #tpu.memory_space<vmem_shared>> -> memref<10240x16xf32, #tpu.memory_space<vmem_shared>>
        tpu.wait_indirect_dma semaphore(%run_scoped3A : memref<!tpu.dma_semaphore, #tpu.memory_space<semaphore_mem>>) src(%arg5 : memref<125x16xf32, #tpu.memory_space<vmem>>) dst(%dma_wait3A_39 : memref<10240x16xf32, #tpu.memory_space<vmem_shared>>)
        tpu.yield
      }) : () -> ()
    }
    %scan3A_19 = arith.constant 80 : i32
    %barrier3A_20 = arith.constant 0 : index
    tpu.barrier barrier_id(%barrier3A_20)
    %mul3A_21 = arith.constant 640 : i32
    %mul3A_22 = arith.muli %arg1, %mul3A_21 : i32
    %mul3A_23 = arith.constant 640 : i32
    %mul3A_24 = arith.muli %arg1, %mul3A_23 : i32
    "tpu.region"() ({
      %run_scoped3A = tpu.sem_alloc : memref<!tpu.dma_semaphore, #tpu.memory_space<semaphore_mem>>
      %dma_start3A = arith.constant 0 : i32
      %dma_start3A_25 = arith.constant 0 : i32
      %dma_start3A_26 = tpu.memref_slice %arg3[%arg0, %dma_start3A, %dma_start3A_25] : memref<2x10240x16xf32, #tpu.memory_space<hbm>> -> memref<1x10240x16xf32, #tpu.memory_space<hbm>>
      %dma_start3A_27 = tpu.memref_squeeze %dma_start3A_26 : memref<1x10240x16xf32, #tpu.memory_space<hbm>> -> memref<10240x16xf32, #tpu.memory_space<hbm>>
      %dma_start3A_28 = arith.constant 0 : i32
      %dma_start3A_29 = tpu.memref_slice %dma_start3A_27[%mul3A_24, %dma_start3A_28] : memref<10240x16xf32, #tpu.memory_space<hbm>> -> memref<640x16xf32, #tpu.memory_space<hbm>>
      %dma_start3A_30 = arith.constant 0 : i32
      %dma_start3A_31 = tpu.memref_slice %arg7[%mul3A_22, %dma_start3A_30] : memref<10240x16xf32, #tpu.memory_space<vmem_shared>> -> memref<640x16xf32, #tpu.memory_space<vmem_shared>>
      tpu.enqueue_dma source(%dma_start3A_31 : memref<640x16xf32, #tpu.memory_space<vmem_shared>>) target(%dma_start3A_29 : memref<640x16xf32, #tpu.memory_space<hbm>>) target_semaphore(%run_scoped3A : memref<!tpu.dma_semaphore, #tpu.memory_space<semaphore_mem>>)
      %dma_wait3A = arith.constant 0 : i32
      %dma_wait3A_32 = arith.constant 0 : i32
      %dma_wait3A_33 = tpu.memref_slice %arg3[%arg0, %dma_wait3A, %dma_wait3A_32] : memref<2x10240x16xf32, #tpu.memory_space<hbm>> -> memref<1x10240x16xf32, #tpu.memory_space<hbm>>
      %dma_wait3A_34 = tpu.memref_squeeze %dma_wait3A_33 : memref<1x10240x16xf32, #tpu.memory_space<hbm>> -> memref<10240x16xf32, #tpu.memory_space<hbm>>
      %dma_wait3A_35 = arith.constant 0 : i32
      %dma_wait3A_36 = tpu.memref_slice %dma_wait3A_34[%mul3A_24, %dma_wait3A_35] : memref<10240x16xf32, #tpu.memory_space<hbm>> -> memref<640x16xf32, #tpu.memory_space<hbm>>
      %dma_wait3A_37 = arith.constant 0 : i32
      %dma_wait3A_38 = tpu.memref_slice %arg7[%mul3A_22, %dma_wait3A_37] : memref<10240x16xf32, #tpu.memory_space<vmem_shared>> -> memref<640x16xf32, #tpu.memory_space<vmem_shared>>
      tpu.wait_dma2 semaphore(%run_scoped3A : memref<!tpu.dma_semaphore, #tpu.memory_space<semaphore_mem>>) src(%dma_wait3A_38 : memref<640x16xf32, #tpu.memory_space<vmem_shared>>) dst(%dma_wait3A_36 : memref<640x16xf32, #tpu.memory_space<hbm>>)
      tpu.yield
    }) : () -> ()
    return
  }
}

#map = affine_map<(d0, d1) -> (0, 0)>
#map1 = affine_map<(d0, d1) -> (0, 0, 0)>
module attributes {stable_mosaic.version = 14 : i64} {
  func.func @_sc_edge_body(%arg0: i32, %arg1: i32, %arg2: memref<10240x128xf32, #tpu.memory_space<hbm>>, %arg3: memref<32x80x125xi32, #tpu.memory_space<hbm>>, %arg4: memref<32x80x125xi32, #tpu.memory_space<hbm>>, %arg5: memref<2x10240x128xf32, #tpu.memory_space<hbm>>, %arg6: memref<80x125xi32, #tpu.memory_space<vmem>>, %arg7: memref<125x128xf32, #tpu.memory_space<vmem>>, %arg8: memref<125x128xf32, #tpu.memory_space<vmem>>, %arg9: memref<10240x128xf32, #tpu.memory_space<vmem_shared>>, %arg10: memref<!tpu.dma_semaphore, #tpu.memory_space<semaphore_mem>>, %arg11: memref<!tpu.dma_semaphore, #tpu.memory_space<semaphore_mem>>, %arg12: memref<!tpu.dma_semaphore, #tpu.memory_space<semaphore_mem>>, %arg13: memref<!tpu.dma_semaphore, #tpu.memory_space<semaphore_mem>>) attributes {dimension_semantics = [#tpu.dimension_semantics<core_parallel>, #tpu.dimension_semantics<subcore_parallel>], iteration_bounds = array<i64: 2, 16>, scalar_prefetch = 0 : i64, scratch_operands = 8 : i64, tpu.core_type = #tpu.core_type<sc_vector_subcore>, window_params = [{transform_indices = #map}, {transform_indices = #map1}, {transform_indices = #map1}, {transform_indices = #map1}]} {
    %mul3A = arith.constant 2 : i32
    %mul3A_0 = arith.muli %arg1, %mul3A : i32
    %add3A = arith.addi %mul3A_0, %arg0 : i32
    %scan3A = arith.constant 0 : i32
    %scan3A_1 = arith.constant 64 : i32
    %scan3A_2 = arith.addi %scan3A, %scan3A_1 : i32
    %scan3A_3 = arith.constant 1 : i32
    scf.for %scan3A_20 = %scan3A to %scan3A_2 step %scan3A_3  : i32 {
      %mul3A_21 = arith.constant 1 : i32
      %mul3A_22 = arith.muli %scan3A_20, %mul3A_21 : i32
      %add3A_23 = arith.constant 0 : i32
      %add3A_24 = arith.addi %add3A_23, %mul3A_22 : i32
      %scan3A_25 = arith.constant 0 : i32
      %scan3A_26 = arith.constant 8 : i32
      %scan3A_27 = arith.addi %scan3A_25, %scan3A_26 : i32
      %scan3A_28 = arith.constant 1 : i32
      scf.for %scan3A_30 = %scan3A_25 to %scan3A_27 step %scan3A_28  : i32 {
        %mul3A_31 = arith.constant 16 : i32
        %mul3A_32 = arith.muli %scan3A_30, %mul3A_31 : i32
        %add3A_33 = arith.constant 0 : i32
        %add3A_34 = arith.addi %add3A_33, %mul3A_32 : i32
        %broadcast_in_dim3A = arith.constant 0.000000e+00 : f32
        %broadcast_in_dim3A_35 = vector.broadcast %broadcast_in_dim3A : f32 to vector<16xf32>
        %swap3A = arith.index_cast %add3A_24 : i32 to index
        %swap3A_36 = arith.index_cast %add3A_34 : i32 to index
        %swap3A_37 = tpu.vector_load %arg7[%swap3A, %swap3A_36] {strides = array<i32>} : memref<125x128xf32, #tpu.memory_space<vmem>>, vector<1x16xf32>,
        %swap3A_38 = vector.shape_cast %swap3A_37 : vector<1x16xf32> to vector<16xf32>
        %swap3A_39 = vector.shape_cast %broadcast_in_dim3A_35 : vector<16xf32> to vector<1x16xf32>
        tpu.vector_store %arg7[%swap3A, %swap3A_36], %swap3A_39 {strides = array<i32>} : memref<125x128xf32, #tpu.memory_space<vmem>>, vector<1x16xf32>,
      }
      %scan3A_29 = arith.constant 8 : i32
    }
    %scan3A_4 = arith.constant 64 : i32
    %scan3A_5 = arith.constant 0 : i32
    %scan3A_6 = arith.constant 10 : i32
    %scan3A_7 = arith.addi %scan3A_5, %scan3A_6 : i32
    %scan3A_8 = arith.constant 1 : i32
    scf.for %scan3A_20 = %scan3A_5 to %scan3A_7 step %scan3A_8  : i32 {
      %mul3A_21 = arith.constant 64 : i32
      %mul3A_22 = arith.muli %scan3A_20, %mul3A_21 : i32
      %add3A_23 = arith.constant 0 : i32
      %add3A_24 = arith.addi %add3A_23, %mul3A_22 : i32
      %mul3A_25 = arith.constant 640 : i32
      %mul3A_26 = arith.muli %arg1, %mul3A_25 : i32
      %add3A_27 = arith.addi %mul3A_26, %add3A_24 : i32
      "tpu.region"() ({
        %run_scoped3A = tpu.sem_alloc : memref<!tpu.dma_semaphore, #tpu.memory_space<semaphore_mem>>
        %dma_start3A = arith.constant 0 : i32
        %dma_start3A_28 = arith.constant 0 : i32
        %dma_start3A_29 = tpu.memref_slice %arg7[%dma_start3A, %dma_start3A_28] : memref<125x128xf32, #tpu.memory_space<vmem>> -> memref<64x128xf32, #tpu.memory_space<vmem>>
        %dma_start3A_30 = arith.constant 0 : i32
        %dma_start3A_31 = tpu.memref_slice %arg9[%add3A_27, %dma_start3A_30] : memref<10240x128xf32, #tpu.memory_space<vmem_shared>> -> memref<64x128xf32, #tpu.memory_space<vmem_shared>>
        %dma_start3A_32 = arith.constant 0 : i32
        %dma_start3A_33 = tpu.memref_slice %arg9[%add3A_27, %dma_start3A_32] : memref<10240x128xf32, #tpu.memory_space<vmem_shared>> -> memref<64x128xf32, #tpu.memory_space<vmem_shared>>
        %dma_start3A_34 = arith.constant 0 : i32
        %dma_start3A_35 = arith.constant 0 : i32
        %dma_start3A_36 = tpu.memref_slice %arg7[%dma_start3A_34, %dma_start3A_35] : memref<125x128xf32, #tpu.memory_space<vmem>> -> memref<64x128xf32, #tpu.memory_space<vmem>>
        tpu.enqueue_dma source(%dma_start3A_36 : memref<64x128xf32, #tpu.memory_space<vmem>>) target(%dma_start3A_33 : memref<64x128xf32, #tpu.memory_space<vmem_shared>>) target_semaphore(%run_scoped3A : memref<!tpu.dma_semaphore, #tpu.memory_space<semaphore_mem>>)
        %dma_wait3A = arith.constant 0 : i32
        %dma_wait3A_37 = arith.constant 0 : i32
        %dma_wait3A_38 = tpu.memref_slice %arg7[%dma_wait3A, %dma_wait3A_37] : memref<125x128xf32, #tpu.memory_space<vmem>> -> memref<64x128xf32, #tpu.memory_space<vmem>>
        %dma_wait3A_39 = arith.constant 0 : i32
        %dma_wait3A_40 = tpu.memref_slice %arg9[%add3A_27, %dma_wait3A_39] : memref<10240x128xf32, #tpu.memory_space<vmem_shared>> -> memref<64x128xf32, #tpu.memory_space<vmem_shared>>
        %dma_wait3A_41 = arith.constant 0 : i32
        %dma_wait3A_42 = tpu.memref_slice %arg9[%add3A_27, %dma_wait3A_41] : memref<10240x128xf32, #tpu.memory_space<vmem_shared>> -> memref<64x128xf32, #tpu.memory_space<vmem_shared>>
        %dma_wait3A_43 = arith.constant 0 : i32
        %dma_wait3A_44 = arith.constant 0 : i32
        %dma_wait3A_45 = tpu.memref_slice %arg7[%dma_wait3A_43, %dma_wait3A_44] : memref<125x128xf32, #tpu.memory_space<vmem>> -> memref<64x128xf32, #tpu.memory_space<vmem>>
        tpu.wait_dma2 semaphore(%run_scoped3A : memref<!tpu.dma_semaphore, #tpu.memory_space<semaphore_mem>>) src(%dma_wait3A_45 : memref<64x128xf32, #tpu.memory_space<vmem>>) dst(%dma_wait3A_42 : memref<64x128xf32, #tpu.memory_space<vmem_shared>>)
        tpu.yield
      }) : () -> ()
    }
    %scan3A_9 = arith.constant 10 : i32
    %barrier3A = arith.constant 0 : index
    tpu.barrier barrier_id(%barrier3A)
    %scan3A_10 = arith.constant 0 : i32
    %scan3A_11 = arith.constant 2 : i32
    %scan3A_12 = arith.addi %scan3A_10, %scan3A_11 : i32
    %scan3A_13 = arith.constant 1 : i32
    scf.for %scan3A_20 = %scan3A_10 to %scan3A_12 step %scan3A_13  : i32 {
      %mul3A_21 = arith.constant 1 : i32
      %mul3A_22 = arith.muli %scan3A_20, %mul3A_21 : i32
      %add3A_23 = arith.constant 0 : i32
      %add3A_24 = arith.addi %add3A_23, %mul3A_22 : i32
      %mul3A_25 = arith.constant 40 : i32
      %mul3A_26 = arith.muli %add3A_24, %mul3A_25 : i32
      "tpu.region"() ({
        %run_scoped3A_61 = tpu.sem_alloc : memref<!tpu.dma_semaphore, #tpu.memory_space<semaphore_mem>>
        %dma_start3A_62 = arith.constant 0 : i32
        %dma_start3A_63 = arith.constant 0 : i32
        %dma_start3A_64 = tpu.memref_slice %arg6[%dma_start3A_62, %dma_start3A_63] : memref<80x125xi32, #tpu.memory_space<vmem>> -> memref<40x125xi32, #tpu.memory_space<vmem>>
        %dma_start3A_65 = arith.constant 0 : i32
        %dma_start3A_66 = arith.constant 0 : i32
        %dma_start3A_67 = tpu.memref_slice %arg3[%add3A, %dma_start3A_65, %dma_start3A_66] : memref<32x80x125xi32, #tpu.memory_space<hbm>> -> memref<1x80x125xi32, #tpu.memory_space<hbm>>
        %dma_start3A_68 = tpu.memref_squeeze %dma_start3A_67 : memref<1x80x125xi32, #tpu.memory_space<hbm>> -> memref<80x125xi32, #tpu.memory_space<hbm>>
        %dma_start3A_69 = arith.constant 0 : i32
        %dma_start3A_70 = tpu.memref_slice %dma_start3A_68[%mul3A_26, %dma_start3A_69] : memref<80x125xi32, #tpu.memory_space<hbm>> -> memref<40x125xi32, #tpu.memory_space<hbm>>
        %dma_start3A_71 = arith.constant 0 : i32
        %dma_start3A_72 = arith.constant 0 : i32
        %dma_start3A_73 = tpu.memref_slice %arg6[%dma_start3A_71, %dma_start3A_72] : memref<80x125xi32, #tpu.memory_space<vmem>> -> memref<40x125xi32, #tpu.memory_space<vmem>>
        %dma_start3A_74 = arith.constant 0 : i32
        %dma_start3A_75 = arith.constant 0 : i32
        %dma_start3A_76 = tpu.memref_slice %arg3[%add3A, %dma_start3A_74, %dma_start3A_75] : memref<32x80x125xi32, #tpu.memory_space<hbm>> -> memref<1x80x125xi32, #tpu.memory_space<hbm>>
        %dma_start3A_77 = tpu.memref_squeeze %dma_start3A_76 : memref<1x80x125xi32, #tpu.memory_space<hbm>> -> memref<80x125xi32, #tpu.memory_space<hbm>>
        %dma_start3A_78 = arith.constant 0 : i32
        %dma_start3A_79 = tpu.memref_slice %dma_start3A_77[%mul3A_26, %dma_start3A_78] : memref<80x125xi32, #tpu.memory_space<hbm>> -> memref<40x125xi32, #tpu.memory_space<hbm>>
        tpu.enqueue_dma source(%dma_start3A_79 : memref<40x125xi32, #tpu.memory_space<hbm>>) target(%dma_start3A_73 : memref<40x125xi32, #tpu.memory_space<vmem>>) target_semaphore(%run_scoped3A_61 : memref<!tpu.dma_semaphore, #tpu.memory_space<semaphore_mem>>)
        %dma_wait3A_80 = arith.constant 0 : i32
        %dma_wait3A_81 = arith.constant 0 : i32
        %dma_wait3A_82 = tpu.memref_slice %arg6[%dma_wait3A_80, %dma_wait3A_81] : memref<80x125xi32, #tpu.memory_space<vmem>> -> memref<40x125xi32, #tpu.memory_space<vmem>>
        %dma_wait3A_83 = arith.constant 0 : i32
        %dma_wait3A_84 = arith.constant 0 : i32
        %dma_wait3A_85 = tpu.memref_slice %arg3[%add3A, %dma_wait3A_83, %dma_wait3A_84] : memref<32x80x125xi32, #tpu.memory_space<hbm>> -> memref<1x80x125xi32, #tpu.memory_space<hbm>>
        %dma_wait3A_86 = tpu.memref_squeeze %dma_wait3A_85 : memref<1x80x125xi32, #tpu.memory_space<hbm>> -> memref<80x125xi32, #tpu.memory_space<hbm>>
        %dma_wait3A_87 = arith.constant 0 : i32
        %dma_wait3A_88 = tpu.memref_slice %dma_wait3A_86[%mul3A_26, %dma_wait3A_87] : memref<80x125xi32, #tpu.memory_space<hbm>> -> memref<40x125xi32, #tpu.memory_space<hbm>>
        %dma_wait3A_89 = arith.constant 0 : i32
        %dma_wait3A_90 = arith.constant 0 : i32
        %dma_wait3A_91 = tpu.memref_slice %arg6[%dma_wait3A_89, %dma_wait3A_90] : memref<80x125xi32, #tpu.memory_space<vmem>> -> memref<40x125xi32, #tpu.memory_space<vmem>>
        %dma_wait3A_92 = arith.constant 0 : i32
        %dma_wait3A_93 = arith.constant 0 : i32
        %dma_wait3A_94 = tpu.memref_slice %arg3[%add3A, %dma_wait3A_92, %dma_wait3A_93] : memref<32x80x125xi32, #tpu.memory_space<hbm>> -> memref<1x80x125xi32, #tpu.memory_space<hbm>>
        %dma_wait3A_95 = tpu.memref_squeeze %dma_wait3A_94 : memref<1x80x125xi32, #tpu.memory_space<hbm>> -> memref<80x125xi32, #tpu.memory_space<hbm>>
        %dma_wait3A_96 = arith.constant 0 : i32
        %dma_wait3A_97 = tpu.memref_slice %dma_wait3A_95[%mul3A_26, %dma_wait3A_96] : memref<80x125xi32, #tpu.memory_space<hbm>> -> memref<40x125xi32, #tpu.memory_space<hbm>>
        tpu.wait_dma2 semaphore(%run_scoped3A_61 : memref<!tpu.dma_semaphore, #tpu.memory_space<semaphore_mem>>) src(%dma_wait3A_97 : memref<40x125xi32, #tpu.memory_space<hbm>>) dst(%dma_wait3A_91 : memref<40x125xi32, #tpu.memory_space<vmem>>)
        tpu.yield
      }) : () -> ()
      %mul3A_27 = arith.constant 40 : i32
      %mul3A_28 = arith.muli %add3A_24, %mul3A_27 : i32
      "tpu.region"() ({
        %run_scoped3A_61 = tpu.sem_alloc : memref<!tpu.dma_semaphore, #tpu.memory_space<semaphore_mem>>
        %dma_start3A_62 = arith.constant 40 : i32
        %dma_start3A_63 = arith.constant 0 : i32
        %dma_start3A_64 = tpu.memref_slice %arg6[%dma_start3A_62, %dma_start3A_63] : memref<80x125xi32, #tpu.memory_space<vmem>> -> memref<40x125xi32, #tpu.memory_space<vmem>>
        %dma_start3A_65 = arith.constant 0 : i32
        %dma_start3A_66 = arith.constant 0 : i32
        %dma_start3A_67 = tpu.memref_slice %arg4[%add3A, %dma_start3A_65, %dma_start3A_66] : memref<32x80x125xi32, #tpu.memory_space<hbm>> -> memref<1x80x125xi32, #tpu.memory_space<hbm>>
        %dma_start3A_68 = tpu.memref_squeeze %dma_start3A_67 : memref<1x80x125xi32, #tpu.memory_space<hbm>> -> memref<80x125xi32, #tpu.memory_space<hbm>>
        %dma_start3A_69 = arith.constant 0 : i32
        %dma_start3A_70 = tpu.memref_slice %dma_start3A_68[%mul3A_28, %dma_start3A_69] : memref<80x125xi32, #tpu.memory_space<hbm>> -> memref<40x125xi32, #tpu.memory_space<hbm>>
        %dma_start3A_71 = arith.constant 40 : i32
        %dma_start3A_72 = arith.constant 0 : i32
        %dma_start3A_73 = tpu.memref_slice %arg6[%dma_start3A_71, %dma_start3A_72] : memref<80x125xi32, #tpu.memory_space<vmem>> -> memref<40x125xi32, #tpu.memory_space<vmem>>
        %dma_start3A_74 = arith.constant 0 : i32
        %dma_start3A_75 = arith.constant 0 : i32
        %dma_start3A_76 = tpu.memref_slice %arg4[%add3A, %dma_start3A_74, %dma_start3A_75] : memref<32x80x125xi32, #tpu.memory_space<hbm>> -> memref<1x80x125xi32, #tpu.memory_space<hbm>>
        %dma_start3A_77 = tpu.memref_squeeze %dma_start3A_76 : memref<1x80x125xi32, #tpu.memory_space<hbm>> -> memref<80x125xi32, #tpu.memory_space<hbm>>
        %dma_start3A_78 = arith.constant 0 : i32
        %dma_start3A_79 = tpu.memref_slice %dma_start3A_77[%mul3A_28, %dma_start3A_78] : memref<80x125xi32, #tpu.memory_space<hbm>> -> memref<40x125xi32, #tpu.memory_space<hbm>>
        tpu.enqueue_dma source(%dma_start3A_79 : memref<40x125xi32, #tpu.memory_space<hbm>>) target(%dma_start3A_73 : memref<40x125xi32, #tpu.memory_space<vmem>>) target_semaphore(%run_scoped3A_61 : memref<!tpu.dma_semaphore, #tpu.memory_space<semaphore_mem>>)
        %dma_wait3A_80 = arith.constant 40 : i32
        %dma_wait3A_81 = arith.constant 0 : i32
        %dma_wait3A_82 = tpu.memref_slice %arg6[%dma_wait3A_80, %dma_wait3A_81] : memref<80x125xi32, #tpu.memory_space<vmem>> -> memref<40x125xi32, #tpu.memory_space<vmem>>
        %dma_wait3A_83 = arith.constant 0 : i32
        %dma_wait3A_84 = arith.constant 0 : i32
        %dma_wait3A_85 = tpu.memref_slice %arg4[%add3A, %dma_wait3A_83, %dma_wait3A_84] : memref<32x80x125xi32, #tpu.memory_space<hbm>> -> memref<1x80x125xi32, #tpu.memory_space<hbm>>
        %dma_wait3A_86 = tpu.memref_squeeze %dma_wait3A_85 : memref<1x80x125xi32, #tpu.memory_space<hbm>> -> memref<80x125xi32, #tpu.memory_space<hbm>>
        %dma_wait3A_87 = arith.constant 0 : i32
        %dma_wait3A_88 = tpu.memref_slice %dma_wait3A_86[%mul3A_28, %dma_wait3A_87] : memref<80x125xi32, #tpu.memory_space<hbm>> -> memref<40x125xi32, #tpu.memory_space<hbm>>
        %dma_wait3A_89 = arith.constant 40 : i32
        %dma_wait3A_90 = arith.constant 0 : i32
        %dma_wait3A_91 = tpu.memref_slice %arg6[%dma_wait3A_89, %dma_wait3A_90] : memref<80x125xi32, #tpu.memory_space<vmem>> -> memref<40x125xi32, #tpu.memory_space<vmem>>
        %dma_wait3A_92 = arith.constant 0 : i32
        %dma_wait3A_93 = arith.constant 0 : i32
        %dma_wait3A_94 = tpu.memref_slice %arg4[%add3A, %dma_wait3A_92, %dma_wait3A_93] : memref<32x80x125xi32, #tpu.memory_space<hbm>> -> memref<1x80x125xi32, #tpu.memory_space<hbm>>
        %dma_wait3A_95 = tpu.memref_squeeze %dma_wait3A_94 : memref<1x80x125xi32, #tpu.memory_space<hbm>> -> memref<80x125xi32, #tpu.memory_space<hbm>>
        %dma_wait3A_96 = arith.constant 0 : i32
        %dma_wait3A_97 = tpu.memref_slice %dma_wait3A_95[%mul3A_28, %dma_wait3A_96] : memref<80x125xi32, #tpu.memory_space<hbm>> -> memref<40x125xi32, #tpu.memory_space<hbm>>
        tpu.wait_dma2 semaphore(%run_scoped3A_61 : memref<!tpu.dma_semaphore, #tpu.memory_space<semaphore_mem>>) src(%dma_wait3A_97 : memref<40x125xi32, #tpu.memory_space<hbm>>) dst(%dma_wait3A_91 : memref<40x125xi32, #tpu.memory_space<vmem>>)
        tpu.yield
      }) : () -> ()
      %dma_start3A = arith.constant 0 : i32
      %dma_start3A_29 = arith.constant 0 : i32
      %dma_start3A_30 = tpu.memref_slice %arg6[%dma_start3A, %dma_start3A_29] : memref<80x125xi32, #tpu.memory_space<vmem>> -> memref<1x125xi32, #tpu.memory_space<vmem>>
      %dma_start3A_31 = tpu.memref_squeeze %dma_start3A_30 : memref<1x125xi32, #tpu.memory_space<vmem>> -> memref<125xi32, #tpu.memory_space<vmem>>
      %dma_start3A_32 = arith.constant 0 : i32
      %dma_start3A_33 = arith.constant 0 : i32
      %dma_start3A_34 = tpu.memref_slice %arg2[%dma_start3A_32, %dma_start3A_33] : memref<10240x128xf32, #tpu.memory_space<hbm>> -> memref<10240x128xf32, #tpu.memory_space<hbm>>
      tpu.enqueue_indirect_dma source(%dma_start3A_34 : memref<10240x128xf32, #tpu.memory_space<hbm>>) target(%arg7 : memref<125x128xf32, #tpu.memory_space<vmem>>) offsets(%dma_start3A_31 : memref<125xi32, #tpu.memory_space<vmem>>) semaphore(%arg10 : memref<!tpu.dma_semaphore, #tpu.memory_space<semaphore_mem>>)
      %dma_start3A_35 = arith.constant 1 : i32
      %dma_start3A_36 = arith.constant 0 : i32
      %dma_start3A_37 = tpu.memref_slice %arg6[%dma_start3A_35, %dma_start3A_36] : memref<80x125xi32, #tpu.memory_space<vmem>> -> memref<1x125xi32, #tpu.memory_space<vmem>>
      %dma_start3A_38 = tpu.memref_squeeze %dma_start3A_37 : memref<1x125xi32, #tpu.memory_space<vmem>> -> memref<125xi32, #tpu.memory_space<vmem>>
      %dma_start3A_39 = arith.constant 0 : i32
      %dma_start3A_40 = arith.constant 0 : i32
      %dma_start3A_41 = tpu.memref_slice %arg2[%dma_start3A_39, %dma_start3A_40] : memref<10240x128xf32, #tpu.memory_space<hbm>> -> memref<10240x128xf32, #tpu.memory_space<hbm>>
      tpu.enqueue_indirect_dma source(%dma_start3A_41 : memref<10240x128xf32, #tpu.memory_space<hbm>>) target(%arg8 : memref<125x128xf32, #tpu.memory_space<vmem>>) offsets(%dma_start3A_38 : memref<125xi32, #tpu.memory_space<vmem>>) semaphore(%arg11 : memref<!tpu.dma_semaphore, #tpu.memory_space<semaphore_mem>>)
      %scan3A_42 = arith.constant 0 : i32
      %scan3A_43 = arith.constant 19 : i32
      %scan3A_44 = arith.addi %scan3A_42, %scan3A_43 : i32
      %scan3A_45 = arith.constant 1 : i32
      scf.for %scan3A_61 = %scan3A_42 to %scan3A_44 step %scan3A_45  : i32 {
        %mul3A_62 = arith.constant 2 : i32
        %mul3A_63 = arith.muli %scan3A_61, %mul3A_62 : i32
        %add3A_64 = arith.constant 0 : i32
        %add3A_65 = arith.addi %add3A_64, %mul3A_63 : i32
        %dma_wait3A_66 = arith.constant 0 : i32
        %dma_wait3A_67 = tpu.memref_slice %arg6[%add3A_65, %dma_wait3A_66] : memref<80x125xi32, #tpu.memory_space<vmem>> -> memref<1x125xi32, #tpu.memory_space<vmem>>
        %dma_wait3A_68 = tpu.memref_squeeze %dma_wait3A_67 : memref<1x125xi32, #tpu.memory_space<vmem>> -> memref<125xi32, #tpu.memory_space<vmem>>
        %dma_wait3A_69 = arith.constant 0 : i32
        %dma_wait3A_70 = arith.constant 0 : i32
        %dma_wait3A_71 = tpu.memref_slice %arg2[%dma_wait3A_69, %dma_wait3A_70] : memref<10240x128xf32, #tpu.memory_space<hbm>> -> memref<10240x128xf32, #tpu.memory_space<hbm>>
        tpu.wait_indirect_dma semaphore(%arg10 : memref<!tpu.dma_semaphore, #tpu.memory_space<semaphore_mem>>) src(%dma_wait3A_71 : memref<10240x128xf32, #tpu.memory_space<hbm>>) dst(%arg7 : memref<125x128xf32, #tpu.memory_space<vmem>>)
        %add3A_72 = arith.constant 40 : i32
        %add3A_73 = arith.addi %add3A_72, %add3A_65 : i32
        %dma_start3A_74 = arith.constant 0 : i32
        %dma_start3A_75 = tpu.memref_slice %arg6[%add3A_73, %dma_start3A_74] : memref<80x125xi32, #tpu.memory_space<vmem>> -> memref<1x125xi32, #tpu.memory_space<vmem>>
        %dma_start3A_76 = tpu.memref_squeeze %dma_start3A_75 : memref<1x125xi32, #tpu.memory_space<vmem>> -> memref<125xi32, #tpu.memory_space<vmem>>
        %dma_start3A_77 = arith.constant 0 : i32
        %dma_start3A_78 = arith.constant 0 : i32
        %dma_start3A_79 = tpu.memref_slice %arg9[%dma_start3A_77, %dma_start3A_78] : memref<10240x128xf32, #tpu.memory_space<vmem_shared>> -> memref<10240x128xf32, #tpu.memory_space<vmem_shared>>
        tpu.enqueue_indirect_dma source(%arg7 : memref<125x128xf32, #tpu.memory_space<vmem>>) target(%dma_start3A_79 : memref<10240x128xf32, #tpu.memory_space<vmem_shared>>) offsets(%dma_start3A_76 : memref<125xi32, #tpu.memory_space<vmem>>) semaphore(%arg12 : memref<!tpu.dma_semaphore, #tpu.memory_space<semaphore_mem>>) {add = true}
        %add3A_80 = arith.constant 1 : i32
        %add3A_81 = arith.addi %add3A_65, %add3A_80 : i32
        %dma_wait3A_82 = arith.constant 0 : i32
        %dma_wait3A_83 = tpu.memref_slice %arg6[%add3A_81, %dma_wait3A_82] : memref<80x125xi32, #tpu.memory_space<vmem>> -> memref<1x125xi32, #tpu.memory_space<vmem>>
        %dma_wait3A_84 = tpu.memref_squeeze %dma_wait3A_83 : memref<1x125xi32, #tpu.memory_space<vmem>> -> memref<125xi32, #tpu.memory_space<vmem>>
        %dma_wait3A_85 = arith.constant 0 : i32
        %dma_wait3A_86 = arith.constant 0 : i32
        %dma_wait3A_87 = tpu.memref_slice %arg2[%dma_wait3A_85, %dma_wait3A_86] : memref<10240x128xf32, #tpu.memory_space<hbm>> -> memref<10240x128xf32, #tpu.memory_space<hbm>>
        tpu.wait_indirect_dma semaphore(%arg11 : memref<!tpu.dma_semaphore, #tpu.memory_space<semaphore_mem>>) src(%dma_wait3A_87 : memref<10240x128xf32, #tpu.memory_space<hbm>>) dst(%arg8 : memref<125x128xf32, #tpu.memory_space<vmem>>)
        %add3A_88 = arith.constant 40 : i32
        %add3A_89 = arith.addi %add3A_88, %add3A_65 : i32
        %add3A_90 = arith.constant 1 : i32
        %add3A_91 = arith.addi %add3A_89, %add3A_90 : i32
        %dma_start3A_92 = arith.constant 0 : i32
        %dma_start3A_93 = tpu.memref_slice %arg6[%add3A_91, %dma_start3A_92] : memref<80x125xi32, #tpu.memory_space<vmem>> -> memref<1x125xi32, #tpu.memory_space<vmem>>
        %dma_start3A_94 = tpu.memref_squeeze %dma_start3A_93 : memref<1x125xi32, #tpu.memory_space<vmem>> -> memref<125xi32, #tpu.memory_space<vmem>>
        %dma_start3A_95 = arith.constant 0 : i32
        %dma_start3A_96 = arith.constant 0 : i32
        %dma_start3A_97 = tpu.memref_slice %arg9[%dma_start3A_95, %dma_start3A_96] : memref<10240x128xf32, #tpu.memory_space<vmem_shared>> -> memref<10240x128xf32, #tpu.memory_space<vmem_shared>>
        tpu.enqueue_indirect_dma source(%arg8 : memref<125x128xf32, #tpu.memory_space<vmem>>) target(%dma_start3A_97 : memref<10240x128xf32, #tpu.memory_space<vmem_shared>>) offsets(%dma_start3A_94 : memref<125xi32, #tpu.memory_space<vmem>>) semaphore(%arg13 : memref<!tpu.dma_semaphore, #tpu.memory_space<semaphore_mem>>) {add = true}
        %add3A_98 = arith.constant 40 : i32
        %add3A_99 = arith.addi %add3A_98, %add3A_65 : i32
        %dma_wait3A_100 = arith.constant 0 : i32
        %dma_wait3A_101 = tpu.memref_slice %arg6[%add3A_99, %dma_wait3A_100] : memref<80x125xi32, #tpu.memory_space<vmem>> -> memref<1x125xi32, #tpu.memory_space<vmem>>
        %dma_wait3A_102 = tpu.memref_squeeze %dma_wait3A_101 : memref<1x125xi32, #tpu.memory_space<vmem>> -> memref<125xi32, #tpu.memory_space<vmem>>
        %dma_wait3A_103 = arith.constant 0 : i32
        %dma_wait3A_104 = arith.constant 0 : i32
        %dma_wait3A_105 = tpu.memref_slice %arg9[%dma_wait3A_103, %dma_wait3A_104] : memref<10240x128xf32, #tpu.memory_space<vmem_shared>> -> memref<10240x128xf32, #tpu.memory_space<vmem_shared>>
        tpu.wait_indirect_dma semaphore(%arg12 : memref<!tpu.dma_semaphore, #tpu.memory_space<semaphore_mem>>) src(%arg7 : memref<125x128xf32, #tpu.memory_space<vmem>>) dst(%dma_wait3A_105 : memref<10240x128xf32, #tpu.memory_space<vmem_shared>>)
        %add3A_106 = arith.constant 2 : i32
        %add3A_107 = arith.addi %add3A_65, %add3A_106 : i32
        %dma_start3A_108 = arith.constant 0 : i32
        %dma_start3A_109 = tpu.memref_slice %arg6[%add3A_107, %dma_start3A_108] : memref<80x125xi32, #tpu.memory_space<vmem>> -> memref<1x125xi32, #tpu.memory_space<vmem>>
        %dma_start3A_110 = tpu.memref_squeeze %dma_start3A_109 : memref<1x125xi32, #tpu.memory_space<vmem>> -> memref<125xi32, #tpu.memory_space<vmem>>
        %dma_start3A_111 = arith.constant 0 : i32
        %dma_start3A_112 = arith.constant 0 : i32
        %dma_start3A_113 = tpu.memref_slice %arg2[%dma_start3A_111, %dma_start3A_112] : memref<10240x128xf32, #tpu.memory_space<hbm>> -> memref<10240x128xf32, #tpu.memory_space<hbm>>
        tpu.enqueue_indirect_dma source(%dma_start3A_113 : memref<10240x128xf32, #tpu.memory_space<hbm>>) target(%arg7 : memref<125x128xf32, #tpu.memory_space<vmem>>) offsets(%dma_start3A_110 : memref<125xi32, #tpu.memory_space<vmem>>) semaphore(%arg10 : memref<!tpu.dma_semaphore, #tpu.memory_space<semaphore_mem>>)
        %add3A_114 = arith.constant 40 : i32
        %add3A_115 = arith.addi %add3A_114, %add3A_65 : i32
        %add3A_116 = arith.constant 1 : i32
        %add3A_117 = arith.addi %add3A_115, %add3A_116 : i32
        %dma_wait3A_118 = arith.constant 0 : i32
        %dma_wait3A_119 = tpu.memref_slice %arg6[%add3A_117, %dma_wait3A_118] : memref<80x125xi32, #tpu.memory_space<vmem>> -> memref<1x125xi32, #tpu.memory_space<vmem>>
        %dma_wait3A_120 = tpu.memref_squeeze %dma_wait3A_119 : memref<1x125xi32, #tpu.memory_space<vmem>> -> memref<125xi32, #tpu.memory_space<vmem>>
        %dma_wait3A_121 = arith.constant 0 : i32
        %dma_wait3A_122 = arith.constant 0 : i32
        %dma_wait3A_123 = tpu.memref_slice %arg9[%dma_wait3A_121, %dma_wait3A_122] : memref<10240x128xf32, #tpu.memory_space<vmem_shared>> -> memref<10240x128xf32, #tpu.memory_space<vmem_shared>>
        tpu.wait_indirect_dma semaphore(%arg13 : memref<!tpu.dma_semaphore, #tpu.memory_space<semaphore_mem>>) src(%arg8 : memref<125x128xf32, #tpu.memory_space<vmem>>) dst(%dma_wait3A_123 : memref<10240x128xf32, #tpu.memory_space<vmem_shared>>)
        %add3A_124 = arith.constant 3 : i32
        %add3A_125 = arith.addi %add3A_65, %add3A_124 : i32
        %dma_start3A_126 = arith.constant 0 : i32
        %dma_start3A_127 = tpu.memref_slice %arg6[%add3A_125, %dma_start3A_126] : memref<80x125xi32, #tpu.memory_space<vmem>> -> memref<1x125xi32, #tpu.memory_space<vmem>>
        %dma_start3A_128 = tpu.memref_squeeze %dma_start3A_127 : memref<1x125xi32, #tpu.memory_space<vmem>> -> memref<125xi32, #tpu.memory_space<vmem>>
        %dma_start3A_129 = arith.constant 0 : i32
        %dma_start3A_130 = arith.constant 0 : i32
        %dma_start3A_131 = tpu.memref_slice %arg2[%dma_start3A_129, %dma_start3A_130] : memref<10240x128xf32, #tpu.memory_space<hbm>> -> memref<10240x128xf32, #tpu.memory_space<hbm>>
        tpu.enqueue_indirect_dma source(%dma_start3A_131 : memref<10240x128xf32, #tpu.memory_space<hbm>>) target(%arg8 : memref<125x128xf32, #tpu.memory_space<vmem>>) offsets(%dma_start3A_128 : memref<125xi32, #tpu.memory_space<vmem>>) semaphore(%arg11 : memref<!tpu.dma_semaphore, #tpu.memory_space<semaphore_mem>>)
      }
      %scan3A_46 = arith.constant 19 : i32
      %dma_wait3A = arith.constant 38 : i32
      %dma_wait3A_47 = arith.constant 0 : i32
      %dma_wait3A_48 = tpu.memref_slice %arg6[%dma_wait3A, %dma_wait3A_47] : memref<80x125xi32, #tpu.memory_space<vmem>> -> memref<1x125xi32, #tpu.memory_space<vmem>>
      %dma_wait3A_49 = tpu.memref_squeeze %dma_wait3A_48 : memref<1x125xi32, #tpu.memory_space<vmem>> -> memref<125xi32, #tpu.memory_space<vmem>>
      %dma_wait3A_50 = arith.constant 0 : i32
      %dma_wait3A_51 = arith.constant 0 : i32
      %dma_wait3A_52 = tpu.memref_slice %arg2[%dma_wait3A_50, %dma_wait3A_51] : memref<10240x128xf32, #tpu.memory_space<hbm>> -> memref<10240x128xf32, #tpu.memory_space<hbm>>
      tpu.wait_indirect_dma semaphore(%arg10 : memref<!tpu.dma_semaphore, #tpu.memory_space<semaphore_mem>>) src(%dma_wait3A_52 : memref<10240x128xf32, #tpu.memory_space<hbm>>) dst(%arg7 : memref<125x128xf32, #tpu.memory_space<vmem>>)
      %run_scoped3A = arith.constant 78 : i32
      "tpu.region"() ({
        %run_scoped3A_61 = tpu.sem_alloc : memref<!tpu.dma_semaphore, #tpu.memory_space<semaphore_mem>>
        %dma_start3A_62 = arith.constant 0 : i32
        %dma_start3A_63 = tpu.memref_slice %arg6[%run_scoped3A, %dma_start3A_62] : memref<80x125xi32, #tpu.memory_space<vmem>> -> memref<1x125xi32, #tpu.memory_space<vmem>>
        %dma_start3A_64 = tpu.memref_squeeze %dma_start3A_63 : memref<1x125xi32, #tpu.memory_space<vmem>> -> memref<125xi32, #tpu.memory_space<vmem>>
        %dma_start3A_65 = arith.constant 0 : i32
        %dma_start3A_66 = arith.constant 0 : i32
        %dma_start3A_67 = tpu.memref_slice %arg9[%dma_start3A_65, %dma_start3A_66] : memref<10240x128xf32, #tpu.memory_space<vmem_shared>> -> memref<10240x128xf32, #tpu.memory_space<vmem_shared>>
        tpu.enqueue_indirect_dma source(%arg7 : memref<125x128xf32, #tpu.memory_space<vmem>>) target(%dma_start3A_67 : memref<10240x128xf32, #tpu.memory_space<vmem_shared>>) offsets(%dma_start3A_64 : memref<125xi32, #tpu.memory_space<vmem>>) semaphore(%run_scoped3A_61 : memref<!tpu.dma_semaphore, #tpu.memory_space<semaphore_mem>>) {add = true}
        %dma_wait3A_68 = arith.constant 0 : i32
        %dma_wait3A_69 = tpu.memref_slice %arg6[%run_scoped3A, %dma_wait3A_68] : memref<80x125xi32, #tpu.memory_space<vmem>> -> memref<1x125xi32, #tpu.memory_space<vmem>>
        %dma_wait3A_70 = tpu.memref_squeeze %dma_wait3A_69 : memref<1x125xi32, #tpu.memory_space<vmem>> -> memref<125xi32, #tpu.memory_space<vmem>>
        %dma_wait3A_71 = arith.constant 0 : i32
        %dma_wait3A_72 = arith.constant 0 : i32
        %dma_wait3A_73 = tpu.memref_slice %arg9[%dma_wait3A_71, %dma_wait3A_72] : memref<10240x128xf32, #tpu.memory_space<vmem_shared>> -> memref<10240x128xf32, #tpu.memory_space<vmem_shared>>
        tpu.wait_indirect_dma semaphore(%run_scoped3A_61 : memref<!tpu.dma_semaphore, #tpu.memory_space<semaphore_mem>>) src(%arg7 : memref<125x128xf32, #tpu.memory_space<vmem>>) dst(%dma_wait3A_73 : memref<10240x128xf32, #tpu.memory_space<vmem_shared>>)
        tpu.yield
      }) : () -> ()
      %dma_wait3A_53 = arith.constant 39 : i32
      %dma_wait3A_54 = arith.constant 0 : i32
      %dma_wait3A_55 = tpu.memref_slice %arg6[%dma_wait3A_53, %dma_wait3A_54] : memref<80x125xi32, #tpu.memory_space<vmem>> -> memref<1x125xi32, #tpu.memory_space<vmem>>
      %dma_wait3A_56 = tpu.memref_squeeze %dma_wait3A_55 : memref<1x125xi32, #tpu.memory_space<vmem>> -> memref<125xi32, #tpu.memory_space<vmem>>
      %dma_wait3A_57 = arith.constant 0 : i32
      %dma_wait3A_58 = arith.constant 0 : i32
      %dma_wait3A_59 = tpu.memref_slice %arg2[%dma_wait3A_57, %dma_wait3A_58] : memref<10240x128xf32, #tpu.memory_space<hbm>> -> memref<10240x128xf32, #tpu.memory_space<hbm>>
      tpu.wait_indirect_dma semaphore(%arg11 : memref<!tpu.dma_semaphore, #tpu.memory_space<semaphore_mem>>) src(%dma_wait3A_59 : memref<10240x128xf32, #tpu.memory_space<hbm>>) dst(%arg8 : memref<125x128xf32, #tpu.memory_space<vmem>>)
      %run_scoped3A_60 = arith.constant 79 : i32
      "tpu.region"() ({
        %run_scoped3A_61 = tpu.sem_alloc : memref<!tpu.dma_semaphore, #tpu.memory_space<semaphore_mem>>
        %dma_start3A_62 = arith.constant 0 : i32
        %dma_start3A_63 = tpu.memref_slice %arg6[%run_scoped3A_60, %dma_start3A_62] : memref<80x125xi32, #tpu.memory_space<vmem>> -> memref<1x125xi32, #tpu.memory_space<vmem>>
        %dma_start3A_64 = tpu.memref_squeeze %dma_start3A_63 : memref<1x125xi32, #tpu.memory_space<vmem>> -> memref<125xi32, #tpu.memory_space<vmem>>
        %dma_start3A_65 = arith.constant 0 : i32
        %dma_start3A_66 = arith.constant 0 : i32
        %dma_start3A_67 = tpu.memref_slice %arg9[%dma_start3A_65, %dma_start3A_66] : memref<10240x128xf32, #tpu.memory_space<vmem_shared>> -> memref<10240x128xf32, #tpu.memory_space<vmem_shared>>
        tpu.enqueue_indirect_dma source(%arg8 : memref<125x128xf32, #tpu.memory_space<vmem>>) target(%dma_start3A_67 : memref<10240x128xf32, #tpu.memory_space<vmem_shared>>) offsets(%dma_start3A_64 : memref<125xi32, #tpu.memory_space<vmem>>) semaphore(%run_scoped3A_61 : memref<!tpu.dma_semaphore, #tpu.memory_space<semaphore_mem>>) {add = true}
        %dma_wait3A_68 = arith.constant 0 : i32
        %dma_wait3A_69 = tpu.memref_slice %arg6[%run_scoped3A_60, %dma_wait3A_68] : memref<80x125xi32, #tpu.memory_space<vmem>> -> memref<1x125xi32, #tpu.memory_space<vmem>>
        %dma_wait3A_70 = tpu.memref_squeeze %dma_wait3A_69 : memref<1x125xi32, #tpu.memory_space<vmem>> -> memref<125xi32, #tpu.memory_space<vmem>>
        %dma_wait3A_71 = arith.constant 0 : i32
        %dma_wait3A_72 = arith.constant 0 : i32
        %dma_wait3A_73 = tpu.memref_slice %arg9[%dma_wait3A_71, %dma_wait3A_72] : memref<10240x128xf32, #tpu.memory_space<vmem_shared>> -> memref<10240x128xf32, #tpu.memory_space<vmem_shared>>
        tpu.wait_indirect_dma semaphore(%run_scoped3A_61 : memref<!tpu.dma_semaphore, #tpu.memory_space<semaphore_mem>>) src(%arg8 : memref<125x128xf32, #tpu.memory_space<vmem>>) dst(%dma_wait3A_73 : memref<10240x128xf32, #tpu.memory_space<vmem_shared>>)
        tpu.yield
      }) : () -> ()
    }
    %scan3A_14 = arith.constant 2 : i32
    %barrier3A_15 = arith.constant 0 : index
    tpu.barrier barrier_id(%barrier3A_15)
    %mul3A_16 = arith.constant 640 : i32
    %mul3A_17 = arith.muli %arg1, %mul3A_16 : i32
    %mul3A_18 = arith.constant 640 : i32
    %mul3A_19 = arith.muli %arg1, %mul3A_18 : i32
    "tpu.region"() ({
      %run_scoped3A = tpu.sem_alloc : memref<!tpu.dma_semaphore, #tpu.memory_space<semaphore_mem>>
      %dma_start3A = arith.constant 0 : i32
      %dma_start3A_20 = arith.constant 0 : i32
      %dma_start3A_21 = tpu.memref_slice %arg5[%arg0, %dma_start3A, %dma_start3A_20] : memref<2x10240x128xf32, #tpu.memory_space<hbm>> -> memref<1x10240x128xf32, #tpu.memory_space<hbm>>
      %dma_start3A_22 = tpu.memref_squeeze %dma_start3A_21 : memref<1x10240x128xf32, #tpu.memory_space<hbm>> -> memref<10240x128xf32, #tpu.memory_space<hbm>>
      %dma_start3A_23 = arith.constant 0 : i32
      %dma_start3A_24 = tpu.memref_slice %dma_start3A_22[%mul3A_19, %dma_start3A_23] : memref<10240x128xf32, #tpu.memory_space<hbm>> -> memref<640x128xf32, #tpu.memory_space<hbm>>
      %dma_start3A_25 = arith.constant 0 : i32
      %dma_start3A_26 = tpu.memref_slice %arg9[%mul3A_17, %dma_start3A_25] : memref<10240x128xf32, #tpu.memory_space<vmem_shared>> -> memref<640x128xf32, #tpu.memory_space<vmem_shared>>
      tpu.enqueue_dma source(%dma_start3A_26 : memref<640x128xf32, #tpu.memory_space<vmem_shared>>) target(%dma_start3A_24 : memref<640x128xf32, #tpu.memory_space<hbm>>) target_semaphore(%run_scoped3A : memref<!tpu.dma_semaphore, #tpu.memory_space<semaphore_mem>>)
      %dma_wait3A = arith.constant 0 : i32
      %dma_wait3A_27 = arith.constant 0 : i32
      %dma_wait3A_28 = tpu.memref_slice %arg5[%arg0, %dma_wait3A, %dma_wait3A_27] : memref<2x10240x128xf32, #tpu.memory_space<hbm>> -> memref<1x10240x128xf32, #tpu.memory_space<hbm>>
      %dma_wait3A_29 = tpu.memref_squeeze %dma_wait3A_28 : memref<1x10240x128xf32, #tpu.memory_space<hbm>> -> memref<10240x128xf32, #tpu.memory_space<hbm>>
      %dma_wait3A_30 = arith.constant 0 : i32
      %dma_wait3A_31 = tpu.memref_slice %dma_wait3A_29[%mul3A_19, %dma_wait3A_30] : memref<10240x128xf32, #tpu.memory_space<hbm>> -> memref<640x128xf32, #tpu.memory_space<hbm>>
      %dma_wait3A_32 = arith.constant 0 : i32
      %dma_wait3A_33 = tpu.memref_slice %arg9[%mul3A_17, %dma_wait3A_32] : memref<10240x128xf32, #tpu.memory_space<vmem_shared>> -> memref<640x128xf32, #tpu.memory_space<vmem_shared>>
      tpu.wait_dma2 semaphore(%run_scoped3A : memref<!tpu.dma_semaphore, #tpu.memory_space<semaphore_mem>>) src(%dma_wait3A_33 : memref<640x128xf32, #tpu.memory_space<vmem_shared>>) dst(%dma_wait3A_31 : memref<640x128xf32, #tpu.memory_space<hbm>>)
      tpu.yield
    }) : () -> ()
    return
  }
}

#map = affine_map<(d0, d1) -> (0, 0)>
#map1 = affine_map<(d0, d1) -> (0, 0, 0)>
module attributes {stable_mosaic.version = 14 : i64} {
  func.func @_sc_edge_body(%arg0: i32, %arg1: i32, %arg2: memref<10240x128xf32, #tpu.memory_space<hbm>>, %arg3: memref<32x80x125xi32, #tpu.memory_space<hbm>>, %arg4: memref<32x80x125xi32, #tpu.memory_space<hbm>>, %arg5: memref<2x10240x128xf32, #tpu.memory_space<hbm>>, %arg6: memref<80x125xi32, #tpu.memory_space<vmem>>, %arg7: memref<125x128xf32, #tpu.memory_space<vmem>>, %arg8: memref<125x128xf32, #tpu.memory_space<vmem>>, %arg9: memref<10240x128xf32, #tpu.memory_space<vmem_shared>>, %arg10: memref<!tpu.dma_semaphore, #tpu.memory_space<semaphore_mem>>, %arg11: memref<!tpu.dma_semaphore, #tpu.memory_space<semaphore_mem>>, %arg12: memref<!tpu.dma_semaphore, #tpu.memory_space<semaphore_mem>>, %arg13: memref<!tpu.dma_semaphore, #tpu.memory_space<semaphore_mem>>) attributes {dimension_semantics = [#tpu.dimension_semantics<core_parallel>, #tpu.dimension_semantics<subcore_parallel>], iteration_bounds = array<i64: 2, 16>, scalar_prefetch = 0 : i64, scratch_operands = 8 : i64, tpu.core_type = #tpu.core_type<sc_vector_subcore>, window_params = [{transform_indices = #map}, {transform_indices = #map1}, {transform_indices = #map1}, {transform_indices = #map1}]} {
    %mul3A = arith.constant 2 : i32
    %mul3A_0 = arith.muli %arg1, %mul3A : i32
    %add3A = arith.addi %mul3A_0, %arg0 : i32
    %scan3A = arith.constant 0 : i32
    %scan3A_1 = arith.constant 64 : i32
    %scan3A_2 = arith.addi %scan3A, %scan3A_1 : i32
    %scan3A_3 = arith.constant 1 : i32
    scf.for %scan3A_20 = %scan3A to %scan3A_2 step %scan3A_3  : i32 {
      %mul3A_21 = arith.constant 1 : i32
      %mul3A_22 = arith.muli %scan3A_20, %mul3A_21 : i32
      %add3A_23 = arith.constant 0 : i32
      %add3A_24 = arith.addi %add3A_23, %mul3A_22 : i32
      %scan3A_25 = arith.constant 0 : i32
      %scan3A_26 = arith.constant 8 : i32
      %scan3A_27 = arith.addi %scan3A_25, %scan3A_26 : i32
      %scan3A_28 = arith.constant 1 : i32
      scf.for %scan3A_30 = %scan3A_25 to %scan3A_27 step %scan3A_28  : i32 {
        %mul3A_31 = arith.constant 16 : i32
        %mul3A_32 = arith.muli %scan3A_30, %mul3A_31 : i32
        %add3A_33 = arith.constant 0 : i32
        %add3A_34 = arith.addi %add3A_33, %mul3A_32 : i32
        %broadcast_in_dim3A = arith.constant 0.000000e+00 : f32
        %broadcast_in_dim3A_35 = vector.broadcast %broadcast_in_dim3A : f32 to vector<16xf32>
        %swap3A = arith.index_cast %add3A_24 : i32 to index
        %swap3A_36 = arith.index_cast %add3A_34 : i32 to index
        %swap3A_37 = tpu.vector_load %arg7[%swap3A, %swap3A_36] {strides = array<i32>} : memref<125x128xf32, #tpu.memory_space<vmem>>, vector<1x16xf32>,
        %swap3A_38 = vector.shape_cast %swap3A_37 : vector<1x16xf32> to vector<16xf32>
        %swap3A_39 = vector.shape_cast %broadcast_in_dim3A_35 : vector<16xf32> to vector<1x16xf32>
        tpu.vector_store %arg7[%swap3A, %swap3A_36], %swap3A_39 {strides = array<i32>} : memref<125x128xf32, #tpu.memory_space<vmem>>, vector<1x16xf32>,
      }
      %scan3A_29 = arith.constant 8 : i32
    }
    %scan3A_4 = arith.constant 64 : i32
    %scan3A_5 = arith.constant 0 : i32
    %scan3A_6 = arith.constant 10 : i32
    %scan3A_7 = arith.addi %scan3A_5, %scan3A_6 : i32
    %scan3A_8 = arith.constant 1 : i32
    scf.for %scan3A_20 = %scan3A_5 to %scan3A_7 step %scan3A_8  : i32 {
      %mul3A_21 = arith.constant 64 : i32
      %mul3A_22 = arith.muli %scan3A_20, %mul3A_21 : i32
      %add3A_23 = arith.constant 0 : i32
      %add3A_24 = arith.addi %add3A_23, %mul3A_22 : i32
      %mul3A_25 = arith.constant 640 : i32
      %mul3A_26 = arith.muli %arg1, %mul3A_25 : i32
      %add3A_27 = arith.addi %mul3A_26, %add3A_24 : i32
      "tpu.region"() ({
        %run_scoped3A = tpu.sem_alloc : memref<!tpu.dma_semaphore, #tpu.memory_space<semaphore_mem>>
        %dma_start3A = arith.constant 0 : i32
        %dma_start3A_28 = arith.constant 0 : i32
        %dma_start3A_29 = tpu.memref_slice %arg7[%dma_start3A, %dma_start3A_28] : memref<125x128xf32, #tpu.memory_space<vmem>> -> memref<64x128xf32, #tpu.memory_space<vmem>>
        %dma_start3A_30 = arith.constant 0 : i32
        %dma_start3A_31 = tpu.memref_slice %arg9[%add3A_27, %dma_start3A_30] : memref<10240x128xf32, #tpu.memory_space<vmem_shared>> -> memref<64x128xf32, #tpu.memory_space<vmem_shared>>
        %dma_start3A_32 = arith.constant 0 : i32
        %dma_start3A_33 = tpu.memref_slice %arg9[%add3A_27, %dma_start3A_32] : memref<10240x128xf32, #tpu.memory_space<vmem_shared>> -> memref<64x128xf32, #tpu.memory_space<vmem_shared>>
        %dma_start3A_34 = arith.constant 0 : i32
        %dma_start3A_35 = arith.constant 0 : i32
        %dma_start3A_36 = tpu.memref_slice %arg7[%dma_start3A_34, %dma_start3A_35] : memref<125x128xf32, #tpu.memory_space<vmem>> -> memref<64x128xf32, #tpu.memory_space<vmem>>
        tpu.enqueue_dma source(%dma_start3A_36 : memref<64x128xf32, #tpu.memory_space<vmem>>) target(%dma_start3A_33 : memref<64x128xf32, #tpu.memory_space<vmem_shared>>) target_semaphore(%run_scoped3A : memref<!tpu.dma_semaphore, #tpu.memory_space<semaphore_mem>>)
        %dma_wait3A = arith.constant 0 : i32
        %dma_wait3A_37 = arith.constant 0 : i32
        %dma_wait3A_38 = tpu.memref_slice %arg7[%dma_wait3A, %dma_wait3A_37] : memref<125x128xf32, #tpu.memory_space<vmem>> -> memref<64x128xf32, #tpu.memory_space<vmem>>
        %dma_wait3A_39 = arith.constant 0 : i32
        %dma_wait3A_40 = tpu.memref_slice %arg9[%add3A_27, %dma_wait3A_39] : memref<10240x128xf32, #tpu.memory_space<vmem_shared>> -> memref<64x128xf32, #tpu.memory_space<vmem_shared>>
        %dma_wait3A_41 = arith.constant 0 : i32
        %dma_wait3A_42 = tpu.memref_slice %arg9[%add3A_27, %dma_wait3A_41] : memref<10240x128xf32, #tpu.memory_space<vmem_shared>> -> memref<64x128xf32, #tpu.memory_space<vmem_shared>>
        %dma_wait3A_43 = arith.constant 0 : i32
        %dma_wait3A_44 = arith.constant 0 : i32
        %dma_wait3A_45 = tpu.memref_slice %arg7[%dma_wait3A_43, %dma_wait3A_44] : memref<125x128xf32, #tpu.memory_space<vmem>> -> memref<64x128xf32, #tpu.memory_space<vmem>>
        tpu.wait_dma2 semaphore(%run_scoped3A : memref<!tpu.dma_semaphore, #tpu.memory_space<semaphore_mem>>) src(%dma_wait3A_45 : memref<64x128xf32, #tpu.memory_space<vmem>>) dst(%dma_wait3A_42 : memref<64x128xf32, #tpu.memory_space<vmem_shared>>)
        tpu.yield
      }) : () -> ()
    }
    %scan3A_9 = arith.constant 10 : i32
    %barrier3A = arith.constant 0 : index
    tpu.barrier barrier_id(%barrier3A)
    %scan3A_10 = arith.constant 0 : i32
    %scan3A_11 = arith.constant 2 : i32
    %scan3A_12 = arith.addi %scan3A_10, %scan3A_11 : i32
    %scan3A_13 = arith.constant 1 : i32
    scf.for %scan3A_20 = %scan3A_10 to %scan3A_12 step %scan3A_13  : i32 {
      %mul3A_21 = arith.constant 1 : i32
      %mul3A_22 = arith.muli %scan3A_20, %mul3A_21 : i32
      %add3A_23 = arith.constant 0 : i32
      %add3A_24 = arith.addi %add3A_23, %mul3A_22 : i32
      %mul3A_25 = arith.constant 40 : i32
      %mul3A_26 = arith.muli %add3A_24, %mul3A_25 : i32
      "tpu.region"() ({
        %run_scoped3A_61 = tpu.sem_alloc : memref<!tpu.dma_semaphore, #tpu.memory_space<semaphore_mem>>
        %dma_start3A_62 = arith.constant 0 : i32
        %dma_start3A_63 = arith.constant 0 : i32
        %dma_start3A_64 = tpu.memref_slice %arg6[%dma_start3A_62, %dma_start3A_63] : memref<80x125xi32, #tpu.memory_space<vmem>> -> memref<40x125xi32, #tpu.memory_space<vmem>>
        %dma_start3A_65 = arith.constant 0 : i32
        %dma_start3A_66 = arith.constant 0 : i32
        %dma_start3A_67 = tpu.memref_slice %arg3[%add3A, %dma_start3A_65, %dma_start3A_66] : memref<32x80x125xi32, #tpu.memory_space<hbm>> -> memref<1x80x125xi32, #tpu.memory_space<hbm>>
        %dma_start3A_68 = tpu.memref_squeeze %dma_start3A_67 : memref<1x80x125xi32, #tpu.memory_space<hbm>> -> memref<80x125xi32, #tpu.memory_space<hbm>>
        %dma_start3A_69 = arith.constant 0 : i32
        %dma_start3A_70 = tpu.memref_slice %dma_start3A_68[%mul3A_26, %dma_start3A_69] : memref<80x125xi32, #tpu.memory_space<hbm>> -> memref<40x125xi32, #tpu.memory_space<hbm>>
        %dma_start3A_71 = arith.constant 0 : i32
        %dma_start3A_72 = arith.constant 0 : i32
        %dma_start3A_73 = tpu.memref_slice %arg6[%dma_start3A_71, %dma_start3A_72] : memref<80x125xi32, #tpu.memory_space<vmem>> -> memref<40x125xi32, #tpu.memory_space<vmem>>
        %dma_start3A_74 = arith.constant 0 : i32
        %dma_start3A_75 = arith.constant 0 : i32
        %dma_start3A_76 = tpu.memref_slice %arg3[%add3A, %dma_start3A_74, %dma_start3A_75] : memref<32x80x125xi32, #tpu.memory_space<hbm>> -> memref<1x80x125xi32, #tpu.memory_space<hbm>>
        %dma_start3A_77 = tpu.memref_squeeze %dma_start3A_76 : memref<1x80x125xi32, #tpu.memory_space<hbm>> -> memref<80x125xi32, #tpu.memory_space<hbm>>
        %dma_start3A_78 = arith.constant 0 : i32
        %dma_start3A_79 = tpu.memref_slice %dma_start3A_77[%mul3A_26, %dma_start3A_78] : memref<80x125xi32, #tpu.memory_space<hbm>> -> memref<40x125xi32, #tpu.memory_space<hbm>>
        tpu.enqueue_dma source(%dma_start3A_79 : memref<40x125xi32, #tpu.memory_space<hbm>>) target(%dma_start3A_73 : memref<40x125xi32, #tpu.memory_space<vmem>>) target_semaphore(%run_scoped3A_61 : memref<!tpu.dma_semaphore, #tpu.memory_space<semaphore_mem>>)
        %dma_wait3A_80 = arith.constant 0 : i32
        %dma_wait3A_81 = arith.constant 0 : i32
        %dma_wait3A_82 = tpu.memref_slice %arg6[%dma_wait3A_80, %dma_wait3A_81] : memref<80x125xi32, #tpu.memory_space<vmem>> -> memref<40x125xi32, #tpu.memory_space<vmem>>
        %dma_wait3A_83 = arith.constant 0 : i32
        %dma_wait3A_84 = arith.constant 0 : i32
        %dma_wait3A_85 = tpu.memref_slice %arg3[%add3A, %dma_wait3A_83, %dma_wait3A_84] : memref<32x80x125xi32, #tpu.memory_space<hbm>> -> memref<1x80x125xi32, #tpu.memory_space<hbm>>
        %dma_wait3A_86 = tpu.memref_squeeze %dma_wait3A_85 : memref<1x80x125xi32, #tpu.memory_space<hbm>> -> memref<80x125xi32, #tpu.memory_space<hbm>>
        %dma_wait3A_87 = arith.constant 0 : i32
        %dma_wait3A_88 = tpu.memref_slice %dma_wait3A_86[%mul3A_26, %dma_wait3A_87] : memref<80x125xi32, #tpu.memory_space<hbm>> -> memref<40x125xi32, #tpu.memory_space<hbm>>
        %dma_wait3A_89 = arith.constant 0 : i32
        %dma_wait3A_90 = arith.constant 0 : i32
        %dma_wait3A_91 = tpu.memref_slice %arg6[%dma_wait3A_89, %dma_wait3A_90] : memref<80x125xi32, #tpu.memory_space<vmem>> -> memref<40x125xi32, #tpu.memory_space<vmem>>
        %dma_wait3A_92 = arith.constant 0 : i32
        %dma_wait3A_93 = arith.constant 0 : i32
        %dma_wait3A_94 = tpu.memref_slice %arg3[%add3A, %dma_wait3A_92, %dma_wait3A_93] : memref<32x80x125xi32, #tpu.memory_space<hbm>> -> memref<1x80x125xi32, #tpu.memory_space<hbm>>
        %dma_wait3A_95 = tpu.memref_squeeze %dma_wait3A_94 : memref<1x80x125xi32, #tpu.memory_space<hbm>> -> memref<80x125xi32, #tpu.memory_space<hbm>>
        %dma_wait3A_96 = arith.constant 0 : i32
        %dma_wait3A_97 = tpu.memref_slice %dma_wait3A_95[%mul3A_26, %dma_wait3A_96] : memref<80x125xi32, #tpu.memory_space<hbm>> -> memref<40x125xi32, #tpu.memory_space<hbm>>
        tpu.wait_dma2 semaphore(%run_scoped3A_61 : memref<!tpu.dma_semaphore, #tpu.memory_space<semaphore_mem>>) src(%dma_wait3A_97 : memref<40x125xi32, #tpu.memory_space<hbm>>) dst(%dma_wait3A_91 : memref<40x125xi32, #tpu.memory_space<vmem>>)
        tpu.yield
      }) : () -> ()
      %mul3A_27 = arith.constant 40 : i32
      %mul3A_28 = arith.muli %add3A_24, %mul3A_27 : i32
      "tpu.region"() ({
        %run_scoped3A_61 = tpu.sem_alloc : memref<!tpu.dma_semaphore, #tpu.memory_space<semaphore_mem>>
        %dma_start3A_62 = arith.constant 40 : i32
        %dma_start3A_63 = arith.constant 0 : i32
        %dma_start3A_64 = tpu.memref_slice %arg6[%dma_start3A_62, %dma_start3A_63] : memref<80x125xi32, #tpu.memory_space<vmem>> -> memref<40x125xi32, #tpu.memory_space<vmem>>
        %dma_start3A_65 = arith.constant 0 : i32
        %dma_start3A_66 = arith.constant 0 : i32
        %dma_start3A_67 = tpu.memref_slice %arg4[%add3A, %dma_start3A_65, %dma_start3A_66] : memref<32x80x125xi32, #tpu.memory_space<hbm>> -> memref<1x80x125xi32, #tpu.memory_space<hbm>>
        %dma_start3A_68 = tpu.memref_squeeze %dma_start3A_67 : memref<1x80x125xi32, #tpu.memory_space<hbm>> -> memref<80x125xi32, #tpu.memory_space<hbm>>
        %dma_start3A_69 = arith.constant 0 : i32
        %dma_start3A_70 = tpu.memref_slice %dma_start3A_68[%mul3A_28, %dma_start3A_69] : memref<80x125xi32, #tpu.memory_space<hbm>> -> memref<40x125xi32, #tpu.memory_space<hbm>>
        %dma_start3A_71 = arith.constant 40 : i32
        %dma_start3A_72 = arith.constant 0 : i32
        %dma_start3A_73 = tpu.memref_slice %arg6[%dma_start3A_71, %dma_start3A_72] : memref<80x125xi32, #tpu.memory_space<vmem>> -> memref<40x125xi32, #tpu.memory_space<vmem>>
        %dma_start3A_74 = arith.constant 0 : i32
        %dma_start3A_75 = arith.constant 0 : i32
        %dma_start3A_76 = tpu.memref_slice %arg4[%add3A, %dma_start3A_74, %dma_start3A_75] : memref<32x80x125xi32, #tpu.memory_space<hbm>> -> memref<1x80x125xi32, #tpu.memory_space<hbm>>
        %dma_start3A_77 = tpu.memref_squeeze %dma_start3A_76 : memref<1x80x125xi32, #tpu.memory_space<hbm>> -> memref<80x125xi32, #tpu.memory_space<hbm>>
        %dma_start3A_78 = arith.constant 0 : i32
        %dma_start3A_79 = tpu.memref_slice %dma_start3A_77[%mul3A_28, %dma_start3A_78] : memref<80x125xi32, #tpu.memory_space<hbm>> -> memref<40x125xi32, #tpu.memory_space<hbm>>
        tpu.enqueue_dma source(%dma_start3A_79 : memref<40x125xi32, #tpu.memory_space<hbm>>) target(%dma_start3A_73 : memref<40x125xi32, #tpu.memory_space<vmem>>) target_semaphore(%run_scoped3A_61 : memref<!tpu.dma_semaphore, #tpu.memory_space<semaphore_mem>>)
        %dma_wait3A_80 = arith.constant 40 : i32
        %dma_wait3A_81 = arith.constant 0 : i32
        %dma_wait3A_82 = tpu.memref_slice %arg6[%dma_wait3A_80, %dma_wait3A_81] : memref<80x125xi32, #tpu.memory_space<vmem>> -> memref<40x125xi32, #tpu.memory_space<vmem>>
        %dma_wait3A_83 = arith.constant 0 : i32
        %dma_wait3A_84 = arith.constant 0 : i32
        %dma_wait3A_85 = tpu.memref_slice %arg4[%add3A, %dma_wait3A_83, %dma_wait3A_84] : memref<32x80x125xi32, #tpu.memory_space<hbm>> -> memref<1x80x125xi32, #tpu.memory_space<hbm>>
        %dma_wait3A_86 = tpu.memref_squeeze %dma_wait3A_85 : memref<1x80x125xi32, #tpu.memory_space<hbm>> -> memref<80x125xi32, #tpu.memory_space<hbm>>
        %dma_wait3A_87 = arith.constant 0 : i32
        %dma_wait3A_88 = tpu.memref_slice %dma_wait3A_86[%mul3A_28, %dma_wait3A_87] : memref<80x125xi32, #tpu.memory_space<hbm>> -> memref<40x125xi32, #tpu.memory_space<hbm>>
        %dma_wait3A_89 = arith.constant 40 : i32
        %dma_wait3A_90 = arith.constant 0 : i32
        %dma_wait3A_91 = tpu.memref_slice %arg6[%dma_wait3A_89, %dma_wait3A_90] : memref<80x125xi32, #tpu.memory_space<vmem>> -> memref<40x125xi32, #tpu.memory_space<vmem>>
        %dma_wait3A_92 = arith.constant 0 : i32
        %dma_wait3A_93 = arith.constant 0 : i32
        %dma_wait3A_94 = tpu.memref_slice %arg4[%add3A, %dma_wait3A_92, %dma_wait3A_93] : memref<32x80x125xi32, #tpu.memory_space<hbm>> -> memref<1x80x125xi32, #tpu.memory_space<hbm>>
        %dma_wait3A_95 = tpu.memref_squeeze %dma_wait3A_94 : memref<1x80x125xi32, #tpu.memory_space<hbm>> -> memref<80x125xi32, #tpu.memory_space<hbm>>
        %dma_wait3A_96 = arith.constant 0 : i32
        %dma_wait3A_97 = tpu.memref_slice %dma_wait3A_95[%mul3A_28, %dma_wait3A_96] : memref<80x125xi32, #tpu.memory_space<hbm>> -> memref<40x125xi32, #tpu.memory_space<hbm>>
        tpu.wait_dma2 semaphore(%run_scoped3A_61 : memref<!tpu.dma_semaphore, #tpu.memory_space<semaphore_mem>>) src(%dma_wait3A_97 : memref<40x125xi32, #tpu.memory_space<hbm>>) dst(%dma_wait3A_91 : memref<40x125xi32, #tpu.memory_space<vmem>>)
        tpu.yield
      }) : () -> ()
      %dma_start3A = arith.constant 0 : i32
      %dma_start3A_29 = arith.constant 0 : i32
      %dma_start3A_30 = tpu.memref_slice %arg6[%dma_start3A, %dma_start3A_29] : memref<80x125xi32, #tpu.memory_space<vmem>> -> memref<1x125xi32, #tpu.memory_space<vmem>>
      %dma_start3A_31 = tpu.memref_squeeze %dma_start3A_30 : memref<1x125xi32, #tpu.memory_space<vmem>> -> memref<125xi32, #tpu.memory_space<vmem>>
      %dma_start3A_32 = arith.constant 0 : i32
      %dma_start3A_33 = arith.constant 0 : i32
      %dma_start3A_34 = tpu.memref_slice %arg2[%dma_start3A_32, %dma_start3A_33] : memref<10240x128xf32, #tpu.memory_space<hbm>> -> memref<10240x128xf32, #tpu.memory_space<hbm>>
      tpu.enqueue_indirect_dma source(%dma_start3A_34 : memref<10240x128xf32, #tpu.memory_space<hbm>>) target(%arg7 : memref<125x128xf32, #tpu.memory_space<vmem>>) offsets(%dma_start3A_31 : memref<125xi32, #tpu.memory_space<vmem>>) semaphore(%arg10 : memref<!tpu.dma_semaphore, #tpu.memory_space<semaphore_mem>>)
      %dma_start3A_35 = arith.constant 1 : i32
      %dma_start3A_36 = arith.constant 0 : i32
      %dma_start3A_37 = tpu.memref_slice %arg6[%dma_start3A_35, %dma_start3A_36] : memref<80x125xi32, #tpu.memory_space<vmem>> -> memref<1x125xi32, #tpu.memory_space<vmem>>
      %dma_start3A_38 = tpu.memref_squeeze %dma_start3A_37 : memref<1x125xi32, #tpu.memory_space<vmem>> -> memref<125xi32, #tpu.memory_space<vmem>>
      %dma_start3A_39 = arith.constant 0 : i32
      %dma_start3A_40 = arith.constant 0 : i32
      %dma_start3A_41 = tpu.memref_slice %arg2[%dma_start3A_39, %dma_start3A_40] : memref<10240x128xf32, #tpu.memory_space<hbm>> -> memref<10240x128xf32, #tpu.memory_space<hbm>>
      tpu.enqueue_indirect_dma source(%dma_start3A_41 : memref<10240x128xf32, #tpu.memory_space<hbm>>) target(%arg8 : memref<125x128xf32, #tpu.memory_space<vmem>>) offsets(%dma_start3A_38 : memref<125xi32, #tpu.memory_space<vmem>>) semaphore(%arg11 : memref<!tpu.dma_semaphore, #tpu.memory_space<semaphore_mem>>)
      %scan3A_42 = arith.constant 0 : i32
      %scan3A_43 = arith.constant 19 : i32
      %scan3A_44 = arith.addi %scan3A_42, %scan3A_43 : i32
      %scan3A_45 = arith.constant 1 : i32
      scf.for %scan3A_61 = %scan3A_42 to %scan3A_44 step %scan3A_45  : i32 {
        %mul3A_62 = arith.constant 2 : i32
        %mul3A_63 = arith.muli %scan3A_61, %mul3A_62 : i32
        %add3A_64 = arith.constant 0 : i32
        %add3A_65 = arith.addi %add3A_64, %mul3A_63 : i32
        %dma_wait3A_66 = arith.constant 0 : i32
        %dma_wait3A_67 = tpu.memref_slice %arg6[%add3A_65, %dma_wait3A_66] : memref<80x125xi32, #tpu.memory_space<vmem>> -> memref<1x125xi32, #tpu.memory_space<vmem>>
        %dma_wait3A_68 = tpu.memref_squeeze %dma_wait3A_67 : memref<1x125xi32, #tpu.memory_space<vmem>> -> memref<125xi32, #tpu.memory_space<vmem>>
        %dma_wait3A_69 = arith.constant 0 : i32
        %dma_wait3A_70 = arith.constant 0 : i32
        %dma_wait3A_71 = tpu.memref_slice %arg2[%dma_wait3A_69, %dma_wait3A_70] : memref<10240x128xf32, #tpu.memory_space<hbm>> -> memref<10240x128xf32, #tpu.memory_space<hbm>>
        tpu.wait_indirect_dma semaphore(%arg10 : memref<!tpu.dma_semaphore, #tpu.memory_space<semaphore_mem>>) src(%dma_wait3A_71 : memref<10240x128xf32, #tpu.memory_space<hbm>>) dst(%arg7 : memref<125x128xf32, #tpu.memory_space<vmem>>)
        %add3A_72 = arith.constant 40 : i32
        %add3A_73 = arith.addi %add3A_72, %add3A_65 : i32
        %dma_start3A_74 = arith.constant 0 : i32
        %dma_start3A_75 = tpu.memref_slice %arg6[%add3A_73, %dma_start3A_74] : memref<80x125xi32, #tpu.memory_space<vmem>> -> memref<1x125xi32, #tpu.memory_space<vmem>>
        %dma_start3A_76 = tpu.memref_squeeze %dma_start3A_75 : memref<1x125xi32, #tpu.memory_space<vmem>> -> memref<125xi32, #tpu.memory_space<vmem>>
        %dma_start3A_77 = arith.constant 0 : i32
        %dma_start3A_78 = arith.constant 0 : i32
        %dma_start3A_79 = tpu.memref_slice %arg9[%dma_start3A_77, %dma_start3A_78] : memref<10240x128xf32, #tpu.memory_space<vmem_shared>> -> memref<10240x128xf32, #tpu.memory_space<vmem_shared>>
        tpu.enqueue_indirect_dma source(%arg7 : memref<125x128xf32, #tpu.memory_space<vmem>>) target(%dma_start3A_79 : memref<10240x128xf32, #tpu.memory_space<vmem_shared>>) offsets(%dma_start3A_76 : memref<125xi32, #tpu.memory_space<vmem>>) semaphore(%arg12 : memref<!tpu.dma_semaphore, #tpu.memory_space<semaphore_mem>>) {add = true}
        %add3A_80 = arith.constant 1 : i32
        %add3A_81 = arith.addi %add3A_65, %add3A_80 : i32
        %dma_wait3A_82 = arith.constant 0 : i32
        %dma_wait3A_83 = tpu.memref_slice %arg6[%add3A_81, %dma_wait3A_82] : memref<80x125xi32, #tpu.memory_space<vmem>> -> memref<1x125xi32, #tpu.memory_space<vmem>>
        %dma_wait3A_84 = tpu.memref_squeeze %dma_wait3A_83 : memref<1x125xi32, #tpu.memory_space<vmem>> -> memref<125xi32, #tpu.memory_space<vmem>>
        %dma_wait3A_85 = arith.constant 0 : i32
        %dma_wait3A_86 = arith.constant 0 : i32
        %dma_wait3A_87 = tpu.memref_slice %arg2[%dma_wait3A_85, %dma_wait3A_86] : memref<10240x128xf32, #tpu.memory_space<hbm>> -> memref<10240x128xf32, #tpu.memory_space<hbm>>
        tpu.wait_indirect_dma semaphore(%arg11 : memref<!tpu.dma_semaphore, #tpu.memory_space<semaphore_mem>>) src(%dma_wait3A_87 : memref<10240x128xf32, #tpu.memory_space<hbm>>) dst(%arg8 : memref<125x128xf32, #tpu.memory_space<vmem>>)
        %add3A_88 = arith.constant 40 : i32
        %add3A_89 = arith.addi %add3A_88, %add3A_65 : i32
        %add3A_90 = arith.constant 1 : i32
        %add3A_91 = arith.addi %add3A_89, %add3A_90 : i32
        %dma_start3A_92 = arith.constant 0 : i32
        %dma_start3A_93 = tpu.memref_slice %arg6[%add3A_91, %dma_start3A_92] : memref<80x125xi32, #tpu.memory_space<vmem>> -> memref<1x125xi32, #tpu.memory_space<vmem>>
        %dma_start3A_94 = tpu.memref_squeeze %dma_start3A_93 : memref<1x125xi32, #tpu.memory_space<vmem>> -> memref<125xi32, #tpu.memory_space<vmem>>
        %dma_start3A_95 = arith.constant 0 : i32
        %dma_start3A_96 = arith.constant 0 : i32
        %dma_start3A_97 = tpu.memref_slice %arg9[%dma_start3A_95, %dma_start3A_96] : memref<10240x128xf32, #tpu.memory_space<vmem_shared>> -> memref<10240x128xf32, #tpu.memory_space<vmem_shared>>
        tpu.enqueue_indirect_dma source(%arg8 : memref<125x128xf32, #tpu.memory_space<vmem>>) target(%dma_start3A_97 : memref<10240x128xf32, #tpu.memory_space<vmem_shared>>) offsets(%dma_start3A_94 : memref<125xi32, #tpu.memory_space<vmem>>) semaphore(%arg13 : memref<!tpu.dma_semaphore, #tpu.memory_space<semaphore_mem>>) {add = true}
        %add3A_98 = arith.constant 40 : i32
        %add3A_99 = arith.addi %add3A_98, %add3A_65 : i32
        %dma_wait3A_100 = arith.constant 0 : i32
        %dma_wait3A_101 = tpu.memref_slice %arg6[%add3A_99, %dma_wait3A_100] : memref<80x125xi32, #tpu.memory_space<vmem>> -> memref<1x125xi32, #tpu.memory_space<vmem>>
        %dma_wait3A_102 = tpu.memref_squeeze %dma_wait3A_101 : memref<1x125xi32, #tpu.memory_space<vmem>> -> memref<125xi32, #tpu.memory_space<vmem>>
        %dma_wait3A_103 = arith.constant 0 : i32
        %dma_wait3A_104 = arith.constant 0 : i32
        %dma_wait3A_105 = tpu.memref_slice %arg9[%dma_wait3A_103, %dma_wait3A_104] : memref<10240x128xf32, #tpu.memory_space<vmem_shared>> -> memref<10240x128xf32, #tpu.memory_space<vmem_shared>>
        tpu.wait_indirect_dma semaphore(%arg12 : memref<!tpu.dma_semaphore, #tpu.memory_space<semaphore_mem>>) src(%arg7 : memref<125x128xf32, #tpu.memory_space<vmem>>) dst(%dma_wait3A_105 : memref<10240x128xf32, #tpu.memory_space<vmem_shared>>)
        %add3A_106 = arith.constant 2 : i32
        %add3A_107 = arith.addi %add3A_65, %add3A_106 : i32
        %dma_start3A_108 = arith.constant 0 : i32
        %dma_start3A_109 = tpu.memref_slice %arg6[%add3A_107, %dma_start3A_108] : memref<80x125xi32, #tpu.memory_space<vmem>> -> memref<1x125xi32, #tpu.memory_space<vmem>>
        %dma_start3A_110 = tpu.memref_squeeze %dma_start3A_109 : memref<1x125xi32, #tpu.memory_space<vmem>> -> memref<125xi32, #tpu.memory_space<vmem>>
        %dma_start3A_111 = arith.constant 0 : i32
        %dma_start3A_112 = arith.constant 0 : i32
        %dma_start3A_113 = tpu.memref_slice %arg2[%dma_start3A_111, %dma_start3A_112] : memref<10240x128xf32, #tpu.memory_space<hbm>> -> memref<10240x128xf32, #tpu.memory_space<hbm>>
        tpu.enqueue_indirect_dma source(%dma_start3A_113 : memref<10240x128xf32, #tpu.memory_space<hbm>>) target(%arg7 : memref<125x128xf32, #tpu.memory_space<vmem>>) offsets(%dma_start3A_110 : memref<125xi32, #tpu.memory_space<vmem>>) semaphore(%arg10 : memref<!tpu.dma_semaphore, #tpu.memory_space<semaphore_mem>>)
        %add3A_114 = arith.constant 40 : i32
        %add3A_115 = arith.addi %add3A_114, %add3A_65 : i32
        %add3A_116 = arith.constant 1 : i32
        %add3A_117 = arith.addi %add3A_115, %add3A_116 : i32
        %dma_wait3A_118 = arith.constant 0 : i32
        %dma_wait3A_119 = tpu.memref_slice %arg6[%add3A_117, %dma_wait3A_118] : memref<80x125xi32, #tpu.memory_space<vmem>> -> memref<1x125xi32, #tpu.memory_space<vmem>>
        %dma_wait3A_120 = tpu.memref_squeeze %dma_wait3A_119 : memref<1x125xi32, #tpu.memory_space<vmem>> -> memref<125xi32, #tpu.memory_space<vmem>>
        %dma_wait3A_121 = arith.constant 0 : i32
        %dma_wait3A_122 = arith.constant 0 : i32
        %dma_wait3A_123 = tpu.memref_slice %arg9[%dma_wait3A_121, %dma_wait3A_122] : memref<10240x128xf32, #tpu.memory_space<vmem_shared>> -> memref<10240x128xf32, #tpu.memory_space<vmem_shared>>
        tpu.wait_indirect_dma semaphore(%arg13 : memref<!tpu.dma_semaphore, #tpu.memory_space<semaphore_mem>>) src(%arg8 : memref<125x128xf32, #tpu.memory_space<vmem>>) dst(%dma_wait3A_123 : memref<10240x128xf32, #tpu.memory_space<vmem_shared>>)
        %add3A_124 = arith.constant 3 : i32
        %add3A_125 = arith.addi %add3A_65, %add3A_124 : i32
        %dma_start3A_126 = arith.constant 0 : i32
        %dma_start3A_127 = tpu.memref_slice %arg6[%add3A_125, %dma_start3A_126] : memref<80x125xi32, #tpu.memory_space<vmem>> -> memref<1x125xi32, #tpu.memory_space<vmem>>
        %dma_start3A_128 = tpu.memref_squeeze %dma_start3A_127 : memref<1x125xi32, #tpu.memory_space<vmem>> -> memref<125xi32, #tpu.memory_space<vmem>>
        %dma_start3A_129 = arith.constant 0 : i32
        %dma_start3A_130 = arith.constant 0 : i32
        %dma_start3A_131 = tpu.memref_slice %arg2[%dma_start3A_129, %dma_start3A_130] : memref<10240x128xf32, #tpu.memory_space<hbm>> -> memref<10240x128xf32, #tpu.memory_space<hbm>>
        tpu.enqueue_indirect_dma source(%dma_start3A_131 : memref<10240x128xf32, #tpu.memory_space<hbm>>) target(%arg8 : memref<125x128xf32, #tpu.memory_space<vmem>>) offsets(%dma_start3A_128 : memref<125xi32, #tpu.memory_space<vmem>>) semaphore(%arg11 : memref<!tpu.dma_semaphore, #tpu.memory_space<semaphore_mem>>)
      }
      %scan3A_46 = arith.constant 19 : i32
      %dma_wait3A = arith.constant 38 : i32
      %dma_wait3A_47 = arith.constant 0 : i32
      %dma_wait3A_48 = tpu.memref_slice %arg6[%dma_wait3A, %dma_wait3A_47] : memref<80x125xi32, #tpu.memory_space<vmem>> -> memref<1x125xi32, #tpu.memory_space<vmem>>
      %dma_wait3A_49 = tpu.memref_squeeze %dma_wait3A_48 : memref<1x125xi32, #tpu.memory_space<vmem>> -> memref<125xi32, #tpu.memory_space<vmem>>
      %dma_wait3A_50 = arith.constant 0 : i32
      %dma_wait3A_51 = arith.constant 0 : i32
      %dma_wait3A_52 = tpu.memref_slice %arg2[%dma_wait3A_50, %dma_wait3A_51] : memref<10240x128xf32, #tpu.memory_space<hbm>> -> memref<10240x128xf32, #tpu.memory_space<hbm>>
      tpu.wait_indirect_dma semaphore(%arg10 : memref<!tpu.dma_semaphore, #tpu.memory_space<semaphore_mem>>) src(%dma_wait3A_52 : memref<10240x128xf32, #tpu.memory_space<hbm>>) dst(%arg7 : memref<125x128xf32, #tpu.memory_space<vmem>>)
      %run_scoped3A = arith.constant 78 : i32
      "tpu.region"() ({
        %run_scoped3A_61 = tpu.sem_alloc : memref<!tpu.dma_semaphore, #tpu.memory_space<semaphore_mem>>
        %dma_start3A_62 = arith.constant 0 : i32
        %dma_start3A_63 = tpu.memref_slice %arg6[%run_scoped3A, %dma_start3A_62] : memref<80x125xi32, #tpu.memory_space<vmem>> -> memref<1x125xi32, #tpu.memory_space<vmem>>
        %dma_start3A_64 = tpu.memref_squeeze %dma_start3A_63 : memref<1x125xi32, #tpu.memory_space<vmem>> -> memref<125xi32, #tpu.memory_space<vmem>>
        %dma_start3A_65 = arith.constant 0 : i32
        %dma_start3A_66 = arith.constant 0 : i32
        %dma_start3A_67 = tpu.memref_slice %arg9[%dma_start3A_65, %dma_start3A_66] : memref<10240x128xf32, #tpu.memory_space<vmem_shared>> -> memref<10240x128xf32, #tpu.memory_space<vmem_shared>>
        tpu.enqueue_indirect_dma source(%arg7 : memref<125x128xf32, #tpu.memory_space<vmem>>) target(%dma_start3A_67 : memref<10240x128xf32, #tpu.memory_space<vmem_shared>>) offsets(%dma_start3A_64 : memref<125xi32, #tpu.memory_space<vmem>>) semaphore(%run_scoped3A_61 : memref<!tpu.dma_semaphore, #tpu.memory_space<semaphore_mem>>) {add = true}
        %dma_wait3A_68 = arith.constant 0 : i32
        %dma_wait3A_69 = tpu.memref_slice %arg6[%run_scoped3A, %dma_wait3A_68] : memref<80x125xi32, #tpu.memory_space<vmem>> -> memref<1x125xi32, #tpu.memory_space<vmem>>
        %dma_wait3A_70 = tpu.memref_squeeze %dma_wait3A_69 : memref<1x125xi32, #tpu.memory_space<vmem>> -> memref<125xi32, #tpu.memory_space<vmem>>
        %dma_wait3A_71 = arith.constant 0 : i32
        %dma_wait3A_72 = arith.constant 0 : i32
        %dma_wait3A_73 = tpu.memref_slice %arg9[%dma_wait3A_71, %dma_wait3A_72] : memref<10240x128xf32, #tpu.memory_space<vmem_shared>> -> memref<10240x128xf32, #tpu.memory_space<vmem_shared>>
        tpu.wait_indirect_dma semaphore(%run_scoped3A_61 : memref<!tpu.dma_semaphore, #tpu.memory_space<semaphore_mem>>) src(%arg7 : memref<125x128xf32, #tpu.memory_space<vmem>>) dst(%dma_wait3A_73 : memref<10240x128xf32, #tpu.memory_space<vmem_shared>>)
        tpu.yield
      }) : () -> ()
      %dma_wait3A_53 = arith.constant 39 : i32
      %dma_wait3A_54 = arith.constant 0 : i32
      %dma_wait3A_55 = tpu.memref_slice %arg6[%dma_wait3A_53, %dma_wait3A_54] : memref<80x125xi32, #tpu.memory_space<vmem>> -> memref<1x125xi32, #tpu.memory_space<vmem>>
      %dma_wait3A_56 = tpu.memref_squeeze %dma_wait3A_55 : memref<1x125xi32, #tpu.memory_space<vmem>> -> memref<125xi32, #tpu.memory_space<vmem>>
      %dma_wait3A_57 = arith.constant 0 : i32
      %dma_wait3A_58 = arith.constant 0 : i32
      %dma_wait3A_59 = tpu.memref_slice %arg2[%dma_wait3A_57, %dma_wait3A_58] : memref<10240x128xf32, #tpu.memory_space<hbm>> -> memref<10240x128xf32, #tpu.memory_space<hbm>>
      tpu.wait_indirect_dma semaphore(%arg11 : memref<!tpu.dma_semaphore, #tpu.memory_space<semaphore_mem>>) src(%dma_wait3A_59 : memref<10240x128xf32, #tpu.memory_space<hbm>>) dst(%arg8 : memref<125x128xf32, #tpu.memory_space<vmem>>)
      %run_scoped3A_60 = arith.constant 79 : i32
      "tpu.region"() ({
        %run_scoped3A_61 = tpu.sem_alloc : memref<!tpu.dma_semaphore, #tpu.memory_space<semaphore_mem>>
        %dma_start3A_62 = arith.constant 0 : i32
        %dma_start3A_63 = tpu.memref_slice %arg6[%run_scoped3A_60, %dma_start3A_62] : memref<80x125xi32, #tpu.memory_space<vmem>> -> memref<1x125xi32, #tpu.memory_space<vmem>>
        %dma_start3A_64 = tpu.memref_squeeze %dma_start3A_63 : memref<1x125xi32, #tpu.memory_space<vmem>> -> memref<125xi32, #tpu.memory_space<vmem>>
        %dma_start3A_65 = arith.constant 0 : i32
        %dma_start3A_66 = arith.constant 0 : i32
        %dma_start3A_67 = tpu.memref_slice %arg9[%dma_start3A_65, %dma_start3A_66] : memref<10240x128xf32, #tpu.memory_space<vmem_shared>> -> memref<10240x128xf32, #tpu.memory_space<vmem_shared>>
        tpu.enqueue_indirect_dma source(%arg8 : memref<125x128xf32, #tpu.memory_space<vmem>>) target(%dma_start3A_67 : memref<10240x128xf32, #tpu.memory_space<vmem_shared>>) offsets(%dma_start3A_64 : memref<125xi32, #tpu.memory_space<vmem>>) semaphore(%run_scoped3A_61 : memref<!tpu.dma_semaphore, #tpu.memory_space<semaphore_mem>>) {add = true}
        %dma_wait3A_68 = arith.constant 0 : i32
        %dma_wait3A_69 = tpu.memref_slice %arg6[%run_scoped3A_60, %dma_wait3A_68] : memref<80x125xi32, #tpu.memory_space<vmem>> -> memref<1x125xi32, #tpu.memory_space<vmem>>
        %dma_wait3A_70 = tpu.memref_squeeze %dma_wait3A_69 : memref<1x125xi32, #tpu.memory_space<vmem>> -> memref<125xi32, #tpu.memory_space<vmem>>
        %dma_wait3A_71 = arith.constant 0 : i32
        %dma_wait3A_72 = arith.constant 0 : i32
        %dma_wait3A_73 = tpu.memref_slice %arg9[%dma_wait3A_71, %dma_wait3A_72] : memref<10240x128xf32, #tpu.memory_space<vmem_shared>> -> memref<10240x128xf32, #tpu.memory_space<vmem_shared>>
        tpu.wait_indirect_dma semaphore(%run_scoped3A_61 : memref<!tpu.dma_semaphore, #tpu.memory_space<semaphore_mem>>) src(%arg8 : memref<125x128xf32, #tpu.memory_space<vmem>>) dst(%dma_wait3A_73 : memref<10240x128xf32, #tpu.memory_space<vmem_shared>>)
        tpu.yield
      }) : () -> ()
    }
    %scan3A_14 = arith.constant 2 : i32
    %barrier3A_15 = arith.constant 0 : index
    tpu.barrier barrier_id(%barrier3A_15)
    %mul3A_16 = arith.constant 640 : i32
    %mul3A_17 = arith.muli %arg1, %mul3A_16 : i32
    %mul3A_18 = arith.constant 640 : i32
    %mul3A_19 = arith.muli %arg1, %mul3A_18 : i32
    "tpu.region"() ({
      %run_scoped3A = tpu.sem_alloc : memref<!tpu.dma_semaphore, #tpu.memory_space<semaphore_mem>>
      %dma_start3A = arith.constant 0 : i32
      %dma_start3A_20 = arith.constant 0 : i32
      %dma_start3A_21 = tpu.memref_slice %arg5[%arg0, %dma_start3A, %dma_start3A_20] : memref<2x10240x128xf32, #tpu.memory_space<hbm>> -> memref<1x10240x128xf32, #tpu.memory_space<hbm>>
      %dma_start3A_22 = tpu.memref_squeeze %dma_start3A_21 : memref<1x10240x128xf32, #tpu.memory_space<hbm>> -> memref<10240x128xf32, #tpu.memory_space<hbm>>
      %dma_start3A_23 = arith.constant 0 : i32
      %dma_start3A_24 = tpu.memref_slice %dma_start3A_22[%mul3A_19, %dma_start3A_23] : memref<10240x128xf32, #tpu.memory_space<hbm>> -> memref<640x128xf32, #tpu.memory_space<hbm>>
      %dma_start3A_25 = arith.constant 0 : i32
      %dma_start3A_26 = tpu.memref_slice %arg9[%mul3A_17, %dma_start3A_25] : memref<10240x128xf32, #tpu.memory_space<vmem_shared>> -> memref<640x128xf32, #tpu.memory_space<vmem_shared>>
      tpu.enqueue_dma source(%dma_start3A_26 : memref<640x128xf32, #tpu.memory_space<vmem_shared>>) target(%dma_start3A_24 : memref<640x128xf32, #tpu.memory_space<hbm>>) target_semaphore(%run_scoped3A : memref<!tpu.dma_semaphore, #tpu.memory_space<semaphore_mem>>)
      %dma_wait3A = arith.constant 0 : i32
      %dma_wait3A_27 = arith.constant 0 : i32
      %dma_wait3A_28 = tpu.memref_slice %arg5[%arg0, %dma_wait3A, %dma_wait3A_27] : memref<2x10240x128xf32, #tpu.memory_space<hbm>> -> memref<1x10240x128xf32, #tpu.memory_space<hbm>>
      %dma_wait3A_29 = tpu.memref_squeeze %dma_wait3A_28 : memref<1x10240x128xf32, #tpu.memory_space<hbm>> -> memref<10240x128xf32, #tpu.memory_space<hbm>>
      %dma_wait3A_30 = arith.constant 0 : i32
      %dma_wait3A_31 = tpu.memref_slice %dma_wait3A_29[%mul3A_19, %dma_wait3A_30] : memref<10240x128xf32, #tpu.memory_space<hbm>> -> memref<640x128xf32, #tpu.memory_space<hbm>>
      %dma_wait3A_32 = arith.constant 0 : i32
      %dma_wait3A_33 = tpu.memref_slice %arg9[%mul3A_17, %dma_wait3A_32] : memref<10240x128xf32, #tpu.memory_space<vmem_shared>> -> memref<640x128xf32, #tpu.memory_space<vmem_shared>>
      tpu.wait_dma2 semaphore(%run_scoped3A : memref<!tpu.dma_semaphore, #tpu.memory_space<semaphore_mem>>) src(%dma_wait3A_33 : memref<640x128xf32, #tpu.memory_space<vmem_shared>>) dst(%dma_wait3A_31 : memref<640x128xf32, #tpu.memory_space<hbm>>)
      tpu.yield
    }) : () -> ()
    return
  }
}

module attributes {stable_mosaic.version = 14 : i64} {
  func.func @_tc_enc_body(%arg0: i32, %arg1: memref<1024x128xf32, #tpu.memory_space<vmem>>, %arg2: memref<128x128xf32, #tpu.memory_space<vmem>>, %arg3: memref<1x128xf32, #tpu.memory_space<vmem>>, %arg4: memref<1024x128xf32, #tpu.memory_space<vmem>>) attributes {dimension_semantics = [#tpu.dimension_semantics<arbitrary>], iteration_bounds = array<i64: 10>, scalar_prefetch = 0 : i64, scratch_operands = 0 : i64, tpu.core_type = #tpu.core_type<tc>, window_params = [{transform_indices = @transform_0, window_bounds = array<i64: 1024, 128>}, {pipeline_mode = #tpu.pipeline_mode<synchronous>, transform_indices = @transform_1, window_bounds = array<i64: 128, 128>}, {pipeline_mode = #tpu.pipeline_mode<synchronous>, transform_indices = @transform_2, window_bounds = array<i64: 1, 128>}, {transform_indices = @transform_3, window_bounds = array<i64: 1024, 128>}]} {
    %get3A = arith.constant 0 : index
    %get3A_0 = arith.constant 0 : index
    %get3A_1 = vector.load %arg1[%get3A, %get3A_0] : memref<1024x128xf32, #tpu.memory_space<vmem>>, vector<1024x128xf32>
    %get3A_2 = arith.constant 0 : index
    %get3A_3 = arith.constant 0 : index
    %get3A_4 = vector.load %arg2[%get3A_2, %get3A_3] : memref<128x128xf32, #tpu.memory_space<vmem>>, vector<128x128xf32>
    %dot_general3A = arith.constant dense<0.000000e+00> : vector<1024x128xf32>
    %dot_general3A_5 = tpu.matmul %get3A_1, %get3A_4, %dot_general3A {dimension_numbers = #tpu.dot_dimension_numbers<[1], [0], [0], [1], [0, 0, 1, 1], [], []>, transpose_lhs_hint = false} : vector<1024x128xf32>, vector<128x128xf32>, vector<1024x128xf32> -> vector<1024x128xf32>
    %get3A_6 = arith.constant 0 : index
    %get3A_7 = arith.constant 0 : index
    %get3A_8 = vector.load %arg3[%get3A_6, %get3A_7] : memref<1x128xf32, #tpu.memory_space<vmem>>, vector<1x128xf32>
    %add3A = vector.broadcast %get3A_8 : vector<1x128xf32> to vector<1024x128xf32>
    %add3A_9 = arith.addf %dot_general3A_5, %add3A : vector<1024x128xf32>
    %max3A = arith.constant 0.000000e+00 : f32
    %max3A_10 = vector.broadcast %max3A : f32 to vector<1024x128xf32>
    %max3A_11 = arith.maximumf %add3A_9, %max3A_10 : vector<1024x128xf32>
    %swap3A = arith.constant 0 : index
    %swap3A_12 = arith.constant 0 : index
    %swap3A_13 = vector.load %arg4[%swap3A, %swap3A_12] : memref<1024x128xf32, #tpu.memory_space<vmem>>, vector<1024x128xf32>
    tpu.vector_store %arg4[%swap3A, %swap3A_12], %max3A_11 {strides = array<i32>} : memref<1024x128xf32, #tpu.memory_space<vmem>>, vector<1024x128xf32>,
    return
  }
  func.func @transform_0(%arg0: i32) -> (i32, i32) {
    %c0_i32 = arith.constant 0 : i32
    %c0_i32_0 = arith.constant 0 : i32
    return %arg0, %c0_i32 : i32, i32
  }
  func.func @transform_1(%arg0: i32) -> (i32, i32) {
    %c0_i32 = arith.constant 0 : i32
    %c0_i32_0 = arith.constant 0 : i32
    %c0_i32_1 = arith.constant 0 : i32
    return %c0_i32, %c0_i32_0 : i32, i32
  }
  func.func @transform_2(%arg0: i32) -> (i32, i32) {
    %c0_i32 = arith.constant 0 : i32
    %c0_i32_0 = arith.constant 0 : i32
    %c0_i32_1 = arith.constant 0 : i32
    return %c0_i32, %c0_i32_0 : i32, i32
  }
  func.func @transform_3(%arg0: i32) -> (i32, i32) {
    %c0_i32 = arith.constant 0 : i32
    %c0_i32_0 = arith.constant 0 : i32
    return %arg0, %c0_i32 : i32, i32
  }
}

module attributes {stable_mosaic.version = 14 : i64} {
  func.func @_tc0_body(%arg0: i32, %arg1: memref<1024x128xf32, #tpu.memory_space<vmem>>, %arg2: memref<1x1024x16xf32, #tpu.memory_space<vmem>>, %arg3: memref<1x1024x16xf32, #tpu.memory_space<vmem>>, %arg4: memref<128x128xf32, #tpu.memory_space<vmem>>, %arg5: memref<1024x128xf32, #tpu.memory_space<vmem>>, %arg6: memref<1024x16xf32, #tpu.memory_space<vmem>>) attributes {dimension_semantics = [#tpu.dimension_semantics<arbitrary>], iteration_bounds = array<i64: 10>, scalar_prefetch = 0 : i64, scratch_operands = 0 : i64, tpu.core_type = #tpu.core_type<tc>, window_params = [{transform_indices = @transform_0, window_bounds = array<i64: 1024, 128>}, {transform_indices = @transform_1, window_bounds = array<i64: 1, 1024, 16>}, {transform_indices = @transform_2, window_bounds = array<i64: 1, 1024, 16>}, {pipeline_mode = #tpu.pipeline_mode<synchronous>, transform_indices = @transform_3, window_bounds = array<i64: 128, 128>}, {transform_indices = @transform_4, window_bounds = array<i64: 1024, 128>}, {transform_indices = @transform_5, window_bounds = array<i64: 1024, 16>}]} {
    %get3A = arith.constant 0 : index
    %get3A_0 = arith.constant 0 : index
    %get3A_1 = arith.constant 0 : index
    %get3A_2 = vector.load %arg2[%get3A, %get3A_0, %get3A_1] : memref<1x1024x16xf32, #tpu.memory_space<vmem>>, vector<1x1024x16xf32>
    %get3A_3 = vector.shape_cast %get3A_2 : vector<1x1024x16xf32> to vector<1024x16xf32>
    %slice3A = vector.extract_strided_slice %get3A_3 {offsets = [0, 0], sizes = [1024, 1], strides = [1, 1]} : vector<1024x16xf32> to vector<1024x1xf32>
    %get3A_4 = arith.constant 0 : index
    %get3A_5 = arith.constant 0 : index
    %get3A_6 = arith.constant 0 : index
    %get3A_7 = vector.load %arg3[%get3A_4, %get3A_5, %get3A_6] : memref<1x1024x16xf32, #tpu.memory_space<vmem>>, vector<1x1024x16xf32>
    %get3A_8 = vector.shape_cast %get3A_7 : vector<1x1024x16xf32> to vector<1024x16xf32>
    %slice3A_9 = vector.extract_strided_slice %get3A_8 {offsets = [0, 0], sizes = [1024, 1], strides = [1, 1]} : vector<1024x16xf32> to vector<1024x1xf32>
    %add3A = arith.addf %slice3A, %slice3A_9 : vector<1024x1xf32>
    %iota3A = tpu.iota {dimensions = array<i32: 0>} : vector<1024x1xi32>
    %mul3A = arith.constant 1024 : i32
    %mul3A_10 = arith.muli %arg0, %mul3A : i32
    %add3A_11 = vector.broadcast %mul3A_10 : i32 to vector<1024x1xi32>
    %add3A_12 = arith.addi %iota3A, %add3A_11 : vector<1024x1xi32>
    %lt3A = arith.constant 10000 : i32
    %lt3A_13 = vector.broadcast %lt3A : i32 to vector<1024x1xi32>
    %lt3A_14 = arith.cmpi slt, %add3A_12, %lt3A_13 : vector<1024x1xi32>
    %add3A_15 = arith.constant 1.000000e+00 : f32
    %add3A_16 = vector.broadcast %add3A_15 : f32 to vector<1024x1xf32>
    %add3A_17 = arith.addf %add3A, %add3A_16 : vector<1024x1xf32>
    %rsqrt3A = math.rsqrt %add3A_17 : vector<1024x1xf32>
    %jit3A = arith.constant 0.000000e+00 : f32
    %broadcast_in_dim3A = vector.broadcast %jit3A : f32 to vector<1024x1xf32>
    %select_n3A = arith.select %lt3A_14, %rsqrt3A, %broadcast_in_dim3A : vector<1024x1xi1>, vector<1024x1xf32>
    %get3A_18 = arith.constant 0 : index
    %get3A_19 = arith.constant 0 : index
    %get3A_20 = vector.load %arg1[%get3A_18, %get3A_19] : memref<1024x128xf32, #tpu.memory_space<vmem>>, vector<1024x128xf32>
    %get3A_21 = arith.constant 0 : index
    %get3A_22 = arith.constant 0 : index
    %get3A_23 = vector.load %arg4[%get3A_21, %get3A_22] : memref<128x128xf32, #tpu.memory_space<vmem>>, vector<128x128xf32>
    %dot_general3A = arith.constant dense<0.000000e+00> : vector<1024x128xf32>
    %dot_general3A_24 = tpu.matmul %get3A_20, %get3A_23, %dot_general3A {dimension_numbers = #tpu.dot_dimension_numbers<[1], [0], [0], [1], [0, 0, 1, 1], [], []>, transpose_lhs_hint = false} : vector<1024x128xf32>, vector<128x128xf32>, vector<1024x128xf32> -> vector<1024x128xf32>
    %mul3A_25 = vector.broadcast %select_n3A : vector<1024x1xf32> to vector<1024x128xf32>
    %mul3A_26 = arith.mulf %dot_general3A_24, %mul3A_25 : vector<1024x128xf32>
    %swap3A = arith.constant 0 : index
    %swap3A_27 = arith.constant 0 : index
    %swap3A_28 = vector.load %arg5[%swap3A, %swap3A_27] : memref<1024x128xf32, #tpu.memory_space<vmem>>, vector<1024x128xf32>
    tpu.vector_store %arg5[%swap3A, %swap3A_27], %mul3A_26 {strides = array<i32>} : memref<1024x128xf32, #tpu.memory_space<vmem>>, vector<1024x128xf32>,
    %broadcast_in_dim3A_29 = vector.shape_cast %select_n3A : vector<1024x1xf32> to vector<1024x1xf32>
    %broadcast_in_dim3A_30 = vector.broadcast %broadcast_in_dim3A_29 : vector<1024x1xf32> to vector<1024x16xf32>
    %swap3A_31 = arith.constant 0 : index
    %swap3A_32 = arith.constant 0 : index
    %swap3A_33 = vector.load %arg6[%swap3A_31, %swap3A_32] : memref<1024x16xf32, #tpu.memory_space<vmem>>, vector<1024x16xf32>
    tpu.vector_store %arg6[%swap3A_31, %swap3A_32], %broadcast_in_dim3A_30 {strides = array<i32>} : memref<1024x16xf32, #tpu.memory_space<vmem>>, vector<1024x16xf32>,
    return
  }
  func.func @transform_0(%arg0: i32) -> (i32, i32) {
    %c0_i32 = arith.constant 0 : i32
    %c0_i32_0 = arith.constant 0 : i32
    return %arg0, %c0_i32 : i32, i32
  }
  func.func @transform_1(%arg0: i32) -> (i32, i32, i32) {
    %c0_i32 = arith.constant 0 : i32
    %c0_i32_0 = arith.constant 0 : i32
    %c0_i32_1 = arith.constant 0 : i32
    return %c0_i32, %arg0, %c0_i32_0 : i32, i32, i32
  }
  func.func @transform_2(%arg0: i32) -> (i32, i32, i32) {
    %c1_i32 = arith.constant 1 : i32
    %c0_i32 = arith.constant 0 : i32
    %c0_i32_0 = arith.constant 0 : i32
    return %c1_i32, %arg0, %c0_i32 : i32, i32, i32
  }
  func.func @transform_3(%arg0: i32) -> (i32, i32) {
    %c0_i32 = arith.constant 0 : i32
    %c0_i32_0 = arith.constant 0 : i32
    %c0_i32_1 = arith.constant 0 : i32
    return %c0_i32, %c0_i32_0 : i32, i32
  }
  func.func @transform_4(%arg0: i32) -> (i32, i32) {
    %c0_i32 = arith.constant 0 : i32
    %c0_i32_0 = arith.constant 0 : i32
    return %arg0, %c0_i32 : i32, i32
  }
  func.func @transform_5(%arg0: i32) -> (i32, i32) {
    %c0_i32 = arith.constant 0 : i32
    %c0_i32_0 = arith.constant 0 : i32
    return %arg0, %c0_i32 : i32, i32
  }
}

module attributes {stable_mosaic.version = 14 : i64} {
  func.func @_tc_mid_body(%arg0: i32, %arg1: memref<1x1024x128xf32, #tpu.memory_space<vmem>>, %arg2: memref<1x1024x128xf32, #tpu.memory_space<vmem>>, %arg3: memref<1024x128xf32, #tpu.memory_space<vmem>>, %arg4: memref<1024x16xf32, #tpu.memory_space<vmem>>, %arg5: memref<1x128xf32, #tpu.memory_space<vmem>>, %arg6: memref<128x128xf32, #tpu.memory_space<vmem>>, %arg7: memref<1024x128xf32, #tpu.memory_space<vmem>>) attributes {dimension_semantics = [#tpu.dimension_semantics<arbitrary>], iteration_bounds = array<i64: 10>, scalar_prefetch = 0 : i64, scratch_operands = 0 : i64, tpu.core_type = #tpu.core_type<tc>, window_params = [{transform_indices = @transform_0, window_bounds = array<i64: 1, 1024, 128>}, {transform_indices = @transform_1, window_bounds = array<i64: 1, 1024, 128>}, {transform_indices = @transform_2, window_bounds = array<i64: 1024, 128>}, {transform_indices = @transform_3, window_bounds = array<i64: 1024, 16>}, {pipeline_mode = #tpu.pipeline_mode<synchronous>, transform_indices = @transform_4, window_bounds = array<i64: 1, 128>}, {pipeline_mode = #tpu.pipeline_mode<synchronous>, transform_indices = @transform_5, window_bounds = array<i64: 128, 128>}, {transform_indices = @transform_6, window_bounds = array<i64: 1024, 128>}]} {
    %get3A = arith.constant 0 : index
    %get3A_0 = arith.constant 0 : index
    %get3A_1 = vector.load %arg4[%get3A, %get3A_0] : memref<1024x16xf32, #tpu.memory_space<vmem>>, vector<1024x16xf32>
    %slice3A = vector.extract_strided_slice %get3A_1 {offsets = [0, 0], sizes = [1024, 1], strides = [1, 1]} : vector<1024x16xf32> to vector<1024x1xf32>
    %get3A_2 = arith.constant 0 : index
    %get3A_3 = arith.constant 0 : index
    %get3A_4 = arith.constant 0 : index
    %get3A_5 = vector.load %arg1[%get3A_2, %get3A_3, %get3A_4] : memref<1x1024x128xf32, #tpu.memory_space<vmem>>, vector<1x1024x128xf32>
    %get3A_6 = vector.shape_cast %get3A_5 : vector<1x1024x128xf32> to vector<1024x128xf32>
    %get3A_7 = arith.constant 0 : index
    %get3A_8 = arith.constant 0 : index
    %get3A_9 = arith.constant 0 : index
    %get3A_10 = vector.load %arg2[%get3A_7, %get3A_8, %get3A_9] : memref<1x1024x128xf32, #tpu.memory_space<vmem>>, vector<1x1024x128xf32>
    %get3A_11 = vector.shape_cast %get3A_10 : vector<1x1024x128xf32> to vector<1024x128xf32>
    %add3A = arith.addf %get3A_6, %get3A_11 : vector<1024x128xf32>
    %get3A_12 = arith.constant 0 : index
    %get3A_13 = arith.constant 0 : index
    %get3A_14 = vector.load %arg3[%get3A_12, %get3A_13] : memref<1024x128xf32, #tpu.memory_space<vmem>>, vector<1024x128xf32>
    %add3A_15 = arith.addf %add3A, %get3A_14 : vector<1024x128xf32>
    %mul3A = vector.broadcast %slice3A : vector<1024x1xf32> to vector<1024x128xf32>
    %mul3A_16 = arith.mulf %mul3A, %add3A_15 : vector<1024x128xf32>
    %get3A_17 = arith.constant 0 : index
    %get3A_18 = arith.constant 0 : index
    %get3A_19 = vector.load %arg5[%get3A_17, %get3A_18] : memref<1x128xf32, #tpu.memory_space<vmem>>, vector<1x128xf32>
    %add3A_20 = vector.broadcast %get3A_19 : vector<1x128xf32> to vector<1024x128xf32>
    %add3A_21 = arith.addf %mul3A_16, %add3A_20 : vector<1024x128xf32>
    %max3A = arith.constant 0.000000e+00 : f32
    %max3A_22 = vector.broadcast %max3A : f32 to vector<1024x128xf32>
    %max3A_23 = arith.maximumf %add3A_21, %max3A_22 : vector<1024x128xf32>
    %get3A_24 = arith.constant 0 : index
    %get3A_25 = arith.constant 0 : index
    %get3A_26 = vector.load %arg6[%get3A_24, %get3A_25] : memref<128x128xf32, #tpu.memory_space<vmem>>, vector<128x128xf32>
    %dot_general3A = arith.constant dense<0.000000e+00> : vector<1024x128xf32>
    %dot_general3A_27 = tpu.matmul %max3A_23, %get3A_26, %dot_general3A {dimension_numbers = #tpu.dot_dimension_numbers<[1], [0], [0], [1], [0, 0, 1, 1], [], []>, transpose_lhs_hint = false} : vector<1024x128xf32>, vector<128x128xf32>, vector<1024x128xf32> -> vector<1024x128xf32>
    %mul3A_28 = vector.broadcast %slice3A : vector<1024x1xf32> to vector<1024x128xf32>
    %mul3A_29 = arith.mulf %dot_general3A_27, %mul3A_28 : vector<1024x128xf32>
    %swap3A = arith.constant 0 : index
    %swap3A_30 = arith.constant 0 : index
    %swap3A_31 = vector.load %arg7[%swap3A, %swap3A_30] : memref<1024x128xf32, #tpu.memory_space<vmem>>, vector<1024x128xf32>
    tpu.vector_store %arg7[%swap3A, %swap3A_30], %mul3A_29 {strides = array<i32>} : memref<1024x128xf32, #tpu.memory_space<vmem>>, vector<1024x128xf32>,
    return
  }
  func.func @transform_0(%arg0: i32) -> (i32, i32, i32) {
    %c0_i32 = arith.constant 0 : i32
    %c0_i32_0 = arith.constant 0 : i32
    %c0_i32_1 = arith.constant 0 : i32
    return %c0_i32, %arg0, %c0_i32_0 : i32, i32, i32
  }
  func.func @transform_1(%arg0: i32) -> (i32, i32, i32) {
    %c1_i32 = arith.constant 1 : i32
    %c0_i32 = arith.constant 0 : i32
    %c0_i32_0 = arith.constant 0 : i32
    return %c1_i32, %arg0, %c0_i32 : i32, i32, i32
  }
  func.func @transform_2(%arg0: i32) -> (i32, i32) {
    %c0_i32 = arith.constant 0 : i32
    %c0_i32_0 = arith.constant 0 : i32
    return %arg0, %c0_i32 : i32, i32
  }
  func.func @transform_3(%arg0: i32) -> (i32, i32) {
    %c0_i32 = arith.constant 0 : i32
    %c0_i32_0 = arith.constant 0 : i32
    return %arg0, %c0_i32 : i32, i32
  }
  func.func @transform_4(%arg0: i32) -> (i32, i32) {
    %c0_i32 = arith.constant 0 : i32
    %c0_i32_0 = arith.constant 0 : i32
    %c0_i32_1 = arith.constant 0 : i32
    return %c0_i32, %c0_i32_0 : i32, i32
  }
  func.func @transform_5(%arg0: i32) -> (i32, i32) {
    %c0_i32 = arith.constant 0 : i32
    %c0_i32_0 = arith.constant 0 : i32
    %c0_i32_1 = arith.constant 0 : i32
    return %c0_i32, %c0_i32_0 : i32, i32
  }
  func.func @transform_6(%arg0: i32) -> (i32, i32) {
    %c0_i32 = arith.constant 0 : i32
    %c0_i32_0 = arith.constant 0 : i32
    return %arg0, %c0_i32 : i32, i32
  }
}

module attributes {stable_mosaic.version = 14 : i64} {
  func.func @_tc_fin_body(%arg0: i32, %arg1: memref<1x1024x128xf32, #tpu.memory_space<vmem>>, %arg2: memref<1x1024x128xf32, #tpu.memory_space<vmem>>, %arg3: memref<1024x128xf32, #tpu.memory_space<vmem>>, %arg4: memref<1024x16xf32, #tpu.memory_space<vmem>>, %arg5: memref<1x128xf32, #tpu.memory_space<vmem>>, %arg6: memref<1x1x1024xi32, #tpu.memory_space<vmem>>, %arg7: memref<128x128xf32, #tpu.memory_space<vmem>>, %arg8: memref<1x128xf32, #tpu.memory_space<vmem>>, %arg9: memref<64x128xf32, #tpu.memory_space<vmem>>, %arg10: memref<64x128xf32, #tpu.memory_space<vmem>>) attributes {dimension_semantics = [#tpu.dimension_semantics<arbitrary>], iteration_bounds = array<i64: 10>, scalar_prefetch = 0 : i64, scratch_operands = 1 : i64, tpu.core_type = #tpu.core_type<tc>, window_params = [{transform_indices = @transform_0, window_bounds = array<i64: 1, 1024, 128>}, {transform_indices = @transform_1, window_bounds = array<i64: 1, 1024, 128>}, {transform_indices = @transform_2, window_bounds = array<i64: 1024, 128>}, {transform_indices = @transform_3, window_bounds = array<i64: 1024, 16>}, {pipeline_mode = #tpu.pipeline_mode<synchronous>, transform_indices = @transform_4, window_bounds = array<i64: 1, 128>}, {transform_indices = @transform_5, window_bounds = array<i64: 1, 1, 1024>}, {pipeline_mode = #tpu.pipeline_mode<synchronous>, transform_indices = @transform_6, window_bounds = array<i64: 128, 128>}, {pipeline_mode = #tpu.pipeline_mode<synchronous>, transform_indices = @transform_7, window_bounds = array<i64: 1, 128>}, {pipeline_mode = #tpu.pipeline_mode<synchronous>, transform_indices = @transform_8, window_bounds = array<i64: 64, 128>}]} {
    %eq3A = arith.constant 0 : i32
    %eq3A_0 = arith.cmpi eq, %arg0, %eq3A : i32
    %convert_element_type3A = arith.extui %eq3A_0 : i1 to i32
    %cond3A = arith.constant 0 : i32
    %cond3A_1 = arith.cmpi ne, %convert_element_type3A, %cond3A : i32
    scf.if %cond3A_1 {
      %broadcast_in_dim3A_47 = arith.constant 0.000000e+00 : f32
      %broadcast_in_dim3A_48 = vector.broadcast %broadcast_in_dim3A_47 : f32 to vector<64x128xf32>
      %swap3A_49 = arith.constant 0 : index
      %swap3A_50 = arith.constant 0 : index
      %swap3A_51 = vector.load %arg10[%swap3A_49, %swap3A_50] : memref<64x128xf32, #tpu.memory_space<vmem>>, vector<64x128xf32>
      tpu.vector_store %arg10[%swap3A_49, %swap3A_50], %broadcast_in_dim3A_48 {strides = array<i32>} : memref<64x128xf32, #tpu.memory_space<vmem>>, vector<64x128xf32>,
    } else {
    }
    %get3A = arith.constant 0 : index
    %get3A_2 = arith.constant 0 : index
    %get3A_3 = vector.load %arg4[%get3A, %get3A_2] : memref<1024x16xf32, #tpu.memory_space<vmem>>, vector<1024x16xf32>
    %slice3A = vector.extract_strided_slice %get3A_3 {offsets = [0, 0], sizes = [1024, 1], strides = [1, 1]} : vector<1024x16xf32> to vector<1024x1xf32>
    %get3A_4 = arith.constant 0 : index
    %get3A_5 = arith.constant 0 : index
    %get3A_6 = arith.constant 0 : index
    %get3A_7 = vector.load %arg1[%get3A_4, %get3A_5, %get3A_6] : memref<1x1024x128xf32, #tpu.memory_space<vmem>>, vector<1x1024x128xf32>
    %get3A_8 = vector.shape_cast %get3A_7 : vector<1x1024x128xf32> to vector<1024x128xf32>
    %get3A_9 = arith.constant 0 : index
    %get3A_10 = arith.constant 0 : index
    %get3A_11 = arith.constant 0 : index
    %get3A_12 = vector.load %arg2[%get3A_9, %get3A_10, %get3A_11] : memref<1x1024x128xf32, #tpu.memory_space<vmem>>, vector<1x1024x128xf32>
    %get3A_13 = vector.shape_cast %get3A_12 : vector<1x1024x128xf32> to vector<1024x128xf32>
    %add3A = arith.addf %get3A_8, %get3A_13 : vector<1024x128xf32>
    %get3A_14 = arith.constant 0 : index
    %get3A_15 = arith.constant 0 : index
    %get3A_16 = vector.load %arg3[%get3A_14, %get3A_15] : memref<1024x128xf32, #tpu.memory_space<vmem>>, vector<1024x128xf32>
    %add3A_17 = arith.addf %add3A, %get3A_16 : vector<1024x128xf32>
    %mul3A = vector.broadcast %slice3A : vector<1024x1xf32> to vector<1024x128xf32>
    %mul3A_18 = arith.mulf %mul3A, %add3A_17 : vector<1024x128xf32>
    %get3A_19 = arith.constant 0 : index
    %get3A_20 = arith.constant 0 : index
    %get3A_21 = vector.load %arg5[%get3A_19, %get3A_20] : memref<1x128xf32, #tpu.memory_space<vmem>>, vector<1x128xf32>
    %add3A_22 = vector.broadcast %get3A_21 : vector<1x128xf32> to vector<1024x128xf32>
    %add3A_23 = arith.addf %mul3A_18, %add3A_22 : vector<1024x128xf32>
    %max3A = arith.constant 0.000000e+00 : f32
    %max3A_24 = vector.broadcast %max3A : f32 to vector<1024x128xf32>
    %max3A_25 = arith.maximumf %add3A_23, %max3A_24 : vector<1024x128xf32>
    %get3A_26 = arith.constant 0 : index
    %get3A_27 = arith.constant 0 : index
    %get3A_28 = arith.constant 0 : index
    %get3A_29 = vector.load %arg6[%get3A_26, %get3A_27, %get3A_28] : memref<1x1x1024xi32, #tpu.memory_space<vmem>>, vector<1x1x1024xi32>
    %get3A_30 = vector.shape_cast %get3A_29 : vector<1x1x1024xi32> to vector<1024xi32>
    %iota3A = tpu.iota {dimensions = array<i32: 0>} : vector<64x1024xi32>
    %broadcast_in_dim3A = vector.shape_cast %get3A_30 : vector<1024xi32> to vector<1x1024xi32>
    %eq3A_31 = vector.broadcast %broadcast_in_dim3A : vector<1x1024xi32> to vector<64x1024xi32>
    %eq3A_32 = arith.cmpi eq, %iota3A, %eq3A_31 : vector<64x1024xi32>
    %convert_element_type3A_33 = arith.extui %eq3A_32 : vector<64x1024xi1> to vector<64x1024xi32>
    %convert_element_type3A_34 = arith.sitofp %convert_element_type3A_33 : vector<64x1024xi32> to vector<64x1024xf32>
    %get3A_35 = arith.constant 0 : index
    %get3A_36 = arith.constant 0 : index
    %get3A_37 = vector.load %arg10[%get3A_35, %get3A_36] : memref<64x128xf32, #tpu.memory_space<vmem>>, vector<64x128xf32>
    %dot_general3A = arith.constant dense<0.000000e+00> : vector<64x128xf32>
    %dot_general3A_38 = tpu.matmul %convert_element_type3A_34, %max3A_25, %dot_general3A {dimension_numbers = #tpu.dot_dimension_numbers<[1], [0], [0], [1], [0, 0, 1, 1], [], []>, transpose_lhs_hint = false} : vector<64x1024xf32>, vector<1024x128xf32>, vector<64x128xf32> -> vector<64x128xf32>
    %add3A_39 = arith.addf %get3A_37, %dot_general3A_38 : vector<64x128xf32>
    %swap3A = arith.constant 0 : index
    %swap3A_40 = arith.constant 0 : index
    %swap3A_41 = vector.load %arg10[%swap3A, %swap3A_40] : memref<64x128xf32, #tpu.memory_space<vmem>>, vector<64x128xf32>
    tpu.vector_store %arg10[%swap3A, %swap3A_40], %add3A_39 {strides = array<i32>} : memref<64x128xf32, #tpu.memory_space<vmem>>, vector<64x128xf32>,
    %eq3A_42 = arith.constant 9 : i32
    %eq3A_43 = arith.cmpi eq, %arg0, %eq3A_42 : i32
    %convert_element_type3A_44 = arith.extui %eq3A_43 : i1 to i32
    %cond3A_45 = arith.constant 0 : i32
    %cond3A_46 = arith.cmpi ne, %convert_element_type3A_44, %cond3A_45 : i32
    scf.if %cond3A_46 {
      %get3A_47 = arith.constant 0 : index
      %get3A_48 = arith.constant 0 : index
      %get3A_49 = vector.load %arg10[%get3A_47, %get3A_48] : memref<64x128xf32, #tpu.memory_space<vmem>>, vector<64x128xf32>
      %get3A_50 = arith.constant 0 : index
      %get3A_51 = arith.constant 0 : index
      %get3A_52 = vector.load %arg7[%get3A_50, %get3A_51] : memref<128x128xf32, #tpu.memory_space<vmem>>, vector<128x128xf32>
      %dot_general3A_53 = arith.constant dense<0.000000e+00> : vector<64x128xf32>
      %dot_general3A_54 = tpu.matmul %get3A_49, %get3A_52, %dot_general3A_53 {dimension_numbers = #tpu.dot_dimension_numbers<[1], [0], [0], [1], [0, 0, 1, 1], [], []>, transpose_lhs_hint = false} : vector<64x128xf32>, vector<128x128xf32>, vector<64x128xf32> -> vector<64x128xf32>
      %get3A_55 = arith.constant 0 : index
      %get3A_56 = arith.constant 0 : index
      %get3A_57 = vector.load %arg8[%get3A_55, %get3A_56] : memref<1x128xf32, #tpu.memory_space<vmem>>, vector<1x128xf32>
      %add3A_58 = vector.broadcast %get3A_57 : vector<1x128xf32> to vector<64x128xf32>
      %add3A_59 = arith.addf %dot_general3A_54, %add3A_58 : vector<64x128xf32>
      %swap3A_60 = arith.constant 0 : index
      %swap3A_61 = arith.constant 0 : index
      %swap3A_62 = vector.load %arg9[%swap3A_60, %swap3A_61] : memref<64x128xf32, #tpu.memory_space<vmem>>, vector<64x128xf32>
      tpu.vector_store %arg9[%swap3A_60, %swap3A_61], %add3A_59 {strides = array<i32>} : memref<64x128xf32, #tpu.memory_space<vmem>>, vector<64x128xf32>,
    } else {
    }
    return
  }
  func.func @transform_0(%arg0: i32) -> (i32, i32, i32) {
    %c0_i32 = arith.constant 0 : i32
    %c0_i32_0 = arith.constant 0 : i32
    %c0_i32_1 = arith.constant 0 : i32
    return %c0_i32, %arg0, %c0_i32_0 : i32, i32, i32
  }
  func.func @transform_1(%arg0: i32) -> (i32, i32, i32) {
    %c1_i32 = arith.constant 1 : i32
    %c0_i32 = arith.constant 0 : i32
    %c0_i32_0 = arith.constant 0 : i32
    return %c1_i32, %arg0, %c0_i32 : i32, i32, i32
  }
  func.func @transform_2(%arg0: i32) -> (i32, i32) {
    %c0_i32 = arith.constant 0 : i32
    %c0_i32_0 = arith.constant 0 : i32
    return %arg0, %c0_i32 : i32, i32
  }
  func.func @transform_3(%arg0: i32) -> (i32, i32) {
    %c0_i32 = arith.constant 0 : i32
    %c0_i32_0 = arith.constant 0 : i32
    return %arg0, %c0_i32 : i32, i32
  }
  func.func @transform_4(%arg0: i32) -> (i32, i32) {
    %c0_i32 = arith.constant 0 : i32
    %c0_i32_0 = arith.constant 0 : i32
    %c0_i32_1 = arith.constant 0 : i32
    return %c0_i32, %c0_i32_0 : i32, i32
  }
  func.func @transform_5(%arg0: i32) -> (i32, i32, i32) {
    %c0_i32 = arith.constant 0 : i32
    %c0_i32_0 = arith.constant 0 : i32
    %c0_i32_1 = arith.constant 0 : i32
    return %arg0, %c0_i32, %c0_i32_0 : i32, i32, i32
  }
  func.func @transform_6(%arg0: i32) -> (i32, i32) {
    %c0_i32 = arith.constant 0 : i32
    %c0_i32_0 = arith.constant 0 : i32
    %c0_i32_1 = arith.constant 0 : i32
    return %c0_i32, %c0_i32_0 : i32, i32
  }
  func.func @transform_7(%arg0: i32) -> (i32, i32) {
    %c0_i32 = arith.constant 0 : i32
    %c0_i32_0 = arith.constant 0 : i32
    %c0_i32_1 = arith.constant 0 : i32
    return %c0_i32, %c0_i32_0 : i32, i32
  }
  func.func @transform_8(%arg0: i32) -> (i32, i32) {
    %c0_i32 = arith.constant 0 : i32
    %c0_i32_0 = arith.constant 0 : i32
    %c0_i32_1 = arith.constant 0 : i32
    return %c0_i32, %c0_i32_0 : i32, i32
  }
}

</mosaic_0001>

<sc_bundles>
// kernel: kernel.11.cloned.1.call-start
scs
__scs_entry_jumppad:
0x0: {  	(pc) =	sbr.rel $0x88, $3  }
0x1: {  	(tag) =	ssettag $0x0;
	lr =	simm.s32 $0x1  }
0x2: {  	[smem:$0x3F94] =	sst lr;
	_ =	strace $0xD0000000  }
0x3: {  	_ = 	snop  }
0x4: {  	_ = 	snop  }
0x5: {  	_ = 	snop  }
0x6: {  	_ = 	snop  }
0x7: {  	_ = 	snop  }
__scs_overlays_trampoline_lowered:
0x8: {  	[smem:$0x3FA3] =	sst s0  }
0x9: {  	[smem:$0x3FA4] =	sst s1  }
0xa: {  	[smem:$0x3FA5] =	sst s2  }
0xb: {  	[smem:$0x3FA6] =	sst s3  }
0xc: {  	[smem:$0x3FA7] =	sst s4  }
0xd: {  	[smem:$0x3FA8] =	sst s5  }
0xe: {  	[smem:$0x3FA9] =	sst s6  }
0xf: {  	[smem:$0x3FAA] =	sst s7  }
0x10: {  	[smem:$0x3FAB] =	sst s8  }
0x11: {  	[smem:$0x3FAC] =	sst s9;
	s0 =	simm.s32 @!p0 $0x0  }
0x12: {  	s1 =	sld [smem:$0x3F92];
	s0 =	simm.s32 @p0 $0x1  }
0x13: {  	[smem:$0x3FAD] =	sst s0;
	s0 =	simm.s32 @!p1 $0x0  }
0x14: {  	s2 =	sld [smem:$0x3F91];
	s0 =	simm.s32 @p1 $0x1  }
0x15: {  	[smem:$0x3FAE] =	sst s0;
	s0 =	simm.s32 @!p2 $0x0  }
0x16: {  	s3 =	sld [smem:$0x3FDB];
	s0 =	simm.s32 @p2 $0x1  }
0x17: {  	s4 =	simm.s32 $0x1BF5;
	[smem:$0x3FB0] =	sst s0  }
0x18: {  	s0 =	sld [smem:$0x3F93];
	_ =	swait.ge [sflag:s4], $0x0  }
0x19: {  	s7 =	sld [smem:$0x3F94]  }
0x1a: {  	s8 =	sadd.s32 $0xFFFFE003, lr  }
0x1b: {  	s9 =	sadd.s32 $0xFFFFFEF7, lr;
	s5 =	simm.s32 $0xFFFFFFFF;
	p2 =	slt.u32 s8, $0xFFFFF086  }
0x1c: {  	p1 =	slt.u32 s9, $0xF7A;
	s5 =	simm.s32 @!p2 $0x0  }
0x1d: {  	s5 =	simm.s32 @p1 $0x1;
	p0 =	seq.s32 s7, s2  }
0x1e: {  	s7 =	smul.u32 @!p0 $0xF7A, s2;
	p2 =	seq.s32 @!p0 s5, $0x0  }
0x1f: {  	s9 =	smul.u32 $0xF7A, s1;
	s8 =	simm.s32 @!p0 $0x1BF5;
	p2 =	por !p2, p0  }
0x20: {  	[sflag:s8] =	ssyncset.s32 @!p0 $0xFFFFF086;
	s6 =	sadd.s32 @!p0 s3, s7;
	s7 =	simm.s32 @!p0 $0x108  }
0x21: {  	s3 =	sadd.s32 s3, s9;
	s6 =	sadd.s32 @!p0 $0x88, s6;
	s7 =	simm.s32 @p2 $0x1082  }
0x22: {  	[simem:s7], [sflag:s8] =	dma.local @!p0 [hbm:s6], $0xF7A  }
0x23: {  	s9 =	sor.u32 $0xD0000000, s2;
	s6 =	simm.s32 $0x108;
	_ =	swait.ge @!p0 [sflag:s8], $0x0  }
0x24: {  	s3 =	sadd.s32 $0x88, s3;
	s6 =	simm.s32 @!p1 $0x1082;
	[sflag:s4] =	ssyncset.s32 $0xFFFFF086  }
0x25: {  	[simem:s6], [sflag:s4] =	dma.local [hbm:s3], $0xF7A  }
0x26: {  	[smem:$0x3F94] =	sst s1;
	(tag) =	ssettag s2;
	_ =	strace s9  }
0x27: {  	s1 =	sld [smem:$0x3FA4]  }
0x28: {  	s2 =	sld [smem:$0x3FA5]  }
0x29: {  	s4 =	sld [smem:$0x3FA7]  }
0x2a: {  	p0 =	seq.s32 s5, $0x0;
	s5 =	sld [smem:$0x3FA8]  }
0x2b: {  	s6 =	sld [smem:$0x3FA9]  }
0x2c: {  	s7 =	sld [smem:$0x3FAA]  }
0x2d: {  	s3 =	simm.s32 $0x108;
	s8 =	sld [smem:$0x3FAB]  }
0x2e: {  	s3 =	simm.s32 @!p0 $0x1082;
	s9 =	sld [smem:$0x3FAC]  }
0x2f: {  	lr =	sadd.s32 s0, s3;
	s0 =	sld [smem:$0x3FA3]  }
0x30: {  	s3 =	sld [smem:$0x3FA6]  }
0x31: {  	[smem:$0x3FAF] =	sst s10  }
0x32: {  	s10 =	sld [smem:$0x3FAD];
	_ =	sdelay $0x3  }
0x33: {  	p0 =	seq.s32 s10, $0x1;
	s10 =	sld [smem:$0x3FAF];
	_ =	sdelay $0x3  }
0x34: {  	[smem:$0x3FAF] =	sst s10  }
0x35: {  	s10 =	sld [smem:$0x3FAE];
	_ =	sdelay $0x3  }
0x36: {  	p1 =	seq.s32 s10, $0x1;
	s10 =	sld [smem:$0x3FAF];
	_ =	sdelay $0x3  }
0x37: {  	[smem:$0x3FAF] =	sst s10  }
0x38: {  	s10 =	sld [smem:$0x3FB0]  }
0x39: {  	_ = 	snop;
	(pc) =	sbr.ind lr, $3  }
0x3a: {  	_ = 	snop  }
0x3b: {  	_ = 	snop  }
0x3c: {  	p2 =	seq.s32 s10, $0x1;
	s10 =	sld [smem:$0x3FAF]  }
0x3d: {  	_ =	shalt  }
0x3e: {  	_ =	shalt  }
0x3f: {  	_ =	shalt  }
0x40: {  	_ =	shalt  }
0x41: {  	_ =	shalt  }
0x42: {  	_ =	shalt  }
0x43: {  	_ =	shalt  }
0x44: {  	_ =	shalt  }
0x45: {  	_ =	shalt  }
0x46: {  	_ =	shalt  }
0x47: {  	_ =	shalt  }
0x48: {  	_ =	shalt  }
0x49: {  	_ =	shalt  }
0x4a: {  	_ =	shalt  }
0x4b: {  	_ =	shalt  }
0x4c: {  	_ =	shalt  }
0x4d: {  	_ =	shalt  }
0x4e: {  	_ =	shalt  }
0x4f: {  	_ =	shalt  }
0x50: {  	_ =	shalt  }
0x51: {  	_ =	shalt  }
0x52: {  	_ =	shalt  }
0x53: {  	_ =	shalt  }
0x54: {  	_ =	shalt  }
0x55: {  	_ =	shalt  }
0x56: {  	_ =	shalt  }
0x57: {  	_ =	shalt  }
0x58: {  	_ =	shalt  }
0x59: {  	_ =	shalt  }
0x5a: {  	_ =	shalt  }
0x5b: {  	_ =	shalt  }
0x5c: {  	_ =	shalt  }
0x5d: {  	_ =	shalt  }
0x5e: {  	_ =	shalt  }
0x5f: {  	_ =	shalt  }
0x60: {  	_ =	shalt  }
0x61: {  	_ =	shalt  }
0x62: {  	_ =	shalt  }
0x63: {  	_ =	shalt  }
0x64: {  	_ =	shalt  }
0x65: {  	_ =	shalt  }
0x66: {  	_ =	shalt  }
0x67: {  	_ =	shalt  }
0x68: {  	_ =	shalt  }
0x69: {  	_ =	shalt  }
0x6a: {  	_ =	shalt  }
0x6b: {  	_ =	shalt  }
0x6c: {  	_ =	shalt  }
0x6d: {  	_ =	shalt  }
0x6e: {  	_ =	shalt  }
0x6f: {  	_ =	shalt  }
0x70: {  	_ =	shalt  }
0x71: {  	_ =	shalt  }
0x72: {  	_ =	shalt  }
0x73: {  	_ =	shalt  }
0x74: {  	_ =	shalt  }
0x75: {  	_ =	shalt  }
0x76: {  	_ =	shalt  }
0x77: {  	_ =	shalt  }
0x78: {  	_ =	shalt  }
0x79: {  	_ =	shalt  }
0x7a: {  	_ =	shalt  }
0x7b: {  	_ =	shalt  }
0x7c: {  	_ =	shalt  }
0x7d: {  	_ =	shalt  }
0x7e: {  	_ =	shalt  }
0x7f: {  	_ =	shalt  }
0x80: {  	_ =	shalt  }
0x81: {  	_ =	shalt  }
0x82: {  	_ =	shalt  }
0x83: {  	_ =	shalt  }
0x84: {  	_ =	shalt  }
0x85: {  	_ =	shalt  }
0x86: {  	_ =	shalt  }
0x87: {  	_ =	shalt  }
.Lfunc_end0:
.L_simem_size_0:
called_computation_lowered:
.L_overlay_start_0:
0x88: {  	s2 =	sld [smem:$0x3FD9]  }
0x89: {  	s3 =	sld [smem:$0x3FFE];
	_ =	sdelay $0x1  }
0x8a: {  	s1 =	srdreg.scid  }
0x8b: {  	s0 =	sand.u32 $0x1, s1  }
0x8c: {  	s16 =	sshll.u32 s0, $0xA;
	s2 =	sadd.s32 s3, s2  }
0x8d: {  	s2 =	sadd.s32 s2, s16  }
0x8e: {  	[smem:$0x3FBB] =	sst s2  }
0x8f: {  	_ = 	snop  }
0x90: {  	(tm) =	ssettm $0x1  }
0x91: {  	s17 =	sld [smem:$0x3FFB];
	_ =	sdelay $0x3  }
0x92: {  	_ =	strace s17  }
0x93: {  	s2 =	sld [smem:$0x3FFC];
	_ =	sdelay $0x3  }
0x94: {  	_ =	strace s2  }
0x95: {  	s2 =	sld [smem:$0x3FFD];
	_ =	sdelay $0x3  }
0x96: {  	_ =	strace s2  }
0x97: {  	_ =	strace $0x8FFFFFFF  }
0x98: {  	s18 =	sld [smem:$0x3FDB];
	_ =	sdelay $0x1  }
0x99: {  	s19 =	simm.s32 $_scs_section_size  }
0x9a: {  	s4 =	simm.s32 $_size__tile_overlayer_lowered;
	s5 =	simm.s32 $_tile_overlayer_lowered  }
0x9b: {  	s22 =	simm.s32 $0x1BFF;
	s21 =	sshll.u32 s5, $0x1;
	s2 =	sadd.s32 s19, s18  }
0x9c: {  	s6 =	simm.s32 $0x0;
	s20 =	sshll.u32 s4, $0x1;
	s4 =	sadd.s32 s21, s2  }
0x9d: {  	[timem:s6], [sflag:s22] =	dma.local [hbm:s4], s20  }
0x9e: {  	_ =	swait.ge [sflag:s22], s20  }
0x9f: {  	s3 =	ssub.s32 $0x0, s20;
	[sflag:s22] =	ssyncset.done $0x0  }
0xa0: {  	[sflag:s22] =	ssyncadd.s32 s3;
	_ =	sdelay $0x1  }
0xa1: {  	s23 =	simm.s32 $0x1B8B  }
0xa2: {  	_ =	swait.ge [sflag:s23], $0x1  }
0xa3: {  	[sflag:s23] =	ssyncset.done $0x0  }
0xa4: {  	s25 =	simm.s32 $0x1B8E;
	s24 =	sld [smem:$0x3FFE];
	[sflag:s23] =	ssyncadd.s32 $0xFFFFFFFF  }
0xa5: {  	s26 =	simm.s32 $execute0_lowered;
	[smem:$0x3FD2] =	sst s25  }
0xa6: {  	s4 =	sshll.u32 s26, $0x1;
	_ =	strace $0x80000046;
	[dreg:$0x1] =	wrdreg $0xFFFFFFFF  }
0xa7: {  	s28 =	simm.s32 $_size_execute0_lowered;
	s2 =	sadd.s32 s2, s4;
	[dreg:$0x0] =	wrdreg $0x0  }
0xa8: {  	s4 =	sshll.u32 s28, $0x1;
	[dreg:$0x2] =	wrdreg s2  }
0xa9: {  	[dreg:$0x3] =	wrdreg s4  }
0xaa: {  	[dreg:$0x4] =	wrdreg $0xC0  }
0xab: {  	_ =	task [dreg:s6], $0x5FFFF  }
0xac: {  	[dreg:$0x1] =	wrdreg $0xFFFFFFFF  }
0xad: {  	[dreg:$0x0] =	wrdreg $0x60  }
0xae: {  	[dreg:$0x2] =	wrdreg s24  }
0xaf: {  	[dreg:$0x3] =	wrdreg $0x88000  }
0xb0: {  	[dreg:$0x4] =	wrdreg $0x9  }
0xb1: {  	_ =	task.clear_ibuf [dreg:s6], $0x5FFFF;
	_ =	strace $0x90000046  }
0xb2: {  	s29 =	simm.s32 $0x9;
	_ =	strace $0x80000048  }
0xb3: {  	_ =	swait.ge [sflag:s29], $0x1  }
0xb4: {  	[sflag:s29] =	ssyncadd.s32 $0xFFFFFFFF  }
0xb5: {  	_ =	strace $0x90000048  }
0xb6: {  	_ =	sfence  }
0xb7: {  	s30 =	sld [smem:$0x0];
	_ =	sdelay $0x2  }
0xb8: {  	s31 =	sshll.u32 s1, $0xD;
	s1 =	sshrl.u32 s1, $0x2  }
0xb9: {  	s3 =	sand.u32 $0x4000, s31;
	s1 =	sadd.s32 s1, s30  }
0xba: {  	s0 =	sor.u32 s3, s0;
	s1 =	sshll.u32 s1, $0x11  }
0xbb: {  	s0 =	sor.u32 s1, s0  }
0xbc: {  	s0 =	sadd.s32 $0x8F2B, s0  }
0xbd: {  	[sflag:s0] =	ssyncadd.remote.s32 $0x1  }
0xbe: {  	_ =	sfence.sel $0xFFFF  }
0xbf: {  	[dreg:$0x0] =	wrdreg $0xFFFFFFFF;
	(pc) =	sbr.abs _section_cstart, $3  }
0xc0: {  	[dreg:$0x1] =	wrdreg $0xFFFFFFFF  }
0xc1: {  	_ =	task.clear_ibuf [dreg:s6], $0x2FFFF;
	_ =	strace $0x9FFFFFFF  }
0xc2: {  	(tm) =	ssettm $0x7FFFFFFF  }
0xc3: {  	_ =	shalt  }
tec
execute0_lowered:
.L_overlay_start_1:
0x0: {  	(tag) =	ssettag $0x1  }
0x1: {  	s1 =	srdreg.scid  }
0x2: {  	s0 =	stileid.u32;
	s4 =	rddreg [dreg:$0x0]  }
0x3: {  	s2 =	rddreg [dreg:$0x1];
	s3 =	simm.s32 $0x0;
	s16 =	simm.s32 $0x6800  }
0x4: {  	s17 =	simm.s32 $0x1;
	s18 =	simm.s32 $0x7D;
	s19 =	simm.s32 $0x2800  }
0x5: {  	s5 =	sand.u32 $0x1, s1;
	s1 =	rddreg [dreg:$0x2];
	s7 =	smul.u32 $0x50000, s0  }
0x6: {  	s31 =	sshll.u32 s0, $0x1;
	[smem:$0x7FF] =	sst s3;
	s21 =	smul.u32 $0x2800, s0  }
0x7: {  	s6 =	sor.u32 s5, s31;
	s8 =	smul.u32 $0x28000, s5;
	s5 =	ssub.s32 $0x2, s5  }
0x8: {  	_ =	strace $0x80000047;
	s6 =	smul.u32 $0x500, s6;
	s9 =	sshrl.u32 s5, $0x1  }
0x9: {  	s7 =	sshrl.u32 s7, $0x2;
	s8 =	sadd.s32 s8, s4;
	s9 =	ssub.s32 s5, s9  }
0xa: {  	s6 =	sadd.s32 s6, s4;
	s4 =	sadd.s32 s7, s2;
	s20 =	sadd.s32 $0xD600, s8  }
0xb: {  	s5 =	sadd.s32 $0x3600, s6;
	s6 =	smax.u32 s9, $0x1;
	s7 =	sadd.s32 $0x2000, s4  }
0xc: {  	s8 =	sadd.s32 $0x4000, s4;
	s9 =	sadd.s32 $0x6000, s4;
	s10 =	sadd.s32 $0x8000, s4  }
0xd: {  	s11 =	sadd.s32 $0xA000, s4;
	s12 =	sadd.s32 $0xC000, s4;
	s13 =	sadd.s32 $0xE000, s4  }
0xe: {  	v0 =	vimm.f32 $0.0e+00;
	v1 =	vimm.f32 $1.000000000e+00;
	s14 =	sadd.s32 $0x10000, s4;
	s15 =	sadd.s32 $0x12000, s4;
	s20 =	sadd.s32 s21, s20  }
.LBB2_1:
0xf: {  	s21 =	simm.s32 $0x0  }
.LBB2_2:
0x10: {  	p0 =	sne.s32 s21, $0x7E00  }
.Ltmp0:
0x11: {  	_ = 	snop;
	(pc) =	sbr.rel @p0 .LBB2_2-.Ltmp0, $3  }
0x12: {  	_ =	sdelay $0x1  }
0x13: {  	s22 =	sshra.s32 s21, $0x2  }
0x14: {  	s21 =	sadd.s32 $0x200, s21;
	[tilespmem:s22+$0x6800] =	vst v0  }
0x15: {  	s21 =	simm.s32 $0x200;
	s22 =	simm.s32 $0x0  }
.LBB2_4:
0x16: {  	p0 =	sne.s32 s21, $0xF800;
	[tilespmem:s22+$0x2800] =	vst v1;
	s22 =	smov.u32 s21;
	s21 =	sadd.s32 $0x200, s21  }
.Ltmp1:
0x17: {  	(pc) =	sbr.rel @p0 .LBB2_4-.Ltmp1, $2  }
0x18: {  	_ =	sdelay $0x2  }
0x19: {  	s22 =	sshra.s32 s22, $0x2  }
0x1a: {  	[tilespmem:s22+$0x2800] =	vst v1  }
0x1b: {  	[spmem:s4] =	stream.linear.scatter [tilespmem:s16], [sflag:$0x1], $0x2000, $0x38;
	[tilespmem:$0xB000] =	vst v63  }
0x1c: {  	_ =	swait.ge [sflag:s17], $0x2000  }
0x1d: {  	[sflag:s17] =	ssyncset.done $0x0  }
0x1e: {  	[sflag:s17] =	ssyncadd.s32 $0xFFFFE000  }
0x1f: {  	[spmem:s7] =	stream.linear.scatter [tilespmem:s16], [sflag:$0x1], $0x2000, $0x38;
	[tilespmem:$0xB000] =	vst v63  }
0x20: {  	_ =	swait.ge [sflag:s17], $0x2000  }
0x21: {  	[sflag:s17] =	ssyncset.done $0x0  }
0x22: {  	[sflag:s17] =	ssyncadd.s32 $0xFFFFE000  }
0x23: {  	[spmem:s8] =	stream.linear.scatter [tilespmem:s16], [sflag:$0x1], $0x2000, $0x38;
	[tilespmem:$0xB000] =	vst v63  }
0x24: {  	_ =	swait.ge [sflag:s17], $0x2000  }
0x25: {  	[sflag:s17] =	ssyncset.done $0x0  }
0x26: {  	[sflag:s17] =	ssyncadd.s32 $0xFFFFE000  }
0x27: {  	[spmem:s9] =	stream.linear.scatter [tilespmem:s16], [sflag:$0x1], $0x2000, $0x38;
	[tilespmem:$0xB000] =	vst v63  }
0x28: {  	_ =	swait.ge [sflag:s17], $0x2000  }
0x29: {  	[sflag:s17] =	ssyncset.done $0x0  }
0x2a: {  	[sflag:s17] =	ssyncadd.s32 $0xFFFFE000  }
0x2b: {  	[spmem:s10] =	stream.linear.scatter [tilespmem:s16], [sflag:$0x1], $0x2000, $0x38;
	[tilespmem:$0xB000] =	vst v63  }
0x2c: {  	_ =	swait.ge [sflag:s17], $0x2000  }
0x2d: {  	[sflag:s17] =	ssyncset.done $0x0  }
0x2e: {  	[sflag:s17] =	ssyncadd.s32 $0xFFFFE000  }
0x2f: {  	[spmem:s11] =	stream.linear.scatter [tilespmem:s16], [sflag:$0x1], $0x2000, $0x38;
	[tilespmem:$0xB000] =	vst v63  }
0x30: {  	_ =	swait.ge [sflag:s17], $0x2000  }
0x31: {  	[sflag:s17] =	ssyncset.done $0x0  }
0x32: {  	[sflag:s17] =	ssyncadd.s32 $0xFFFFE000  }
0x33: {  	[spmem:s12] =	stream.linear.scatter [tilespmem:s16], [sflag:$0x1], $0x2000, $0x38;
	[tilespmem:$0xB000] =	vst v63  }
0x34: {  	_ =	swait.ge [sflag:s17], $0x2000  }
0x35: {  	[sflag:s17] =	ssyncset.done $0x0  }
0x36: {  	[sflag:s17] =	ssyncadd.s32 $0xFFFFE000  }
0x37: {  	[spmem:s13] =	stream.linear.scatter [tilespmem:s16], [sflag:$0x1], $0x2000, $0x38;
	[tilespmem:$0xB000] =	vst v63  }
0x38: {  	_ =	swait.ge [sflag:s17], $0x2000  }
0x39: {  	[sflag:s17] =	ssyncset.done $0x0  }
0x3a: {  	[sflag:s17] =	ssyncadd.s32 $0xFFFFE000  }
0x3b: {  	[spmem:s14] =	stream.linear.scatter [tilespmem:s16], [sflag:$0x1], $0x2000, $0x38;
	[tilespmem:$0xB000] =	vst v63  }
0x3c: {  	_ =	swait.ge [sflag:s17], $0x2000  }
0x3d: {  	[sflag:s17] =	ssyncset.done $0x0  }
0x3e: {  	[sflag:s17] =	ssyncadd.s32 $0xFFFFE000  }
0x3f: {  	[spmem:s15] =	stream.linear.scatter [tilespmem:s16], [sflag:$0x1], $0x2000, $0x38;
	[tilespmem:$0xB000] =	vst v63  }
0x40: {  	_ =	swait.ge [sflag:s17], $0x2000  }
0x41: {  	[sflag:s17] =	ssyncset.done $0x0  }
0x42: {  	[sflag:s17] =	ssyncadd.s32 $0xFFFFE000  }
0x43: {  	s21 =	simm.s32 $0x0;
	[bflag:$0x0] =	sbarrier.arrive $0xFFFF  }
0x44: {  	[tilespmem:s21], [sflag:$0x1] =	stream.linear.gather [hbm4b:s5+s21], $0x2800, $0x38;
	[tilespmem:$0xB000] =	vst v63  }
0x45: {  	_ =	swait.ge [sflag:s17], $0x2800  }
0x46: {  	[sflag:s17] =	ssyncset.done $0x0  }
0x47: {  	s31 =	simm.s32 $0x0;
	[sflag:s17] =	ssyncadd.s32 $0xFFFFD800  }
0x48: {  	[spmem:s2] =	stream.indirect.scatter.add.f32 [tilespmem:s19], [sflag:$0x1], $0x10, s31, s18, $0xb8;
	[tilespmem:$0xB000] =	vst v63  }
0x49: {  	_ =	swait.ge [sflag:s17], $0x7D0  }
0x4a: {  	s21 =	simm.s32 $0x200;
	[sflag:s17] =	ssyncset.done $0x0  }
.LBB2_6:
0x4b: {  	s22 =	sshra.s32 s21, $0x2;
	[sflag:s17] =	ssyncadd.s32 $0xFFFFF830;
	p0 =	sne.s32 s21, $0x9E00  }
0x4c: {  	[spmem:s2] =	stream.indirect.scatter.add.f32 [tilespmem:s19], [sflag:$0x1], $0x10, s22, s18, $0xb8;
	[tilespmem:$0xB000] =	vst v63  }
.Ltmp2:
0x4d: {  	_ = 	snop;
	(pc) =	sbr.rel @p0 .LBB2_6-.Ltmp2, $4  }
0x4e: {  	_ = 	snop  }
0x4f: {  	s21 =	sadd.s32 $0x200, s21  }
0x50: {  	_ =	swait.ge [sflag:s17], $0x7D0  }
0x51: {  	[sflag:s17] =	ssyncset.done $0x0  }
0x52: {  	[sflag:s17] =	ssyncadd.s32 $0xFFFFF830;
	s3 =	sadd.s32 $0x1, s3  }
0x53: {  	s21 =	sshll.u32 s0, $0x6;
	s22 =	sshrl.u32 s4, $0x3;
	p0 =	sne.s32 s3, s6  }
.Ltmp3:
0x54: {  	[bflag:$0x0] =	sbarrier.arrive $0xFFFF;
	s21 =	sor.u32 $0x1C01, s21;
	(pc) =	sbr.rel @p0 .LBB2_1-.Ltmp3, $4  }
0x55: {  	[hbm:s20], [sflag:s21] =	dma.local [spmem:s22], $0x2800  }
0x56: {  	_ =	swait.ge [sflag:s17], $0x2800  }
0x57: {  	[sflag:s17] =	ssyncset.done $0x0  }
0x58: {  	[sflag:s17] =	ssyncadd.s32 $0xFFFFD800  }
0x59: {  	_ =	sfence.sel $0x180000  }
0x5a: {  	[bflag:$0x0] =	sbarrier.arrive $0xFFFF  }
0x5b: {  	p0 =	sne.s32 s0, $0x0;
	_ =	strace $0x90000047  }
0x5c: {  	s0 =	sadd.s32 @!p0 $0x100000, s1;
	[bflag:$0x2] =	sbarrier.arrive $0xFFFF  }
0x5d: {  	[sflag:s0] =	ssyncadd.tile.s32 @!p0 $0x1;
	_ =	shalt  }
.Lfunc_end2:
_tile_overlayer_lowered:
.L_overlay_start_2:
0x5e: {  	(tag) =	ssettag $0x2  }
0x5f: {  	s0 =	rddreg [dreg:$0x0];
	s2 =	stileid.u32  }
0x60: {  	s1 =	rddreg [dreg:$0x1];
	p0 =	sne.s32 s2, $0x0  }
0x61: {  	s3 =	rddreg [dreg:$0x2];
	[bflag:$0x3] =	sbarrier.arrive $0xFFFF;
	s2 =	simm.s32 @!p0 $0x1C01  }
0x62: {  	[timem:s3], [sflag:s2] =	dma.local @!p0 [hbm:s0], s1  }
0x63: {  	s0 =	simm.s32 @!p0 $0x1  }
0x64: {  	_ =	swait.ge @!p0 [sflag:s0], s1  }
0x65: {  	s1 =	ssub.s32 @!p0 $0x0, s1;
	[sflag:s0] =	ssyncset.done @!p0 $0x0  }
0x66: {  	[sflag:s0] =	ssyncadd.s32 @!p0 s1  }
0x67: {  	[bflag:$0x3] =	sbarrier.arrive $0xFFFF  }
0x68: {  	_ =	shalt  }

// kernel: kernel.14.cloned.1.call-start
scs
__scs_entry_jumppad:
0x0: {  	(pc) =	sbr.rel $0x88, $3  }
0x1: {  	(tag) =	ssettag $0x0;
	lr =	simm.s32 $0x1  }
0x2: {  	[smem:$0x3F94] =	sst lr;
	_ =	strace $0xD0000000  }
0x3: {  	_ = 	snop  }
0x4: {  	_ = 	snop  }
0x5: {  	_ = 	snop  }
0x6: {  	_ = 	snop  }
0x7: {  	_ = 	snop  }
__scs_overlays_trampoline_lowered:
0x8: {  	[smem:$0x3FA3] =	sst s0  }
0x9: {  	[smem:$0x3FA4] =	sst s1  }
0xa: {  	[smem:$0x3FA5] =	sst s2  }
0xb: {  	[smem:$0x3FA6] =	sst s3  }
0xc: {  	[smem:$0x3FA7] =	sst s4  }
0xd: {  	[smem:$0x3FA8] =	sst s5  }
0xe: {  	[smem:$0x3FA9] =	sst s6  }
0xf: {  	[smem:$0x3FAA] =	sst s7  }
0x10: {  	[smem:$0x3FAB] =	sst s8  }
0x11: {  	[smem:$0x3FAC] =	sst s9;
	s0 =	simm.s32 @!p0 $0x0  }
0x12: {  	s1 =	sld [smem:$0x3F92];
	s0 =	simm.s32 @p0 $0x1  }
0x13: {  	[smem:$0x3FAD] =	sst s0;
	s0 =	simm.s32 @!p1 $0x0  }
0x14: {  	s2 =	sld [smem:$0x3F91];
	s0 =	simm.s32 @p1 $0x1  }
0x15: {  	[smem:$0x3FAE] =	sst s0;
	s0 =	simm.s32 @!p2 $0x0  }
0x16: {  	s3 =	sld [smem:$0x3FDB];
	s0 =	simm.s32 @p2 $0x1  }
0x17: {  	s4 =	simm.s32 $0x1BF5;
	[smem:$0x3FB0] =	sst s0  }
0x18: {  	s0 =	sld [smem:$0x3F93];
	_ =	swait.ge [sflag:s4], $0x0  }
0x19: {  	s7 =	sld [smem:$0x3F94]  }
0x1a: {  	s8 =	sadd.s32 $0xFFFFE003, lr  }
0x1b: {  	s9 =	sadd.s32 $0xFFFFFEF7, lr;
	s5 =	simm.s32 $0xFFFFFFFF;
	p2 =	slt.u32 s8, $0xFFFFF086  }
0x1c: {  	p1 =	slt.u32 s9, $0xF7A;
	s5 =	simm.s32 @!p2 $0x0  }
0x1d: {  	s5 =	simm.s32 @p1 $0x1;
	p0 =	seq.s32 s7, s2  }
0x1e: {  	s7 =	smul.u32 @!p0 $0xF7A, s2;
	p2 =	seq.s32 @!p0 s5, $0x0  }
0x1f: {  	s9 =	smul.u32 $0xF7A, s1;
	s8 =	simm.s32 @!p0 $0x1BF5;
	p2 =	por !p2, p0  }
0x20: {  	[sflag:s8] =	ssyncset.s32 @!p0 $0xFFFFF086;
	s6 =	sadd.s32 @!p0 s3, s7;
	s7 =	simm.s32 @!p0 $0x108  }
0x21: {  	s3 =	sadd.s32 s3, s9;
	s6 =	sadd.s32 @!p0 $0x88, s6;
	s7 =	simm.s32 @p2 $0x1082  }
0x22: {  	[simem:s7], [sflag:s8] =	dma.local @!p0 [hbm:s6], $0xF7A  }
0x23: {  	s9 =	sor.u32 $0xD0000000, s2;
	s6 =	simm.s32 $0x108;
	_ =	swait.ge @!p0 [sflag:s8], $0x0  }
0x24: {  	s3 =	sadd.s32 $0x88, s3;
	s6 =	simm.s32 @!p1 $0x1082;
	[sflag:s4] =	ssyncset.s32 $0xFFFFF086  }
0x25: {  	[simem:s6], [sflag:s4] =	dma.local [hbm:s3], $0xF7A  }
0x26: {  	[smem:$0x3F94] =	sst s1;
	(tag) =	ssettag s2;
	_ =	strace s9  }
0x27: {  	s1 =	sld [smem:$0x3FA4]  }
0x28: {  	s2 =	sld [smem:$0x3FA5]  }
0x29: {  	s4 =	sld [smem:$0x3FA7]  }
0x2a: {  	p0 =	seq.s32 s5, $0x0;
	s5 =	sld [smem:$0x3FA8]  }
0x2b: {  	s6 =	sld [smem:$0x3FA9]  }
0x2c: {  	s7 =	sld [smem:$0x3FAA]  }
0x2d: {  	s3 =	simm.s32 $0x108;
	s8 =	sld [smem:$0x3FAB]  }
0x2e: {  	s3 =	simm.s32 @!p0 $0x1082;
	s9 =	sld [smem:$0x3FAC]  }
0x2f: {  	lr =	sadd.s32 s0, s3;
	s0 =	sld [smem:$0x3FA3]  }
0x30: {  	s3 =	sld [smem:$0x3FA6]  }
0x31: {  	[smem:$0x3FAF] =	sst s10  }
0x32: {  	s10 =	sld [smem:$0x3FAD];
	_ =	sdelay $0x3  }
0x33: {  	p0 =	seq.s32 s10, $0x1;
	s10 =	sld [smem:$0x3FAF];
	_ =	sdelay $0x3  }
0x34: {  	[smem:$0x3FAF] =	sst s10  }
0x35: {  	s10 =	sld [smem:$0x3FAE];
	_ =	sdelay $0x3  }
0x36: {  	p1 =	seq.s32 s10, $0x1;
	s10 =	sld [smem:$0x3FAF];
	_ =	sdelay $0x3  }
0x37: {  	[smem:$0x3FAF] =	sst s10  }
0x38: {  	s10 =	sld [smem:$0x3FB0]  }
0x39: {  	_ = 	snop;
	(pc) =	sbr.ind lr, $3  }
0x3a: {  	_ = 	snop  }
0x3b: {  	_ = 	snop  }
0x3c: {  	p2 =	seq.s32 s10, $0x1;
	s10 =	sld [smem:$0x3FAF]  }
0x3d: {  	_ =	shalt  }
0x3e: {  	_ =	shalt  }
0x3f: {  	_ =	shalt  }
0x40: {  	_ =	shalt  }
0x41: {  	_ =	shalt  }
0x42: {  	_ =	shalt  }
0x43: {  	_ =	shalt  }
0x44: {  	_ =	shalt  }
0x45: {  	_ =	shalt  }
0x46: {  	_ =	shalt  }
0x47: {  	_ =	shalt  }
0x48: {  	_ =	shalt  }
0x49: {  	_ =	shalt  }
0x4a: {  	_ =	shalt  }
0x4b: {  	_ =	shalt  }
0x4c: {  	_ =	shalt  }
0x4d: {  	_ =	shalt  }
0x4e: {  	_ =	shalt  }
0x4f: {  	_ =	shalt  }
0x50: {  	_ =	shalt  }
0x51: {  	_ =	shalt  }
0x52: {  	_ =	shalt  }
0x53: {  	_ =	shalt  }
0x54: {  	_ =	shalt  }
0x55: {  	_ =	shalt  }
0x56: {  	_ =	shalt  }
0x57: {  	_ =	shalt  }
0x58: {  	_ =	shalt  }
0x59: {  	_ =	shalt  }
0x5a: {  	_ =	shalt  }
0x5b: {  	_ =	shalt  }
0x5c: {  	_ =	shalt  }
0x5d: {  	_ =	shalt  }
0x5e: {  	_ =	shalt  }
0x5f: {  	_ =	shalt  }
0x60: {  	_ =	shalt  }
0x61: {  	_ =	shalt  }
0x62: {  	_ =	shalt  }
0x63: {  	_ =	shalt  }
0x64: {  	_ =	shalt  }
0x65: {  	_ =	shalt  }
0x66: {  	_ =	shalt  }
0x67: {  	_ =	shalt  }
0x68: {  	_ =	shalt  }
0x69: {  	_ =	shalt  }
0x6a: {  	_ =	shalt  }
0x6b: {  	_ =	shalt  }
0x6c: {  	_ =	shalt  }
0x6d: {  	_ =	shalt  }
0x6e: {  	_ =	shalt  }
0x6f: {  	_ =	shalt  }
0x70: {  	_ =	shalt  }
0x71: {  	_ =	shalt  }
0x72: {  	_ =	shalt  }
0x73: {  	_ =	shalt  }
0x74: {  	_ =	shalt  }
0x75: {  	_ =	shalt  }
0x76: {  	_ =	shalt  }
0x77: {  	_ =	shalt  }
0x78: {  	_ =	shalt  }
0x79: {  	_ =	shalt  }
0x7a: {  	_ =	shalt  }
0x7b: {  	_ =	shalt  }
0x7c: {  	_ =	shalt  }
0x7d: {  	_ =	shalt  }
0x7e: {  	_ =	shalt  }
0x7f: {  	_ =	shalt  }
0x80: {  	_ =	shalt  }
0x81: {  	_ =	shalt  }
0x82: {  	_ =	shalt  }
0x83: {  	_ =	shalt  }
0x84: {  	_ =	shalt  }
0x85: {  	_ =	shalt  }
0x86: {  	_ =	shalt  }
0x87: {  	_ =	shalt  }
.Lfunc_end0:
.L_simem_size_0:
called_computation.1_lowered:
.L_overlay_start_0:
0x88: {  	s2 =	sld [smem:$0x3FD9]  }
0x89: {  	s3 =	sld [smem:$0x3FFE];
	_ =	sdelay $0x1  }
0x8a: {  	s1 =	srdreg.scid  }
0x8b: {  	s0 =	sand.u32 $0x1, s1  }
0x8c: {  	s16 =	sshll.u32 s0, $0xA;
	s2 =	sadd.s32 s3, s2  }
0x8d: {  	s2 =	sadd.s32 s2, s16  }
0x8e: {  	[smem:$0x3FBB] =	sst s2  }
0x8f: {  	_ = 	snop  }
0x90: {  	(tm) =	ssettm $0x1  }
0x91: {  	s17 =	sld [smem:$0x3FFB];
	_ =	sdelay $0x3  }
0x92: {  	_ =	strace s17  }
0x93: {  	s2 =	sld [smem:$0x3FFC];
	_ =	sdelay $0x3  }
0x94: {  	_ =	strace s2  }
0x95: {  	s2 =	sld [smem:$0x3FFD];
	_ =	sdelay $0x3  }
0x96: {  	_ =	strace s2  }
0x97: {  	_ =	strace $0x8FFFFFFF  }
0x98: {  	s18 =	sld [smem:$0x3FDB];
	_ =	sdelay $0x1  }
0x99: {  	s19 =	simm.s32 $_scs_section_size  }
0x9a: {  	s4 =	simm.s32 $_size__tile_overlayer_lowered;
	s5 =	simm.s32 $_tile_overlayer_lowered  }
0x9b: {  	s22 =	simm.s32 $0x1BFF;
	s21 =	sshll.u32 s5, $0x1;
	s2 =	sadd.s32 s19, s18  }
0x9c: {  	s6 =	simm.s32 $0x0;
	s20 =	sshll.u32 s4, $0x1;
	s4 =	sadd.s32 s21, s2  }
0x9d: {  	[timem:s6], [sflag:s22] =	dma.local [hbm:s4], s20  }
0x9e: {  	_ =	swait.ge [sflag:s22], s20  }
0x9f: {  	s3 =	ssub.s32 $0x0, s20;
	[sflag:s22] =	ssyncset.done $0x0  }
0xa0: {  	[sflag:s22] =	ssyncadd.s32 s3;
	_ =	sdelay $0x1  }
0xa1: {  	s23 =	simm.s32 $0x1B8B  }
0xa2: {  	_ =	swait.ge [sflag:s23], $0x1  }
0xa3: {  	[sflag:s23] =	ssyncset.done $0x0  }
0xa4: {  	s25 =	simm.s32 $0x1B8E;
	s24 =	sld [smem:$0x3FFE];
	[sflag:s23] =	ssyncadd.s32 $0xFFFFFFFF  }
0xa5: {  	s26 =	simm.s32 $execute0_lowered;
	[smem:$0x3FD2] =	sst s25  }
0xa6: {  	s4 =	sshll.u32 s26, $0x1;
	_ =	strace $0x80000049;
	[dreg:$0x1] =	wrdreg $0xFFFFFFFF  }
0xa7: {  	s28 =	simm.s32 $_size_execute0_lowered;
	s2 =	sadd.s32 s2, s4;
	[dreg:$0x0] =	wrdreg $0x0  }
0xa8: {  	s4 =	sshll.u32 s28, $0x1;
	[dreg:$0x2] =	wrdreg s2  }
0xa9: {  	[dreg:$0x3] =	wrdreg s4  }
0xaa: {  	[dreg:$0x4] =	wrdreg $0xC0  }
0xab: {  	_ =	task [dreg:s6], $0x5FFFF  }
0xac: {  	[dreg:$0x1] =	wrdreg $0xFFFFFFFF  }
0xad: {  	[dreg:$0x0] =	wrdreg $0x60  }
0xae: {  	[dreg:$0x2] =	wrdreg s24  }
0xaf: {  	[dreg:$0x3] =	wrdreg $0xA8000  }
0xb0: {  	[dreg:$0x4] =	wrdreg $0x9  }
0xb1: {  	_ =	task.clear_ibuf [dreg:s6], $0x5FFFF;
	_ =	strace $0x90000049  }
0xb2: {  	s29 =	simm.s32 $0x9;
	_ =	strace $0x8000004B  }
0xb3: {  	_ =	swait.ge [sflag:s29], $0x1  }
0xb4: {  	[sflag:s29] =	ssyncadd.s32 $0xFFFFFFFF  }
0xb5: {  	_ =	strace $0x9000004B  }
0xb6: {  	_ =	sfence  }
0xb7: {  	s30 =	sld [smem:$0x0];
	_ =	sdelay $0x2  }
0xb8: {  	s31 =	sshll.u32 s1, $0xD;
	s1 =	sshrl.u32 s1, $0x2  }
0xb9: {  	s3 =	sand.u32 $0x4000, s31;
	s1 =	sadd.s32 s1, s30  }
0xba: {  	s0 =	sor.u32 s3, s0;
	s1 =	sshll.u32 s1, $0x11  }
0xbb: {  	s0 =	sor.u32 s1, s0  }
0xbc: {  	s0 =	sadd.s32 $0x8F2B, s0  }
0xbd: {  	[sflag:s0] =	ssyncadd.remote.s32 $0x1  }
0xbe: {  	_ =	sfence.sel $0xFFFF  }
0xbf: {  	[dreg:$0x0] =	wrdreg $0xFFFFFFFF;
	(pc) =	sbr.abs _section_cstart, $3  }
0xc0: {  	[dreg:$0x1] =	wrdreg $0xFFFFFFFF  }
0xc1: {  	_ =	task.clear_ibuf [dreg:s6], $0x2FFFF;
	_ =	strace $0x9FFFFFFF  }
0xc2: {  	(tm) =	ssettm $0x7FFFFFFF  }
0xc3: {  	_ =	shalt  }
tec
execute0_lowered:
.L_overlay_start_1:
0x0: {  	(tag) =	ssettag $0x1  }
0x1: {  	s0 =	srdreg.scid  }
0x2: {  	s9 =	stileid.u32;
	s1 =	rddreg [dreg:$0x0]  }
0x3: {  	s2 =	rddreg [dreg:$0x1];
	s18 =	simm.s32 $0x2800;
	s19 =	simm.s32 $0x5  }
0x4: {  	s20 =	simm.s32 $0x1400;
	s21 =	simm.s32 $0x7D;
	s22 =	simm.s32 $0x80  }
0x5: {  	s28 =	simm.s32 $0x3;
	s29 =	simm.s32 $0x4;
	s30 =	simm.s32 $0x2700  }
0x6: {  	s0 =	sand.u32 $0x1, s0;
	s3 =	sshll.u32 s9, $0x1;
	s7 =	smul.u32 $0x50000, s9  }
0x7: {  	s31 =	simm.s32 $0x2780;
	s25 =	smul.u32 $0x2800, s9;
	s4 =	sor.u32 s0, s3  }
0x8: {  	s3 =	simm.s32 $0x0;
	s6 =	smul.u32 $0x28000, s0;
	s0 =	ssub.s32 $0x2, s0  }
0x9: {  	s5 =	smul.u32 $0x500, s4;
	[smem:$0x7FF] =	sst s3;
	s4 =	sadd.s32 $0xD600, s1  }
0xa: {  	s23 =	sshrl.u32 s0, $0x1;
	s24 =	sshrl.u32 s7, $0x2;
	_ =	strace $0x8000004A  }
0xb: {  	s0 =	ssub.s32 s0, s23;
	s23 =	simm.s32 $0x6800;
	s8 =	sadd.s32 s5, s1  }
0xc: {  	s1 =	sadd.s32 s6, s1;
	s5 =	sadd.s32 s24, s2;
	s0 =	smax.u32 s0, $0x1  }
0xd: {  	s6 =	sadd.s32 $0x5D600, s8;
	s7 =	sadd.s32 $0x3600, s8;
	s1 =	sadd.s32 $0x67600, s1  }
0xe: {  	[dreg:$0x3] =	wrdreg s0;
	s26 =	sadd.s32 $0x2000, s5;
	s10 =	sadd.s32 $0x4000, s5  }
0xf: {  	s11 =	sadd.s32 $0x6000, s5;
	s12 =	sadd.s32 $0x8000, s5;
	s13 =	sadd.s32 $0xA000, s5  }
0x10: {  	s14 =	sadd.s32 $0xC000, s5;
	s15 =	sadd.s32 $0xE000, s5;
	s16 =	sadd.s32 $0x10000, s5  }
0x11: {  	s17 =	sadd.s32 $0x12000, s5;
	[dreg:$0x4] =	wrdreg s26;
	s24 =	sadd.s32 s25, s1  }
0x12: {  	v0 =	vimm.f32 $0.0e+00;
	s25 =	simm.s32 $0x1;
	s26 =	simm.s32 $0x2;
	s1 =	simm.s32 $0x0  }
.LBB2_1:
0x13: {  	s0 =	simm.s32 $0x0;
	s8 =	simm.s32 $0x200  }
.LBB2_2:
0x14: {  	p0 =	sne.s32 s8, $0x7E00;
	[tilespmem:s0+$0x2870] =	vst v0  }
0x15: {  	[tilespmem:s0+$0x2800] =	vst v0  }
0x16: {  	[tilespmem:s0+$0x2810] =	vst v0  }
.Ltmp0:
0x17: {  	[tilespmem:s0+$0x2820] =	vst v0;
	(pc) =	sbr.rel @p0 .LBB2_2-.Ltmp0, $4  }
0x18: {  	[tilespmem:s0+$0x2830] =	vst v0  }
0x19: {  	[tilespmem:s0+$0x2840] =	vst v0  }
0x1a: {  	[tilespmem:s0+$0x2850] =	vst v0  }
0x1b: {  	[tilespmem:s0+$0x2860] =	vst v0;
	s0 =	sshra.s32 s8, $0x2;
	s8 =	sadd.s32 $0x200, s8  }
0x1c: {  	[tilespmem:s0+$0x2870] =	vst v0  }
0x1d: {  	[tilespmem:s0+$0x2800] =	vst v0  }
0x1e: {  	[tilespmem:s0+$0x2810] =	vst v0  }
0x1f: {  	[tilespmem:s0+$0x2820] =	vst v0  }
0x20: {  	[tilespmem:s0+$0x2830] =	vst v0  }
0x21: {  	[tilespmem:s0+$0x2840] =	vst v0  }
0x22: {  	[tilespmem:s0+$0x2850] =	vst v0  }
0x23: {  	[tilespmem:s0+$0x2860] =	vst v0  }
0x24: {  	[spmem:s5] =	stream.linear.scatter [tilespmem:s18], [sflag:$0x5], $0x2000, $0x38;
	[tilespmem:$0x1E800] =	vst v63  }
0x25: {  	_ =	swait.ge [sflag:s19], $0x2000  }
0x26: {  	[sflag:s19] =	ssyncset.done $0x0  }
0x27: {  	s8 =	rddreg [dreg:$0x4];
	[sflag:s19] =	ssyncadd.s32 $0xFFFFE000  }
0x28: {  	[spmem:s8] =	stream.linear.scatter [tilespmem:s18], [sflag:$0x5], $0x2000, $0x38;
	[tilespmem:$0x1E800] =	vst v63  }
0x29: {  	_ =	swait.ge [sflag:s19], $0x2000  }
0x2a: {  	[sflag:s19] =	ssyncset.done $0x0  }
0x2b: {  	[sflag:s19] =	ssyncadd.s32 $0xFFFFE000  }
0x2c: {  	[spmem:s10] =	stream.linear.scatter [tilespmem:s18], [sflag:$0x5], $0x2000, $0x38;
	[tilespmem:$0x1E800] =	vst v63  }
0x2d: {  	_ =	swait.ge [sflag:s19], $0x2000  }
0x2e: {  	[sflag:s19] =	ssyncset.done $0x0  }
0x2f: {  	[sflag:s19] =	ssyncadd.s32 $0xFFFFE000  }
0x30: {  	[spmem:s11] =	stream.linear.scatter [tilespmem:s18], [sflag:$0x5], $0x2000, $0x38;
	[tilespmem:$0x1E800] =	vst v63  }
0x31: {  	_ =	swait.ge [sflag:s19], $0x2000  }
0x32: {  	[sflag:s19] =	ssyncset.done $0x0  }
0x33: {  	[sflag:s19] =	ssyncadd.s32 $0xFFFFE000  }
0x34: {  	[spmem:s12] =	stream.linear.scatter [tilespmem:s18], [sflag:$0x5], $0x2000, $0x38;
	[tilespmem:$0x1E800] =	vst v63  }
0x35: {  	_ =	swait.ge [sflag:s19], $0x2000  }
0x36: {  	[sflag:s19] =	ssyncset.done $0x0  }
0x37: {  	[sflag:s19] =	ssyncadd.s32 $0xFFFFE000  }
0x38: {  	[spmem:s13] =	stream.linear.scatter [tilespmem:s18], [sflag:$0x5], $0x2000, $0x38;
	[tilespmem:$0x1E800] =	vst v63  }
0x39: {  	_ =	swait.ge [sflag:s19], $0x2000  }
0x3a: {  	[sflag:s19] =	ssyncset.done $0x0  }
0x3b: {  	[sflag:s19] =	ssyncadd.s32 $0xFFFFE000  }
0x3c: {  	[spmem:s14] =	stream.linear.scatter [tilespmem:s18], [sflag:$0x5], $0x2000, $0x38;
	[tilespmem:$0x1E800] =	vst v63  }
0x3d: {  	_ =	swait.ge [sflag:s19], $0x2000  }
0x3e: {  	[sflag:s19] =	ssyncset.done $0x0  }
0x3f: {  	[sflag:s19] =	ssyncadd.s32 $0xFFFFE000  }
0x40: {  	[spmem:s15] =	stream.linear.scatter [tilespmem:s18], [sflag:$0x5], $0x2000, $0x38;
	[tilespmem:$0x1E800] =	vst v63  }
0x41: {  	_ =	swait.ge [sflag:s19], $0x2000  }
0x42: {  	[sflag:s19] =	ssyncset.done $0x0  }
0x43: {  	[sflag:s19] =	ssyncadd.s32 $0xFFFFE000  }
0x44: {  	[spmem:s16] =	stream.linear.scatter [tilespmem:s18], [sflag:$0x5], $0x2000, $0x38;
	[tilespmem:$0x1E800] =	vst v63  }
0x45: {  	_ =	swait.ge [sflag:s19], $0x2000  }
0x46: {  	[sflag:s19] =	ssyncset.done $0x0  }
0x47: {  	[sflag:s19] =	ssyncadd.s32 $0xFFFFE000  }
0x48: {  	[spmem:s17] =	stream.linear.scatter [tilespmem:s18], [sflag:$0x5], $0x2000, $0x38;
	[tilespmem:$0x1E800] =	vst v63  }
0x49: {  	_ =	swait.ge [sflag:s19], $0x2000  }
0x4a: {  	[sflag:s19] =	ssyncset.done $0x0  }
0x4b: {  	[sflag:s19] =	ssyncadd.s32 $0xFFFFE000  }
0x4c: {  	[bflag:$0x0] =	sbarrier.arrive $0xFFFF  }
0x4d: {  	[tilespmem:s3], [sflag:$0x5] =	stream.linear.gather [hbm4b:s6+s3], $0x1400, $0x38;
	[tilespmem:$0x1E800] =	vst v63  }
0x4e: {  	_ =	swait.ge [sflag:s19], $0x1400  }
0x4f: {  	[sflag:s19] =	ssyncset.done $0x0  }
0x50: {  	[sflag:s19] =	ssyncadd.s32 $0xFFFFEC00  }
0x51: {  	[tilespmem:s20], [sflag:$0x5] =	stream.linear.gather [hbm4b:s7+s3], $0x1400, $0x38;
	[tilespmem:$0x1E800] =	vst v63  }
0x52: {  	_ =	swait.ge [sflag:s19], $0x1400  }
0x53: {  	[sflag:s19] =	ssyncset.done $0x0  }
0x54: {  	[sflag:s19] =	ssyncadd.s32 $0xFFFFEC00  }
0x55: {  	[tilespmem:s18], [sflag:$0x1] =	stream.indirect.gather [hbm4b:s4+s21], $0x80, s3, s21, $0xb8;
	[tilespmem:$0x1E800] =	vst v63  }
0x56: {  	_ = 	snop  }
0x57: {  	[tilespmem:s23], [sflag:$0x2] =	stream.indirect.gather [hbm4b:s4+s21], $0x80, s22, s21, $0xb8;
	[tilespmem:$0x1E800] =	vst v63  }
0x58: {  	_ =	swait.ge [sflag:s25], $0x3E80  }
0x59: {  	[sflag:s25] =	ssyncset.done $0x0  }
0x5a: {  	s9 =	simm.s32 $0x1400;
	[sflag:s25] =	ssyncadd.s32 $0xFFFFC180  }
0x5b: {  	[spmem:s2] =	stream.indirect.scatter.add.f32 [tilespmem:s18], [sflag:$0x3], $0x80, s9, s21, $0xb8;
	[tilespmem:$0x1E800] =	vst v63  }
0x5c: {  	_ =	swait.ge [sflag:s26], $0x3E80  }
0x5d: {  	[sflag:s26] =	ssyncset.done $0x0  }
0x5e: {  	s8 =	simm.s32 $0x1480;
	[sflag:s26] =	ssyncadd.s32 $0xFFFFC180  }
0x5f: {  	[spmem:s2] =	stream.indirect.scatter.add.f32 [tilespmem:s23], [sflag:$0x4], $0x80, s8, s21, $0xb8;
	[tilespmem:$0x1E800] =	vst v63  }
0x60: {  	_ =	swait.ge [sflag:s28], $0x3E80  }
0x61: {  	[sflag:s28] =	ssyncset.done $0x0  }
0x62: {  	s9 =	simm.s32 $0x100;
	[sflag:s28] =	ssyncadd.s32 $0xFFFFC180  }
0x63: {  	[tilespmem:s18], [sflag:$0x1] =	stream.indirect.gather [hbm4b:s4+s21], $0x80, s9, s21, $0xb8;
	[tilespmem:$0x1E800] =	vst v63  }
0x64: {  	_ =	swait.ge [sflag:s29], $0x3E80  }
0x65: {  	[sflag:s29] =	ssyncset.done $0x0  }
0x66: {  	s0 =	simm.s32 $0x800;
	s8 =	simm.s32 $0x180;
	[sflag:s29] =	ssyncadd.s32 $0xFFFFC180  }
.LBB2_4:
0x67: {  	[tilespmem:s23], [sflag:$0x2] =	stream.indirect.gather [hbm4b:s4+s21], $0x80, s8, s21, $0xb8;
	[tilespmem:$0x1E800] =	vst v63  }
0x68: {  	s8 =	smov.u32 s0  }
0x69: {  	p0 =	sne.s32 s0, $0x4C00;
	s0 =	sadd.s32 $0x400, s0;
	_ =	swait.ge [sflag:s25], $0x3E80  }
0x6a: {  	s8 =	sshra.s32 s8, $0x2;
	[sflag:s25] =	ssyncset.done $0x0  }
0x6b: {  	s9 =	sadd.s32 $0x1300, s8;
	[sflag:s25] =	ssyncadd.s32 $0xFFFFC180  }
0x6c: {  	[spmem:s2] =	stream.indirect.scatter.add.f32 [tilespmem:s18], [sflag:$0x3], $0x80, s9, s21, $0xb8;
	[tilespmem:$0x1E800] =	vst v63  }
0x6d: {  	_ =	swait.ge [sflag:s26], $0x3E80  }
0x6e: {  	[sflag:s26] =	ssyncset.done $0x0  }
0x6f: {  	s9 =	sadd.s32 $0x1380, s8;
	[sflag:s26] =	ssyncadd.s32 $0xFFFFC180  }
0x70: {  	[spmem:s2] =	stream.indirect.scatter.add.f32 [tilespmem:s23], [sflag:$0x4], $0x80, s9, s21, $0xb8;
	[tilespmem:$0x1E800] =	vst v63  }
0x71: {  	_ =	swait.ge [sflag:s28], $0x3E80  }
0x72: {  	[sflag:s28] =	ssyncset.done $0x0  }
.Ltmp1:
0x73: {  	[sflag:s28] =	ssyncadd.s32 $0xFFFFC180;
	(pc) =	sbr.rel @p0 .LBB2_4-.Ltmp1, $4  }
0x74: {  	[tilespmem:s18], [sflag:$0x1] =	stream.indirect.gather [hbm4b:s4+s21], $0x80, s8, s21, $0xb8;
	[tilespmem:$0x1E800] =	vst v63  }
0x75: {  	_ =	swait.ge [sflag:s29], $0x3E80  }
0x76: {  	[sflag:s29] =	ssyncset.done $0x0  }
0x77: {  	s8 =	sadd.s32 $0x80, s8;
	[sflag:s29] =	ssyncadd.s32 $0xFFFFC180  }
0x78: {  	[tilespmem:s23], [sflag:$0x2] =	stream.indirect.gather [hbm4b:s4+s21], $0x80, s8, s21, $0xb8;
	[tilespmem:$0x1E800] =	vst v63  }
0x79: {  	_ =	swait.ge [sflag:s25], $0x3E80  }
0x7a: {  	[sflag:s25] =	ssyncset.done $0x0  }
0x7b: {  	[sflag:s25] =	ssyncadd.s32 $0xFFFFC180  }
0x7c: {  	[spmem:s2] =	stream.indirect.scatter.add.f32 [tilespmem:s18], [sflag:$0x5], $0x80, s30, s21, $0xb8;
	[tilespmem:$0x1E800] =	vst v63  }
0x7d: {  	_ =	swait.ge [sflag:s19], $0x3E80  }
0x7e: {  	[sflag:s19] =	ssyncset.done $0x0  }
0x7f: {  	[sflag:s19] =	ssyncadd.s32 $0xFFFFC180  }
0x80: {  	_ =	swait.ge [sflag:s26], $0x3E80  }
0x81: {  	[sflag:s26] =	ssyncset.done $0x0  }
0x82: {  	[sflag:s26] =	ssyncadd.s32 $0xFFFFC180  }
0x83: {  	[spmem:s2] =	stream.indirect.scatter.add.f32 [tilespmem:s23], [sflag:$0x5], $0x80, s31, s21, $0xb8;
	[tilespmem:$0x1E800] =	vst v63  }
0x84: {  	_ =	swait.ge [sflag:s19], $0x3E80  }
0x85: {  	[sflag:s19] =	ssyncset.done $0x0  }
0x86: {  	s0 =	sadd.s32 $0x280, s6;
	[sflag:s19] =	ssyncadd.s32 $0xFFFFC180  }
0x87: {  	[tilespmem:s3], [sflag:$0x5] =	stream.linear.gather [hbm4b:s0+s3], $0x1400, $0x38;
	[tilespmem:$0x1E800] =	vst v63  }
0x88: {  	_ =	swait.ge [sflag:s19], $0x1400  }
0x89: {  	[sflag:s19] =	ssyncset.done $0x0  }
0x8a: {  	s8 =	sadd.s32 $0x280, s7;
	[sflag:s19] =	ssyncadd.s32 $0xFFFFEC00  }
0x8b: {  	[tilespmem:s20], [sflag:$0x5] =	stream.linear.gather [hbm4b:s8+s3], $0x1400, $0x38;
	[tilespmem:$0x1E800] =	vst v63  }
0x8c: {  	_ =	swait.ge [sflag:s19], $0x1400  }
0x8d: {  	[sflag:s19] =	ssyncset.done $0x0  }
0x8e: {  	[sflag:s19] =	ssyncadd.s32 $0xFFFFEC00  }
0x8f: {  	[tilespmem:s18], [sflag:$0x1] =	stream.indirect.gather [hbm4b:s4+s21], $0x80, s3, s21, $0xb8;
	[tilespmem:$0x1E800] =	vst v63  }
0x90: {  	_ = 	snop  }
0x91: {  	[tilespmem:s23], [sflag:$0x2] =	stream.indirect.gather [hbm4b:s4+s21], $0x80, s22, s21, $0xb8;
	[tilespmem:$0x1E800] =	vst v63  }
0x92: {  	_ =	swait.ge [sflag:s25], $0x3E80  }
0x93: {  	[sflag:s25] =	ssyncset.done $0x0  }
0x94: {  	s9 =	simm.s32 $0x1400;
	[sflag:s25] =	ssyncadd.s32 $0xFFFFC180  }
0x95: {  	[spmem:s2] =	stream.indirect.scatter.add.f32 [tilespmem:s18], [sflag:$0x3], $0x80, s9, s21, $0xb8;
	[tilespmem:$0x1E800] =	vst v63  }
0x96: {  	_ =	swait.ge [sflag:s26], $0x3E80  }
0x97: {  	[sflag:s26] =	ssyncset.done $0x0  }
0x98: {  	s8 =	simm.s32 $0x1480;
	[sflag:s26] =	ssyncadd.s32 $0xFFFFC180  }
0x99: {  	[spmem:s2] =	stream.indirect.scatter.add.f32 [tilespmem:s23], [sflag:$0x4], $0x80, s8, s21, $0xb8;
	[tilespmem:$0x1E800] =	vst v63  }
0x9a: {  	_ =	swait.ge [sflag:s28], $0x3E80  }
0x9b: {  	[sflag:s28] =	ssyncset.done $0x0  }
0x9c: {  	s9 =	simm.s32 $0x100;
	[sflag:s28] =	ssyncadd.s32 $0xFFFFC180  }
0x9d: {  	[tilespmem:s18], [sflag:$0x1] =	stream.indirect.gather [hbm4b:s4+s21], $0x80, s9, s21, $0xb8;
	[tilespmem:$0x1E800] =	vst v63  }
0x9e: {  	_ =	swait.ge [sflag:s29], $0x3E80  }
0x9f: {  	[sflag:s29] =	ssyncset.done $0x0  }
0xa0: {  	s0 =	simm.s32 $0x800;
	s8 =	simm.s32 $0x180;
	[sflag:s29] =	ssyncadd.s32 $0xFFFFC180  }
.LBB2_6:
0xa1: {  	[tilespmem:s23], [sflag:$0x2] =	stream.indirect.gather [hbm4b:s4+s21], $0x80, s8, s21, $0xb8;
	[tilespmem:$0x1E800] =	vst v63  }
0xa2: {  	s8 =	smov.u32 s0  }
0xa3: {  	p0 =	sne.s32 s0, $0x4C00;
	s0 =	sadd.s32 $0x400, s0;
	_ =	swait.ge [sflag:s25], $0x3E80  }
0xa4: {  	s8 =	sshra.s32 s8, $0x2;
	[sflag:s25] =	ssyncset.done $0x0  }
0xa5: {  	s9 =	sadd.s32 $0x1300, s8;
	[sflag:s25] =	ssyncadd.s32 $0xFFFFC180  }
0xa6: {  	[spmem:s2] =	stream.indirect.scatter.add.f32 [tilespmem:s18], [sflag:$0x3], $0x80, s9, s21, $0xb8;
	[tilespmem:$0x1E800] =	vst v63  }
0xa7: {  	_ =	swait.ge [sflag:s26], $0x3E80  }
0xa8: {  	[sflag:s26] =	ssyncset.done $0x0  }
0xa9: {  	s9 =	sadd.s32 $0x1380, s8;
	[sflag:s26] =	ssyncadd.s32 $0xFFFFC180  }
0xaa: {  	[spmem:s2] =	stream.indirect.scatter.add.f32 [tilespmem:s23], [sflag:$0x4], $0x80, s9, s21, $0xb8;
	[tilespmem:$0x1E800] =	vst v63  }
0xab: {  	_ =	swait.ge [sflag:s28], $0x3E80  }
0xac: {  	[sflag:s28] =	ssyncset.done $0x0  }
.Ltmp2:
0xad: {  	[sflag:s28] =	ssyncadd.s32 $0xFFFFC180;
	(pc) =	sbr.rel @p0 .LBB2_6-.Ltmp2, $4  }
0xae: {  	[tilespmem:s18], [sflag:$0x1] =	stream.indirect.gather [hbm4b:s4+s21], $0x80, s8, s21, $0xb8;
	[tilespmem:$0x1E800] =	vst v63  }
0xaf: {  	_ =	swait.ge [sflag:s29], $0x3E80  }
0xb0: {  	[sflag:s29] =	ssyncset.done $0x0  }
0xb1: {  	s8 =	sadd.s32 $0x80, s8;
	[sflag:s29] =	ssyncadd.s32 $0xFFFFC180  }
0xb2: {  	[tilespmem:s23], [sflag:$0x2] =	stream.indirect.gather [hbm4b:s4+s21], $0x80, s8, s21, $0xb8;
	[tilespmem:$0x1E800] =	vst v63  }
0xb3: {  	_ =	swait.ge [sflag:s25], $0x3E80  }
0xb4: {  	[sflag:s25] =	ssyncset.done $0x0  }
0xb5: {  	[sflag:s25] =	ssyncadd.s32 $0xFFFFC180  }
0xb6: {  	[spmem:s2] =	stream.indirect.scatter.add.f32 [tilespmem:s18], [sflag:$0x5], $0x80, s30, s21, $0xb8;
	[tilespmem:$0x1E800] =	vst v63  }
0xb7: {  	_ =	swait.ge [sflag:s19], $0x3E80  }
0xb8: {  	[sflag:s19] =	ssyncset.done $0x0  }
0xb9: {  	[sflag:s19] =	ssyncadd.s32 $0xFFFFC180  }
0xba: {  	_ =	swait.ge [sflag:s26], $0x3E80  }
0xbb: {  	[sflag:s26] =	ssyncset.done $0x0  }
0xbc: {  	[sflag:s26] =	ssyncadd.s32 $0xFFFFC180  }
0xbd: {  	[spmem:s2] =	stream.indirect.scatter.add.f32 [tilespmem:s23], [sflag:$0x5], $0x80, s31, s21, $0xb8;
	[tilespmem:$0x1E800] =	vst v63  }
0xbe: {  	_ =	swait.ge [sflag:s19], $0x3E80  }
0xbf: {  	s0 =	stileid.u32;
	[sflag:s19] =	ssyncset.done $0x0  }
0xc0: {  	s0 =	sshll.u32 s0, $0x6;
	[sflag:s19] =	ssyncadd.s32 $0xFFFFC180  }
0xc1: {  	s9 =	sshrl.u32 s5, $0x3;
	s0 =	sor.u32 $0x1C05, s0;
	[bflag:$0x0] =	sbarrier.arrive $0xFFFF  }
0xc2: {  	[hbm:s24], [sflag:s0] =	dma.local [spmem:s9], $0x2800  }
0xc3: {  	_ =	swait.ge [sflag:s19], $0x2800  }
0xc4: {  	s1 =	sadd.s32 $0x1, s1;
	s9 =	rddreg [dreg:$0x3]  }
0xc5: {  	p0 =	sne.s32 s1, s9  }
.Ltmp3:
0xc6: {  	_ = 	snop;
	(pc) =	sbr.rel @p0 .LBB2_1-.Ltmp3, $3  }
0xc7: {  	_ =	sdelay $0x1  }
0xc8: {  	[sflag:s19] =	ssyncset.done $0x0  }
0xc9: {  	[sflag:s19] =	ssyncadd.s32 $0xFFFFD800  }
0xca: {  	_ =	sfence.sel $0x180000  }
0xcb: {  	[bflag:$0x0] =	sbarrier.arrive $0xFFFF  }
0xcc: {  	_ =	strace $0x9000004A  }
0xcd: {  	s0 =	stileid.u32;
	[bflag:$0x2] =	sbarrier.arrive $0xFFFF  }
0xce: {  	p0 =	sne.s32 s0, $0x0;
	s0 =	rddreg [dreg:$0x2]  }
0xcf: {  	s0 =	sadd.s32 @!p0 $0x100000, s0  }
0xd0: {  	[sflag:s0] =	ssyncadd.tile.s32 @!p0 $0x1;
	_ =	shalt  }
.Lfunc_end2:
_tile_overlayer_lowered:
.L_overlay_start_2:
0xd1: {  	(tag) =	ssettag $0x2  }
0xd2: {  	s0 =	rddreg [dreg:$0x0];
	s2 =	stileid.u32  }
0xd3: {  	s1 =	rddreg [dreg:$0x1];
	p0 =	sne.s32 s2, $0x0  }
0xd4: {  	s3 =	rddreg [dreg:$0x2];
	[bflag:$0x3] =	sbarrier.arrive $0xFFFF;
	s2 =	simm.s32 @!p0 $0x1C05  }
0xd5: {  	[timem:s3], [sflag:s2] =	dma.local @!p0 [hbm:s0], s1  }
0xd6: {  	s0 =	simm.s32 @!p0 $0x5  }
0xd7: {  	_ =	swait.ge @!p0 [sflag:s0], s1  }
0xd8: {  	s1 =	ssub.s32 @!p0 $0x0, s1;
	[sflag:s0] =	ssyncset.done @!p0 $0x0  }
0xd9: {  	[sflag:s0] =	ssyncadd.s32 @!p0 s1  }
0xda: {  	[bflag:$0x3] =	sbarrier.arrive $0xFFFF  }
0xdb: {  	_ =	shalt  }

// kernel: kernel.17.cloned.1.call-start
scs
__scs_entry_jumppad:
0x0: {  	(pc) =	sbr.rel $0x88, $3  }
0x1: {  	(tag) =	ssettag $0x0;
	lr =	simm.s32 $0x1  }
0x2: {  	[smem:$0x3F94] =	sst lr;
	_ =	strace $0xD0000000  }
0x3: {  	_ = 	snop  }
0x4: {  	_ = 	snop  }
0x5: {  	_ = 	snop  }
0x6: {  	_ = 	snop  }
0x7: {  	_ = 	snop  }
__scs_overlays_trampoline_lowered:
0x8: {  	[smem:$0x3FA3] =	sst s0  }
0x9: {  	[smem:$0x3FA4] =	sst s1  }
0xa: {  	[smem:$0x3FA5] =	sst s2  }
0xb: {  	[smem:$0x3FA6] =	sst s3  }
0xc: {  	[smem:$0x3FA7] =	sst s4  }
0xd: {  	[smem:$0x3FA8] =	sst s5  }
0xe: {  	[smem:$0x3FA9] =	sst s6  }
0xf: {  	[smem:$0x3FAA] =	sst s7  }
0x10: {  	[smem:$0x3FAB] =	sst s8  }
0x11: {  	[smem:$0x3FAC] =	sst s9;
	s0 =	simm.s32 @!p0 $0x0  }
0x12: {  	s1 =	sld [smem:$0x3F92];
	s0 =	simm.s32 @p0 $0x1  }
0x13: {  	[smem:$0x3FAD] =	sst s0;
	s0 =	simm.s32 @!p1 $0x0  }
0x14: {  	s2 =	sld [smem:$0x3F91];
	s0 =	simm.s32 @p1 $0x1  }
0x15: {  	[smem:$0x3FAE] =	sst s0;
	s0 =	simm.s32 @!p2 $0x0  }
0x16: {  	s3 =	sld [smem:$0x3FDB];
	s0 =	simm.s32 @p2 $0x1  }
0x17: {  	s4 =	simm.s32 $0x1BF5;
	[smem:$0x3FB0] =	sst s0  }
0x18: {  	s0 =	sld [smem:$0x3F93];
	_ =	swait.ge [sflag:s4], $0x0  }
0x19: {  	s7 =	sld [smem:$0x3F94]  }
0x1a: {  	s8 =	sadd.s32 $0xFFFFE003, lr  }
0x1b: {  	s9 =	sadd.s32 $0xFFFFFEF7, lr;
	s5 =	simm.s32 $0xFFFFFFFF;
	p2 =	slt.u32 s8, $0xFFFFF086  }
0x1c: {  	p1 =	slt.u32 s9, $0xF7A;
	s5 =	simm.s32 @!p2 $0x0  }
0x1d: {  	s5 =	simm.s32 @p1 $0x1;
	p0 =	seq.s32 s7, s2  }
0x1e: {  	s7 =	smul.u32 @!p0 $0xF7A, s2;
	p2 =	seq.s32 @!p0 s5, $0x0  }
0x1f: {  	s9 =	smul.u32 $0xF7A, s1;
	s8 =	simm.s32 @!p0 $0x1BF5;
	p2 =	por !p2, p0  }
0x20: {  	[sflag:s8] =	ssyncset.s32 @!p0 $0xFFFFF086;
	s6 =	sadd.s32 @!p0 s3, s7;
	s7 =	simm.s32 @!p0 $0x108  }
0x21: {  	s3 =	sadd.s32 s3, s9;
	s6 =	sadd.s32 @!p0 $0x88, s6;
	s7 =	simm.s32 @p2 $0x1082  }
0x22: {  	[simem:s7], [sflag:s8] =	dma.local @!p0 [hbm:s6], $0xF7A  }
0x23: {  	s9 =	sor.u32 $0xD0000000, s2;
	s6 =	simm.s32 $0x108;
	_ =	swait.ge @!p0 [sflag:s8], $0x0  }
0x24: {  	s3 =	sadd.s32 $0x88, s3;
	s6 =	simm.s32 @!p1 $0x1082;
	[sflag:s4] =	ssyncset.s32 $0xFFFFF086  }
0x25: {  	[simem:s6], [sflag:s4] =	dma.local [hbm:s3], $0xF7A  }
0x26: {  	[smem:$0x3F94] =	sst s1;
	(tag) =	ssettag s2;
	_ =	strace s9  }
0x27: {  	s1 =	sld [smem:$0x3FA4]  }
0x28: {  	s2 =	sld [smem:$0x3FA5]  }
0x29: {  	s4 =	sld [smem:$0x3FA7]  }
0x2a: {  	p0 =	seq.s32 s5, $0x0;
	s5 =	sld [smem:$0x3FA8]  }
0x2b: {  	s6 =	sld [smem:$0x3FA9]  }
0x2c: {  	s7 =	sld [smem:$0x3FAA]  }
0x2d: {  	s3 =	simm.s32 $0x108;
	s8 =	sld [smem:$0x3FAB]  }
0x2e: {  	s3 =	simm.s32 @!p0 $0x1082;
	s9 =	sld [smem:$0x3FAC]  }
0x2f: {  	lr =	sadd.s32 s0, s3;
	s0 =	sld [smem:$0x3FA3]  }
0x30: {  	s3 =	sld [smem:$0x3FA6]  }
0x31: {  	[smem:$0x3FAF] =	sst s10  }
0x32: {  	s10 =	sld [smem:$0x3FAD];
	_ =	sdelay $0x3  }
0x33: {  	p0 =	seq.s32 s10, $0x1;
	s10 =	sld [smem:$0x3FAF];
	_ =	sdelay $0x3  }
0x34: {  	[smem:$0x3FAF] =	sst s10  }
0x35: {  	s10 =	sld [smem:$0x3FAE];
	_ =	sdelay $0x3  }
0x36: {  	p1 =	seq.s32 s10, $0x1;
	s10 =	sld [smem:$0x3FAF];
	_ =	sdelay $0x3  }
0x37: {  	[smem:$0x3FAF] =	sst s10  }
0x38: {  	s10 =	sld [smem:$0x3FB0]  }
0x39: {  	_ = 	snop;
	(pc) =	sbr.ind lr, $3  }
0x3a: {  	_ = 	snop  }
0x3b: {  	_ = 	snop  }
0x3c: {  	p2 =	seq.s32 s10, $0x1;
	s10 =	sld [smem:$0x3FAF]  }
0x3d: {  	_ =	shalt  }
0x3e: {  	_ =	shalt  }
0x3f: {  	_ =	shalt  }
0x40: {  	_ =	shalt  }
0x41: {  	_ =	shalt  }
0x42: {  	_ =	shalt  }
0x43: {  	_ =	shalt  }
0x44: {  	_ =	shalt  }
0x45: {  	_ =	shalt  }
0x46: {  	_ =	shalt  }
0x47: {  	_ =	shalt  }
0x48: {  	_ =	shalt  }
0x49: {  	_ =	shalt  }
0x4a: {  	_ =	shalt  }
0x4b: {  	_ =	shalt  }
0x4c: {  	_ =	shalt  }
0x4d: {  	_ =	shalt  }
0x4e: {  	_ =	shalt  }
0x4f: {  	_ =	shalt  }
0x50: {  	_ =	shalt  }
0x51: {  	_ =	shalt  }
0x52: {  	_ =	shalt  }
0x53: {  	_ =	shalt  }
0x54: {  	_ =	shalt  }
0x55: {  	_ =	shalt  }
0x56: {  	_ =	shalt  }
0x57: {  	_ =	shalt  }
0x58: {  	_ =	shalt  }
0x59: {  	_ =	shalt  }
0x5a: {  	_ =	shalt  }
0x5b: {  	_ =	shalt  }
0x5c: {  	_ =	shalt  }
0x5d: {  	_ =	shalt  }
0x5e: {  	_ =	shalt  }
0x5f: {  	_ =	shalt  }
0x60: {  	_ =	shalt  }
0x61: {  	_ =	shalt  }
0x62: {  	_ =	shalt  }
0x63: {  	_ =	shalt  }
0x64: {  	_ =	shalt  }
0x65: {  	_ =	shalt  }
0x66: {  	_ =	shalt  }
0x67: {  	_ =	shalt  }
0x68: {  	_ =	shalt  }
0x69: {  	_ =	shalt  }
0x6a: {  	_ =	shalt  }
0x6b: {  	_ =	shalt  }
0x6c: {  	_ =	shalt  }
0x6d: {  	_ =	shalt  }
0x6e: {  	_ =	shalt  }
0x6f: {  	_ =	shalt  }
0x70: {  	_ =	shalt  }
0x71: {  	_ =	shalt  }
0x72: {  	_ =	shalt  }
0x73: {  	_ =	shalt  }
0x74: {  	_ =	shalt  }
0x75: {  	_ =	shalt  }
0x76: {  	_ =	shalt  }
0x77: {  	_ =	shalt  }
0x78: {  	_ =	shalt  }
0x79: {  	_ =	shalt  }
0x7a: {  	_ =	shalt  }
0x7b: {  	_ =	shalt  }
0x7c: {  	_ =	shalt  }
0x7d: {  	_ =	shalt  }
0x7e: {  	_ =	shalt  }
0x7f: {  	_ =	shalt  }
0x80: {  	_ =	shalt  }
0x81: {  	_ =	shalt  }
0x82: {  	_ =	shalt  }
0x83: {  	_ =	shalt  }
0x84: {  	_ =	shalt  }
0x85: {  	_ =	shalt  }
0x86: {  	_ =	shalt  }
0x87: {  	_ =	shalt  }
.Lfunc_end0:
.L_simem_size_0:
called_computation.2_lowered:
.L_overlay_start_0:
0x88: {  	s2 =	sld [smem:$0x3FD9]  }
0x89: {  	s3 =	sld [smem:$0x3FFE];
	_ =	sdelay $0x1  }
0x8a: {  	s1 =	srdreg.scid  }
0x8b: {  	s0 =	sand.u32 $0x1, s1  }
0x8c: {  	s16 =	sshll.u32 s0, $0xA;
	s2 =	sadd.s32 s3, s2  }
0x8d: {  	s2 =	sadd.s32 s2, s16  }
0x8e: {  	[smem:$0x3FBB] =	sst s2  }
0x8f: {  	_ = 	snop  }
0x90: {  	(tm) =	ssettm $0x1  }
0x91: {  	s17 =	sld [smem:$0x3FFB];
	_ =	sdelay $0x3  }
0x92: {  	_ =	strace s17  }
0x93: {  	s2 =	sld [smem:$0x3FFC];
	_ =	sdelay $0x3  }
0x94: {  	_ =	strace s2  }
0x95: {  	s2 =	sld [smem:$0x3FFD];
	_ =	sdelay $0x3  }
0x96: {  	_ =	strace s2  }
0x97: {  	_ =	strace $0x8FFFFFFF  }
0x98: {  	s18 =	sld [smem:$0x3FDB];
	_ =	sdelay $0x1  }
0x99: {  	s19 =	simm.s32 $_scs_section_size  }
0x9a: {  	s4 =	simm.s32 $_size__tile_overlayer_lowered;
	s5 =	simm.s32 $_tile_overlayer_lowered  }
0x9b: {  	s22 =	simm.s32 $0x1BFF;
	s21 =	sshll.u32 s5, $0x1;
	s2 =	sadd.s32 s19, s18  }
0x9c: {  	s6 =	simm.s32 $0x0;
	s20 =	sshll.u32 s4, $0x1;
	s4 =	sadd.s32 s21, s2  }
0x9d: {  	[timem:s6], [sflag:s22] =	dma.local [hbm:s4], s20  }
0x9e: {  	_ =	swait.ge [sflag:s22], s20  }
0x9f: {  	s3 =	ssub.s32 $0x0, s20;
	[sflag:s22] =	ssyncset.done $0x0  }
0xa0: {  	[sflag:s22] =	ssyncadd.s32 s3;
	_ =	sdelay $0x1  }
0xa1: {  	s23 =	simm.s32 $0x1B8B  }
0xa2: {  	_ =	swait.ge [sflag:s23], $0x1  }
0xa3: {  	[sflag:s23] =	ssyncset.done $0x0  }
0xa4: {  	s25 =	simm.s32 $0x1B8E;
	s24 =	sld [smem:$0x3FFE];
	[sflag:s23] =	ssyncadd.s32 $0xFFFFFFFF  }
0xa5: {  	s26 =	simm.s32 $execute0_lowered;
	[smem:$0x3FD2] =	sst s25  }
0xa6: {  	s4 =	sshll.u32 s26, $0x1;
	_ =	strace $0x8000004C;
	[dreg:$0x1] =	wrdreg $0xFFFFFFFF  }
0xa7: {  	s28 =	simm.s32 $_size_execute0_lowered;
	s2 =	sadd.s32 s2, s4;
	[dreg:$0x0] =	wrdreg $0x0  }
0xa8: {  	s4 =	sshll.u32 s28, $0x1;
	[dreg:$0x2] =	wrdreg s2  }
0xa9: {  	[dreg:$0x3] =	wrdreg s4  }
0xaa: {  	[dreg:$0x4] =	wrdreg $0xC0  }
0xab: {  	_ =	task [dreg:s6], $0x5FFFF  }
0xac: {  	[dreg:$0x1] =	wrdreg $0xFFFFFFFF  }
0xad: {  	[dreg:$0x0] =	wrdreg $0x60  }
0xae: {  	[dreg:$0x2] =	wrdreg s24  }
0xaf: {  	[dreg:$0x3] =	wrdreg $0xA8000  }
0xb0: {  	[dreg:$0x4] =	wrdreg $0x9  }
0xb1: {  	_ =	task.clear_ibuf [dreg:s6], $0x5FFFF;
	_ =	strace $0x9000004C  }
0xb2: {  	s29 =	simm.s32 $0x9;
	_ =	strace $0x8000004E  }
0xb3: {  	_ =	swait.ge [sflag:s29], $0x1  }
0xb4: {  	[sflag:s29] =	ssyncadd.s32 $0xFFFFFFFF  }
0xb5: {  	_ =	strace $0x9000004E  }
0xb6: {  	_ =	sfence  }
0xb7: {  	s30 =	sld [smem:$0x0];
	_ =	sdelay $0x2  }
0xb8: {  	s31 =	sshll.u32 s1, $0xD;
	s1 =	sshrl.u32 s1, $0x2  }
0xb9: {  	s3 =	sand.u32 $0x4000, s31;
	s1 =	sadd.s32 s1, s30  }
0xba: {  	s0 =	sor.u32 s3, s0;
	s1 =	sshll.u32 s1, $0x11  }
0xbb: {  	s0 =	sor.u32 s1, s0  }
0xbc: {  	s0 =	sadd.s32 $0x8F2B, s0  }
0xbd: {  	[sflag:s0] =	ssyncadd.remote.s32 $0x1  }
0xbe: {  	_ =	sfence.sel $0xFFFF  }
0xbf: {  	[dreg:$0x0] =	wrdreg $0xFFFFFFFF;
	(pc) =	sbr.abs _section_cstart, $3  }
0xc0: {  	[dreg:$0x1] =	wrdreg $0xFFFFFFFF  }
0xc1: {  	_ =	task.clear_ibuf [dreg:s6], $0x2FFFF;
	_ =	strace $0x9FFFFFFF  }
0xc2: {  	(tm) =	ssettm $0x7FFFFFFF  }
0xc3: {  	_ =	shalt  }
tec
execute0_lowered:
.L_overlay_start_1:
0x0: {  	(tag) =	ssettag $0x1  }
0x1: {  	s0 =	srdreg.scid  }
0x2: {  	s9 =	stileid.u32;
	s1 =	rddreg [dreg:$0x0]  }
0x3: {  	s2 =	rddreg [dreg:$0x1];
	s18 =	simm.s32 $0x2800;
	s19 =	simm.s32 $0x5  }
0x4: {  	s20 =	simm.s32 $0x1400;
	s21 =	simm.s32 $0x7D;
	s22 =	simm.s32 $0x80  }
0x5: {  	s28 =	simm.s32 $0x3;
	s29 =	simm.s32 $0x4;
	s30 =	simm.s32 $0x2700  }
0x6: {  	s0 =	sand.u32 $0x1, s0;
	s3 =	sshll.u32 s9, $0x1;
	s7 =	smul.u32 $0x50000, s9  }
0x7: {  	s31 =	simm.s32 $0x2780;
	s25 =	smul.u32 $0x2800, s9;
	s4 =	sor.u32 s0, s3  }
0x8: {  	s3 =	simm.s32 $0x0;
	s6 =	smul.u32 $0x28000, s0;
	s0 =	ssub.s32 $0x2, s0  }
0x9: {  	s5 =	smul.u32 $0x500, s4;
	[smem:$0x7FF] =	sst s3;
	s4 =	sadd.s32 $0xD600, s1  }
0xa: {  	s23 =	sshrl.u32 s0, $0x1;
	s24 =	sshrl.u32 s7, $0x2;
	_ =	strace $0x8000004D  }
0xb: {  	s0 =	ssub.s32 s0, s23;
	s23 =	simm.s32 $0x6800;
	s8 =	sadd.s32 s5, s1  }
0xc: {  	s1 =	sadd.s32 s6, s1;
	s5 =	sadd.s32 s24, s2;
	s0 =	smax.u32 s0, $0x1  }
0xd: {  	s6 =	sadd.s32 $0x5D600, s8;
	s7 =	sadd.s32 $0x3600, s8;
	s1 =	sadd.s32 $0x67600, s1  }
0xe: {  	[dreg:$0x3] =	wrdreg s0;
	s26 =	sadd.s32 $0x2000, s5;
	s10 =	sadd.s32 $0x4000, s5  }
0xf: {  	s11 =	sadd.s32 $0x6000, s5;
	s12 =	sadd.s32 $0x8000, s5;
	s13 =	sadd.s32 $0xA000, s5  }
0x10: {  	s14 =	sadd.s32 $0xC000, s5;
	s15 =	sadd.s32 $0xE000, s5;
	s16 =	sadd.s32 $0x10000, s5  }
0x11: {  	s17 =	sadd.s32 $0x12000, s5;
	[dreg:$0x4] =	wrdreg s26;
	s24 =	sadd.s32 s25, s1  }
0x12: {  	v0 =	vimm.f32 $0.0e+00;
	s25 =	simm.s32 $0x1;
	s26 =	simm.s32 $0x2;
	s1 =	simm.s32 $0x0  }
.LBB2_1:
0x13: {  	s0 =	simm.s32 $0x0;
	s8 =	simm.s32 $0x200  }
.LBB2_2:
0x14: {  	p0 =	sne.s32 s8, $0x7E00;
	[tilespmem:s0+$0x2870] =	vst v0  }
0x15: {  	[tilespmem:s0+$0x2800] =	vst v0  }
0x16: {  	[tilespmem:s0+$0x2810] =	vst v0  }
.Ltmp0:
0x17: {  	[tilespmem:s0+$0x2820] =	vst v0;
	(pc) =	sbr.rel @p0 .LBB2_2-.Ltmp0, $4  }
0x18: {  	[tilespmem:s0+$0x2830] =	vst v0  }
0x19: {  	[tilespmem:s0+$0x2840] =	vst v0  }
0x1a: {  	[tilespmem:s0+$0x2850] =	vst v0  }
0x1b: {  	[tilespmem:s0+$0x2860] =	vst v0;
	s0 =	sshra.s32 s8, $0x2;
	s8 =	sadd.s32 $0x200, s8  }
0x1c: {  	[tilespmem:s0+$0x2870] =	vst v0  }
0x1d: {  	[tilespmem:s0+$0x2800] =	vst v0  }
0x1e: {  	[tilespmem:s0+$0x2810] =	vst v0  }
0x1f: {  	[tilespmem:s0+$0x2820] =	vst v0  }
0x20: {  	[tilespmem:s0+$0x2830] =	vst v0  }
0x21: {  	[tilespmem:s0+$0x2840] =	vst v0  }
0x22: {  	[tilespmem:s0+$0x2850] =	vst v0  }
0x23: {  	[tilespmem:s0+$0x2860] =	vst v0  }
0x24: {  	[spmem:s5] =	stream.linear.scatter [tilespmem:s18], [sflag:$0x5], $0x2000, $0x38;
	[tilespmem:$0x1E800] =	vst v63  }
0x25: {  	_ =	swait.ge [sflag:s19], $0x2000  }
0x26: {  	[sflag:s19] =	ssyncset.done $0x0  }
0x27: {  	s8 =	rddreg [dreg:$0x4];
	[sflag:s19] =	ssyncadd.s32 $0xFFFFE000  }
0x28: {  	[spmem:s8] =	stream.linear.scatter [tilespmem:s18], [sflag:$0x5], $0x2000, $0x38;
	[tilespmem:$0x1E800] =	vst v63  }
0x29: {  	_ =	swait.ge [sflag:s19], $0x2000  }
0x2a: {  	[sflag:s19] =	ssyncset.done $0x0  }
0x2b: {  	[sflag:s19] =	ssyncadd.s32 $0xFFFFE000  }
0x2c: {  	[spmem:s10] =	stream.linear.scatter [tilespmem:s18], [sflag:$0x5], $0x2000, $0x38;
	[tilespmem:$0x1E800] =	vst v63  }
0x2d: {  	_ =	swait.ge [sflag:s19], $0x2000  }
0x2e: {  	[sflag:s19] =	ssyncset.done $0x0  }
0x2f: {  	[sflag:s19] =	ssyncadd.s32 $0xFFFFE000  }
0x30: {  	[spmem:s11] =	stream.linear.scatter [tilespmem:s18], [sflag:$0x5], $0x2000, $0x38;
	[tilespmem:$0x1E800] =	vst v63  }
0x31: {  	_ =	swait.ge [sflag:s19], $0x2000  }
0x32: {  	[sflag:s19] =	ssyncset.done $0x0  }
0x33: {  	[sflag:s19] =	ssyncadd.s32 $0xFFFFE000  }
0x34: {  	[spmem:s12] =	stream.linear.scatter [tilespmem:s18], [sflag:$0x5], $0x2000, $0x38;
	[tilespmem:$0x1E800] =	vst v63  }
0x35: {  	_ =	swait.ge [sflag:s19], $0x2000  }
0x36: {  	[sflag:s19] =	ssyncset.done $0x0  }
0x37: {  	[sflag:s19] =	ssyncadd.s32 $0xFFFFE000  }
0x38: {  	[spmem:s13] =	stream.linear.scatter [tilespmem:s18], [sflag:$0x5], $0x2000, $0x38;
	[tilespmem:$0x1E800] =	vst v63  }
0x39: {  	_ =	swait.ge [sflag:s19], $0x2000  }
0x3a: {  	[sflag:s19] =	ssyncset.done $0x0  }
0x3b: {  	[sflag:s19] =	ssyncadd.s32 $0xFFFFE000  }
0x3c: {  	[spmem:s14] =	stream.linear.scatter [tilespmem:s18], [sflag:$0x5], $0x2000, $0x38;
	[tilespmem:$0x1E800] =	vst v63  }
0x3d: {  	_ =	swait.ge [sflag:s19], $0x2000  }
0x3e: {  	[sflag:s19] =	ssyncset.done $0x0  }
0x3f: {  	[sflag:s19] =	ssyncadd.s32 $0xFFFFE000  }
0x40: {  	[spmem:s15] =	stream.linear.scatter [tilespmem:s18], [sflag:$0x5], $0x2000, $0x38;
	[tilespmem:$0x1E800] =	vst v63  }
0x41: {  	_ =	swait.ge [sflag:s19], $0x2000  }
0x42: {  	[sflag:s19] =	ssyncset.done $0x0  }
0x43: {  	[sflag:s19] =	ssyncadd.s32 $0xFFFFE000  }
0x44: {  	[spmem:s16] =	stream.linear.scatter [tilespmem:s18], [sflag:$0x5], $0x2000, $0x38;
	[tilespmem:$0x1E800] =	vst v63  }
0x45: {  	_ =	swait.ge [sflag:s19], $0x2000  }
0x46: {  	[sflag:s19] =	ssyncset.done $0x0  }
0x47: {  	[sflag:s19] =	ssyncadd.s32 $0xFFFFE000  }
0x48: {  	[spmem:s17] =	stream.linear.scatter [tilespmem:s18], [sflag:$0x5], $0x2000, $0x38;
	[tilespmem:$0x1E800] =	vst v63  }
0x49: {  	_ =	swait.ge [sflag:s19], $0x2000  }
0x4a: {  	[sflag:s19] =	ssyncset.done $0x0  }
0x4b: {  	[sflag:s19] =	ssyncadd.s32 $0xFFFFE000  }
0x4c: {  	[bflag:$0x0] =	sbarrier.arrive $0xFFFF  }
0x4d: {  	[tilespmem:s3], [sflag:$0x5] =	stream.linear.gather [hbm4b:s6+s3], $0x1400, $0x38;
	[tilespmem:$0x1E800] =	vst v63  }
0x4e: {  	_ =	swait.ge [sflag:s19], $0x1400  }
0x4f: {  	[sflag:s19] =	ssyncset.done $0x0  }
0x50: {  	[sflag:s19] =	ssyncadd.s32 $0xFFFFEC00  }
0x51: {  	[tilespmem:s20], [sflag:$0x5] =	stream.linear.gather [hbm4b:s7+s3], $0x1400, $0x38;
	[tilespmem:$0x1E800] =	vst v63  }
0x52: {  	_ =	swait.ge [sflag:s19], $0x1400  }
0x53: {  	[sflag:s19] =	ssyncset.done $0x0  }
0x54: {  	[sflag:s19] =	ssyncadd.s32 $0xFFFFEC00  }
0x55: {  	[tilespmem:s18], [sflag:$0x1] =	stream.indirect.gather [hbm4b:s4+s21], $0x80, s3, s21, $0xb8;
	[tilespmem:$0x1E800] =	vst v63  }
0x56: {  	_ = 	snop  }
0x57: {  	[tilespmem:s23], [sflag:$0x2] =	stream.indirect.gather [hbm4b:s4+s21], $0x80, s22, s21, $0xb8;
	[tilespmem:$0x1E800] =	vst v63  }
0x58: {  	_ =	swait.ge [sflag:s25], $0x3E80  }
0x59: {  	[sflag:s25] =	ssyncset.done $0x0  }
0x5a: {  	s9 =	simm.s32 $0x1400;
	[sflag:s25] =	ssyncadd.s32 $0xFFFFC180  }
0x5b: {  	[spmem:s2] =	stream.indirect.scatter.add.f32 [tilespmem:s18], [sflag:$0x3], $0x80, s9, s21, $0xb8;
	[tilespmem:$0x1E800] =	vst v63  }
0x5c: {  	_ =	swait.ge [sflag:s26], $0x3E80  }
0x5d: {  	[sflag:s26] =	ssyncset.done $0x0  }
0x5e: {  	s8 =	simm.s32 $0x1480;
	[sflag:s26] =	ssyncadd.s32 $0xFFFFC180  }
0x5f: {  	[spmem:s2] =	stream.indirect.scatter.add.f32 [tilespmem:s23], [sflag:$0x4], $0x80, s8, s21, $0xb8;
	[tilespmem:$0x1E800] =	vst v63  }
0x60: {  	_ =	swait.ge [sflag:s28], $0x3E80  }
0x61: {  	[sflag:s28] =	ssyncset.done $0x0  }
0x62: {  	s9 =	simm.s32 $0x100;
	[sflag:s28] =	ssyncadd.s32 $0xFFFFC180  }
0x63: {  	[tilespmem:s18], [sflag:$0x1] =	stream.indirect.gather [hbm4b:s4+s21], $0x80, s9, s21, $0xb8;
	[tilespmem:$0x1E800] =	vst v63  }
0x64: {  	_ =	swait.ge [sflag:s29], $0x3E80  }
0x65: {  	[sflag:s29] =	ssyncset.done $0x0  }
0x66: {  	s0 =	simm.s32 $0x800;
	s8 =	simm.s32 $0x180;
	[sflag:s29] =	ssyncadd.s32 $0xFFFFC180  }
.LBB2_4:
0x67: {  	[tilespmem:s23], [sflag:$0x2] =	stream.indirect.gather [hbm4b:s4+s21], $0x80, s8, s21, $0xb8;
	[tilespmem:$0x1E800] =	vst v63  }
0x68: {  	s8 =	smov.u32 s0  }
0x69: {  	p0 =	sne.s32 s0, $0x4C00;
	s0 =	sadd.s32 $0x400, s0;
	_ =	swait.ge [sflag:s25], $0x3E80  }
0x6a: {  	s8 =	sshra.s32 s8, $0x2;
	[sflag:s25] =	ssyncset.done $0x0  }
0x6b: {  	s9 =	sadd.s32 $0x1300, s8;
	[sflag:s25] =	ssyncadd.s32 $0xFFFFC180  }
0x6c: {  	[spmem:s2] =	stream.indirect.scatter.add.f32 [tilespmem:s18], [sflag:$0x3], $0x80, s9, s21, $0xb8;
	[tilespmem:$0x1E800] =	vst v63  }
0x6d: {  	_ =	swait.ge [sflag:s26], $0x3E80  }
0x6e: {  	[sflag:s26] =	ssyncset.done $0x0  }
0x6f: {  	s9 =	sadd.s32 $0x1380, s8;
	[sflag:s26] =	ssyncadd.s32 $0xFFFFC180  }
0x70: {  	[spmem:s2] =	stream.indirect.scatter.add.f32 [tilespmem:s23], [sflag:$0x4], $0x80, s9, s21, $0xb8;
	[tilespmem:$0x1E800] =	vst v63  }
0x71: {  	_ =	swait.ge [sflag:s28], $0x3E80  }
0x72: {  	[sflag:s28] =	ssyncset.done $0x0  }
.Ltmp1:
0x73: {  	[sflag:s28] =	ssyncadd.s32 $0xFFFFC180;
	(pc) =	sbr.rel @p0 .LBB2_4-.Ltmp1, $4  }
0x74: {  	[tilespmem:s18], [sflag:$0x1] =	stream.indirect.gather [hbm4b:s4+s21], $0x80, s8, s21, $0xb8;
	[tilespmem:$0x1E800] =	vst v63  }
0x75: {  	_ =	swait.ge [sflag:s29], $0x3E80  }
0x76: {  	[sflag:s29] =	ssyncset.done $0x0  }
0x77: {  	s8 =	sadd.s32 $0x80, s8;
	[sflag:s29] =	ssyncadd.s32 $0xFFFFC180  }
0x78: {  	[tilespmem:s23], [sflag:$0x2] =	stream.indirect.gather [hbm4b:s4+s21], $0x80, s8, s21, $0xb8;
	[tilespmem:$0x1E800] =	vst v63  }
0x79: {  	_ =	swait.ge [sflag:s25], $0x3E80  }
0x7a: {  	[sflag:s25] =	ssyncset.done $0x0  }
0x7b: {  	[sflag:s25] =	ssyncadd.s32 $0xFFFFC180  }
0x7c: {  	[spmem:s2] =	stream.indirect.scatter.add.f32 [tilespmem:s18], [sflag:$0x5], $0x80, s30, s21, $0xb8;
	[tilespmem:$0x1E800] =	vst v63  }
0x7d: {  	_ =	swait.ge [sflag:s19], $0x3E80  }
0x7e: {  	[sflag:s19] =	ssyncset.done $0x0  }
0x7f: {  	[sflag:s19] =	ssyncadd.s32 $0xFFFFC180  }
0x80: {  	_ =	swait.ge [sflag:s26], $0x3E80  }
0x81: {  	[sflag:s26] =	ssyncset.done $0x0  }
0x82: {  	[sflag:s26] =	ssyncadd.s32 $0xFFFFC180  }
0x83: {  	[spmem:s2] =	stream.indirect.scatter.add.f32 [tilespmem:s23], [sflag:$0x5], $0x80, s31, s21, $0xb8;
	[tilespmem:$0x1E800] =	vst v63  }
0x84: {  	_ =	swait.ge [sflag:s19], $0x3E80  }
0x85: {  	[sflag:s19] =	ssyncset.done $0x0  }
0x86: {  	s0 =	sadd.s32 $0x280, s6;
	[sflag:s19] =	ssyncadd.s32 $0xFFFFC180  }
0x87: {  	[tilespmem:s3], [sflag:$0x5] =	stream.linear.gather [hbm4b:s0+s3], $0x1400, $0x38;
	[tilespmem:$0x1E800] =	vst v63  }
0x88: {  	_ =	swait.ge [sflag:s19], $0x1400  }
0x89: {  	[sflag:s19] =	ssyncset.done $0x0  }
0x8a: {  	s8 =	sadd.s32 $0x280, s7;
	[sflag:s19] =	ssyncadd.s32 $0xFFFFEC00  }
0x8b: {  	[tilespmem:s20], [sflag:$0x5] =	stream.linear.gather [hbm4b:s8+s3], $0x1400, $0x38;
	[tilespmem:$0x1E800] =	vst v63  }
0x8c: {  	_ =	swait.ge [sflag:s19], $0x1400  }
0x8d: {  	[sflag:s19] =	ssyncset.done $0x0  }
0x8e: {  	[sflag:s19] =	ssyncadd.s32 $0xFFFFEC00  }
0x8f: {  	[tilespmem:s18], [sflag:$0x1] =	stream.indirect.gather [hbm4b:s4+s21], $0x80, s3, s21, $0xb8;
	[tilespmem:$0x1E800] =	vst v63  }
0x90: {  	_ = 	snop  }
0x91: {  	[tilespmem:s23], [sflag:$0x2] =	stream.indirect.gather [hbm4b:s4+s21], $0x80, s22, s21, $0xb8;
	[tilespmem:$0x1E800] =	vst v63  }
0x92: {  	_ =	swait.ge [sflag:s25], $0x3E80  }
0x93: {  	[sflag:s25] =	ssyncset.done $0x0  }
0x94: {  	s9 =	simm.s32 $0x1400;
	[sflag:s25] =	ssyncadd.s32 $0xFFFFC180  }
0x95: {  	[spmem:s2] =	stream.indirect.scatter.add.f32 [tilespmem:s18], [sflag:$0x3], $0x80, s9, s21, $0xb8;
	[tilespmem:$0x1E800] =	vst v63  }
0x96: {  	_ =	swait.ge [sflag:s26], $0x3E80  }
0x97: {  	[sflag:s26] =	ssyncset.done $0x0  }
0x98: {  	s8 =	simm.s32 $0x1480;
	[sflag:s26] =	ssyncadd.s32 $0xFFFFC180  }
0x99: {  	[spmem:s2] =	stream.indirect.scatter.add.f32 [tilespmem:s23], [sflag:$0x4], $0x80, s8, s21, $0xb8;
	[tilespmem:$0x1E800] =	vst v63  }
0x9a: {  	_ =	swait.ge [sflag:s28], $0x3E80  }
0x9b: {  	[sflag:s28] =	ssyncset.done $0x0  }
0x9c: {  	s9 =	simm.s32 $0x100;
	[sflag:s28] =	ssyncadd.s32 $0xFFFFC180  }
0x9d: {  	[tilespmem:s18], [sflag:$0x1] =	stream.indirect.gather [hbm4b:s4+s21], $0x80, s9, s21, $0xb8;
	[tilespmem:$0x1E800] =	vst v63  }
0x9e: {  	_ =	swait.ge [sflag:s29], $0x3E80  }
0x9f: {  	[sflag:s29] =	ssyncset.done $0x0  }
0xa0: {  	s0 =	simm.s32 $0x800;
	s8 =	simm.s32 $0x180;
	[sflag:s29] =	ssyncadd.s32 $0xFFFFC180  }
.LBB2_6:
0xa1: {  	[tilespmem:s23], [sflag:$0x2] =	stream.indirect.gather [hbm4b:s4+s21], $0x80, s8, s21, $0xb8;
	[tilespmem:$0x1E800] =	vst v63  }
0xa2: {  	s8 =	smov.u32 s0  }
0xa3: {  	p0 =	sne.s32 s0, $0x4C00;
	s0 =	sadd.s32 $0x400, s0;
	_ =	swait.ge [sflag:s25], $0x3E80  }
0xa4: {  	s8 =	sshra.s32 s8, $0x2;
	[sflag:s25] =	ssyncset.done $0x0  }
0xa5: {  	s9 =	sadd.s32 $0x1300, s8;
	[sflag:s25] =	ssyncadd.s32 $0xFFFFC180  }
0xa6: {  	[spmem:s2] =	stream.indirect.scatter.add.f32 [tilespmem:s18], [sflag:$0x3], $0x80, s9, s21, $0xb8;
	[tilespmem:$0x1E800] =	vst v63  }
0xa7: {  	_ =	swait.ge [sflag:s26], $0x3E80  }
0xa8: {  	[sflag:s26] =	ssyncset.done $0x0  }
0xa9: {  	s9 =	sadd.s32 $0x1380, s8;
	[sflag:s26] =	ssyncadd.s32 $0xFFFFC180  }
0xaa: {  	[spmem:s2] =	stream.indirect.scatter.add.f32 [tilespmem:s23], [sflag:$0x4], $0x80, s9, s21, $0xb8;
	[tilespmem:$0x1E800] =	vst v63  }
0xab: {  	_ =	swait.ge [sflag:s28], $0x3E80  }
0xac: {  	[sflag:s28] =	ssyncset.done $0x0  }
.Ltmp2:
0xad: {  	[sflag:s28] =	ssyncadd.s32 $0xFFFFC180;
	(pc) =	sbr.rel @p0 .LBB2_6-.Ltmp2, $4  }
0xae: {  	[tilespmem:s18], [sflag:$0x1] =	stream.indirect.gather [hbm4b:s4+s21], $0x80, s8, s21, $0xb8;
	[tilespmem:$0x1E800] =	vst v63  }
0xaf: {  	_ =	swait.ge [sflag:s29], $0x3E80  }
0xb0: {  	[sflag:s29] =	ssyncset.done $0x0  }
0xb1: {  	s8 =	sadd.s32 $0x80, s8;
	[sflag:s29] =	ssyncadd.s32 $0xFFFFC180  }
0xb2: {  	[tilespmem:s23], [sflag:$0x2] =	stream.indirect.gather [hbm4b:s4+s21], $0x80, s8, s21, $0xb8;
	[tilespmem:$0x1E800] =	vst v63  }
0xb3: {  	_ =	swait.ge [sflag:s25], $0x3E80  }
0xb4: {  	[sflag:s25] =	ssyncset.done $0x0  }
0xb5: {  	[sflag:s25] =	ssyncadd.s32 $0xFFFFC180  }
0xb6: {  	[spmem:s2] =	stream.indirect.scatter.add.f32 [tilespmem:s18], [sflag:$0x5], $0x80, s30, s21, $0xb8;
	[tilespmem:$0x1E800] =	vst v63  }
0xb7: {  	_ =	swait.ge [sflag:s19], $0x3E80  }
0xb8: {  	[sflag:s19] =	ssyncset.done $0x0  }
0xb9: {  	[sflag:s19] =	ssyncadd.s32 $0xFFFFC180  }
0xba: {  	_ =	swait.ge [sflag:s26], $0x3E80  }
0xbb: {  	[sflag:s26] =	ssyncset.done $0x0  }
0xbc: {  	[sflag:s26] =	ssyncadd.s32 $0xFFFFC180  }
0xbd: {  	[spmem:s2] =	stream.indirect.scatter.add.f32 [tilespmem:s23], [sflag:$0x5], $0x80, s31, s21, $0xb8;
	[tilespmem:$0x1E800] =	vst v63  }
0xbe: {  	_ =	swait.ge [sflag:s19], $0x3E80  }
0xbf: {  	s0 =	stileid.u32;
	[sflag:s19] =	ssyncset.done $0x0  }
0xc0: {  	s0 =	sshll.u32 s0, $0x6;
	[sflag:s19] =	ssyncadd.s32 $0xFFFFC180  }
0xc1: {  	s9 =	sshrl.u32 s5, $0x3;
	s0 =	sor.u32 $0x1C05, s0;
	[bflag:$0x0] =	sbarrier.arrive $0xFFFF  }
0xc2: {  	[hbm:s24], [sflag:s0] =	dma.local [spmem:s9], $0x2800  }
0xc3: {  	_ =	swait.ge [sflag:s19], $0x2800  }
0xc4: {  	s1 =	sadd.s32 $0x1, s1;
	s9 =	rddreg [dreg:$0x3]  }
0xc5: {  	p0 =	sne.s32 s1, s9  }
.Ltmp3:
0xc6: {  	_ = 	snop;
	(pc) =	sbr.rel @p0 .LBB2_1-.Ltmp3, $3  }
0xc7: {  	_ =	sdelay $0x1  }
0xc8: {  	[sflag:s19] =	ssyncset.done $0x0  }
0xc9: {  	[sflag:s19] =	ssyncadd.s32 $0xFFFFD800  }
0xca: {  	_ =	sfence.sel $0x180000  }
0xcb: {  	[bflag:$0x0] =	sbarrier.arrive $0xFFFF  }
0xcc: {  	_ =	strace $0x9000004D  }
0xcd: {  	s0 =	stileid.u32;
	[bflag:$0x2] =	sbarrier.arrive $0xFFFF  }
0xce: {  	p0 =	sne.s32 s0, $0x0;
	s0 =	rddreg [dreg:$0x2]  }
0xcf: {  	s0 =	sadd.s32 @!p0 $0x100000, s0  }
0xd0: {  	[sflag:s0] =	ssyncadd.tile.s32 @!p0 $0x1;
	_ =	shalt  }
.Lfunc_end2:
_tile_overlayer_lowered:
.L_overlay_start_2:
0xd1: {  	(tag) =	ssettag $0x2  }
0xd2: {  	s0 =	rddreg [dreg:$0x0];
	s2 =	stileid.u32  }
0xd3: {  	s1 =	rddreg [dreg:$0x1];
	p0 =	sne.s32 s2, $0x0  }
0xd4: {  	s3 =	rddreg [dreg:$0x2];
	[bflag:$0x3] =	sbarrier.arrive $0xFFFF;
	s2 =	simm.s32 @!p0 $0x1C05  }
0xd5: {  	[timem:s3], [sflag:s2] =	dma.local @!p0 [hbm:s0], s1  }
0xd6: {  	s0 =	simm.s32 @!p0 $0x5  }
0xd7: {  	_ =	swait.ge @!p0 [sflag:s0], s1  }
0xd8: {  	s1 =	ssub.s32 @!p0 $0x0, s1;
	[sflag:s0] =	ssyncset.done @!p0 $0x0  }
0xd9: {  	[sflag:s0] =	ssyncadd.s32 @!p0 s1  }
0xda: {  	[bflag:$0x3] =	sbarrier.arrive $0xFFFF  }
0xdb: {  	_ =	shalt  }

// kernel: kernel.20.cloned.1.call-start
scs
__scs_entry_jumppad:
0x0: {  	(pc) =	sbr.rel $0x88, $3  }
0x1: {  	(tag) =	ssettag $0x0;
	lr =	simm.s32 $0x1  }
0x2: {  	[smem:$0x3F94] =	sst lr;
	_ =	strace $0xD0000000  }
0x3: {  	_ = 	snop  }
0x4: {  	_ = 	snop  }
0x5: {  	_ = 	snop  }
0x6: {  	_ = 	snop  }
0x7: {  	_ = 	snop  }
__scs_overlays_trampoline_lowered:
0x8: {  	[smem:$0x3FA3] =	sst s0  }
0x9: {  	[smem:$0x3FA4] =	sst s1  }
0xa: {  	[smem:$0x3FA5] =	sst s2  }
0xb: {  	[smem:$0x3FA6] =	sst s3  }
0xc: {  	[smem:$0x3FA7] =	sst s4  }
0xd: {  	[smem:$0x3FA8] =	sst s5  }
0xe: {  	[smem:$0x3FA9] =	sst s6  }
0xf: {  	[smem:$0x3FAA] =	sst s7  }
0x10: {  	[smem:$0x3FAB] =	sst s8  }
0x11: {  	[smem:$0x3FAC] =	sst s9;
	s0 =	simm.s32 @!p0 $0x0  }
0x12: {  	s1 =	sld [smem:$0x3F92];
	s0 =	simm.s32 @p0 $0x1  }
0x13: {  	[smem:$0x3FAD] =	sst s0;
	s0 =	simm.s32 @!p1 $0x0  }
0x14: {  	s2 =	sld [smem:$0x3F91];
	s0 =	simm.s32 @p1 $0x1  }
0x15: {  	[smem:$0x3FAE] =	sst s0;
	s0 =	simm.s32 @!p2 $0x0  }
0x16: {  	s3 =	sld [smem:$0x3FDB];
	s0 =	simm.s32 @p2 $0x1  }
0x17: {  	s4 =	simm.s32 $0x1BF5;
	[smem:$0x3FB0] =	sst s0  }
0x18: {  	s0 =	sld [smem:$0x3F93];
	_ =	swait.ge [sflag:s4], $0x0  }
0x19: {  	s7 =	sld [smem:$0x3F94]  }
0x1a: {  	s8 =	sadd.s32 $0xFFFFE003, lr  }
0x1b: {  	s9 =	sadd.s32 $0xFFFFFEF7, lr;
	s5 =	simm.s32 $0xFFFFFFFF;
	p2 =	slt.u32 s8, $0xFFFFF086  }
0x1c: {  	p1 =	slt.u32 s9, $0xF7A;
	s5 =	simm.s32 @!p2 $0x0  }
0x1d: {  	s5 =	simm.s32 @p1 $0x1;
	p0 =	seq.s32 s7, s2  }
0x1e: {  	s7 =	smul.u32 @!p0 $0xF7A, s2;
	p2 =	seq.s32 @!p0 s5, $0x0  }
0x1f: {  	s9 =	smul.u32 $0xF7A, s1;
	s8 =	simm.s32 @!p0 $0x1BF5;
	p2 =	por !p2, p0  }
0x20: {  	[sflag:s8] =	ssyncset.s32 @!p0 $0xFFFFF086;
	s6 =	sadd.s32 @!p0 s3, s7;
	s7 =	simm.s32 @!p0 $0x108  }
0x21: {  	s3 =	sadd.s32 s3, s9;
	s6 =	sadd.s32 @!p0 $0x88, s6;
	s7 =	simm.s32 @p2 $0x1082  }
0x22: {  	[simem:s7], [sflag:s8] =	dma.local @!p0 [hbm:s6], $0xF7A  }
0x23: {  	s9 =	sor.u32 $0xD0000000, s2;
	s6 =	simm.s32 $0x108;
	_ =	swait.ge @!p0 [sflag:s8], $0x0  }
0x24: {  	s3 =	sadd.s32 $0x88, s3;
	s6 =	simm.s32 @!p1 $0x1082;
	[sflag:s4] =	ssyncset.s32 $0xFFFFF086  }
0x25: {  	[simem:s6], [sflag:s4] =	dma.local [hbm:s3], $0xF7A  }
0x26: {  	[smem:$0x3F94] =	sst s1;
	(tag) =	ssettag s2;
	_ =	strace s9  }
0x27: {  	s1 =	sld [smem:$0x3FA4]  }
0x28: {  	s2 =	sld [smem:$0x3FA5]  }
0x29: {  	s4 =	sld [smem:$0x3FA7]  }
0x2a: {  	p0 =	seq.s32 s5, $0x0;
	s5 =	sld [smem:$0x3FA8]  }
0x2b: {  	s6 =	sld [smem:$0x3FA9]  }
0x2c: {  	s7 =	sld [smem:$0x3FAA]  }
0x2d: {  	s3 =	simm.s32 $0x108;
	s8 =	sld [smem:$0x3FAB]  }
0x2e: {  	s3 =	simm.s32 @!p0 $0x1082;
	s9 =	sld [smem:$0x3FAC]  }
0x2f: {  	lr =	sadd.s32 s0, s3;
	s0 =	sld [smem:$0x3FA3]  }
0x30: {  	s3 =	sld [smem:$0x3FA6]  }
0x31: {  	[smem:$0x3FAF] =	sst s10  }
0x32: {  	s10 =	sld [smem:$0x3FAD];
	_ =	sdelay $0x3  }
0x33: {  	p0 =	seq.s32 s10, $0x1;
	s10 =	sld [smem:$0x3FAF];
	_ =	sdelay $0x3  }
0x34: {  	[smem:$0x3FAF] =	sst s10  }
0x35: {  	s10 =	sld [smem:$0x3FAE];
	_ =	sdelay $0x3  }
0x36: {  	p1 =	seq.s32 s10, $0x1;
	s10 =	sld [smem:$0x3FAF];
	_ =	sdelay $0x3  }
0x37: {  	[smem:$0x3FAF] =	sst s10  }
0x38: {  	s10 =	sld [smem:$0x3FB0]  }
0x39: {  	_ = 	snop;
	(pc) =	sbr.ind lr, $3  }
0x3a: {  	_ = 	snop  }
0x3b: {  	_ = 	snop  }
0x3c: {  	p2 =	seq.s32 s10, $0x1;
	s10 =	sld [smem:$0x3FAF]  }
0x3d: {  	_ =	shalt  }
0x3e: {  	_ =	shalt  }
0x3f: {  	_ =	shalt  }
0x40: {  	_ =	shalt  }
0x41: {  	_ =	shalt  }
0x42: {  	_ =	shalt  }
0x43: {  	_ =	shalt  }
0x44: {  	_ =	shalt  }
0x45: {  	_ =	shalt  }
0x46: {  	_ =	shalt  }
0x47: {  	_ =	shalt  }
0x48: {  	_ =	shalt  }
0x49: {  	_ =	shalt  }
0x4a: {  	_ =	shalt  }
0x4b: {  	_ =	shalt  }
0x4c: {  	_ =	shalt  }
0x4d: {  	_ =	shalt  }
0x4e: {  	_ =	shalt  }
0x4f: {  	_ =	shalt  }
0x50: {  	_ =	shalt  }
0x51: {  	_ =	shalt  }
0x52: {  	_ =	shalt  }
0x53: {  	_ =	shalt  }
0x54: {  	_ =	shalt  }
0x55: {  	_ =	shalt  }
0x56: {  	_ =	shalt  }
0x57: {  	_ =	shalt  }
0x58: {  	_ =	shalt  }
0x59: {  	_ =	shalt  }
0x5a: {  	_ =	shalt  }
0x5b: {  	_ =	shalt  }
0x5c: {  	_ =	shalt  }
0x5d: {  	_ =	shalt  }
0x5e: {  	_ =	shalt  }
0x5f: {  	_ =	shalt  }
0x60: {  	_ =	shalt  }
0x61: {  	_ =	shalt  }
0x62: {  	_ =	shalt  }
0x63: {  	_ =	shalt  }
0x64: {  	_ =	shalt  }
0x65: {  	_ =	shalt  }
0x66: {  	_ =	shalt  }
0x67: {  	_ =	shalt  }
0x68: {  	_ =	shalt  }
0x69: {  	_ =	shalt  }
0x6a: {  	_ =	shalt  }
0x6b: {  	_ =	shalt  }
0x6c: {  	_ =	shalt  }
0x6d: {  	_ =	shalt  }
0x6e: {  	_ =	shalt  }
0x6f: {  	_ =	shalt  }
0x70: {  	_ =	shalt  }
0x71: {  	_ =	shalt  }
0x72: {  	_ =	shalt  }
0x73: {  	_ =	shalt  }
0x74: {  	_ =	shalt  }
0x75: {  	_ =	shalt  }
0x76: {  	_ =	shalt  }
0x77: {  	_ =	shalt  }
0x78: {  	_ =	shalt  }
0x79: {  	_ =	shalt  }
0x7a: {  	_ =	shalt  }
0x7b: {  	_ =	shalt  }
0x7c: {  	_ =	shalt  }
0x7d: {  	_ =	shalt  }
0x7e: {  	_ =	shalt  }
0x7f: {  	_ =	shalt  }
0x80: {  	_ =	shalt  }
0x81: {  	_ =	shalt  }
0x82: {  	_ =	shalt  }
0x83: {  	_ =	shalt  }
0x84: {  	_ =	shalt  }
0x85: {  	_ =	shalt  }
0x86: {  	_ =	shalt  }
0x87: {  	_ =	shalt  }
.Lfunc_end0:
.L_simem_size_0:
called_computation.3_lowered:
.L_overlay_start_0:
0x88: {  	s2 =	sld [smem:$0x3FD9]  }
0x89: {  	s3 =	sld [smem:$0x3FFE];
	_ =	sdelay $0x1  }
0x8a: {  	s1 =	srdreg.scid  }
0x8b: {  	s0 =	sand.u32 $0x1, s1  }
0x8c: {  	s16 =	sshll.u32 s0, $0xA;
	s2 =	sadd.s32 s3, s2  }
0x8d: {  	s2 =	sadd.s32 s2, s16  }
0x8e: {  	[smem:$0x3FBB] =	sst s2  }
0x8f: {  	_ = 	snop  }
0x90: {  	(tm) =	ssettm $0x1  }
0x91: {  	s17 =	sld [smem:$0x3FFB];
	_ =	sdelay $0x3  }
0x92: {  	_ =	strace s17  }
0x93: {  	s2 =	sld [smem:$0x3FFC];
	_ =	sdelay $0x3  }
0x94: {  	_ =	strace s2  }
0x95: {  	s2 =	sld [smem:$0x3FFD];
	_ =	sdelay $0x3  }
0x96: {  	_ =	strace s2  }
0x97: {  	_ =	strace $0x8FFFFFFF  }
0x98: {  	s18 =	sld [smem:$0x3FDB];
	_ =	sdelay $0x1  }
0x99: {  	s19 =	simm.s32 $_scs_section_size  }
0x9a: {  	s4 =	simm.s32 $_size__tile_overlayer_lowered;
	s5 =	simm.s32 $_tile_overlayer_lowered  }
0x9b: {  	s22 =	simm.s32 $0x1BFF;
	s21 =	sshll.u32 s5, $0x1;
	s2 =	sadd.s32 s19, s18  }
0x9c: {  	s6 =	simm.s32 $0x0;
	s20 =	sshll.u32 s4, $0x1;
	s4 =	sadd.s32 s21, s2  }
0x9d: {  	[timem:s6], [sflag:s22] =	dma.local [hbm:s4], s20  }
0x9e: {  	_ =	swait.ge [sflag:s22], s20  }
0x9f: {  	s3 =	ssub.s32 $0x0, s20;
	[sflag:s22] =	ssyncset.done $0x0  }
0xa0: {  	[sflag:s22] =	ssyncadd.s32 s3;
	_ =	sdelay $0x1  }
0xa1: {  	s23 =	simm.s32 $0x1B8B  }
0xa2: {  	_ =	swait.ge [sflag:s23], $0x1  }
0xa3: {  	[sflag:s23] =	ssyncset.done $0x0  }
0xa4: {  	s25 =	simm.s32 $0x1B8E;
	s24 =	sld [smem:$0x3FFE];
	[sflag:s23] =	ssyncadd.s32 $0xFFFFFFFF  }
0xa5: {  	s26 =	simm.s32 $execute0_lowered;
	[smem:$0x3FD2] =	sst s25  }
0xa6: {  	s4 =	sshll.u32 s26, $0x1;
	_ =	strace $0x8000004F;
	[dreg:$0x1] =	wrdreg $0xFFFFFFFF  }
0xa7: {  	s28 =	simm.s32 $_size_execute0_lowered;
	s2 =	sadd.s32 s2, s4;
	[dreg:$0x0] =	wrdreg $0x0  }
0xa8: {  	s4 =	sshll.u32 s28, $0x1;
	[dreg:$0x2] =	wrdreg s2  }
0xa9: {  	[dreg:$0x3] =	wrdreg s4  }
0xaa: {  	[dreg:$0x4] =	wrdreg $0xC0  }
0xab: {  	_ =	task [dreg:s6], $0x5FFFF  }
0xac: {  	[dreg:$0x1] =	wrdreg $0xFFFFFFFF  }
0xad: {  	[dreg:$0x0] =	wrdreg $0x60  }
0xae: {  	[dreg:$0x2] =	wrdreg s24  }
0xaf: {  	[dreg:$0x3] =	wrdreg $0xA8000  }
0xb0: {  	[dreg:$0x4] =	wrdreg $0x9  }
0xb1: {  	_ =	task.clear_ibuf [dreg:s6], $0x5FFFF;
	_ =	strace $0x9000004F  }
0xb2: {  	s29 =	simm.s32 $0x9;
	_ =	strace $0x80000051  }
0xb3: {  	_ =	swait.ge [sflag:s29], $0x1  }
0xb4: {  	[sflag:s29] =	ssyncadd.s32 $0xFFFFFFFF  }
0xb5: {  	_ =	strace $0x90000051  }
0xb6: {  	_ =	sfence  }
0xb7: {  	s30 =	sld [smem:$0x0];
	_ =	sdelay $0x2  }
0xb8: {  	s31 =	sshll.u32 s1, $0xD;
	s1 =	sshrl.u32 s1, $0x2  }
0xb9: {  	s3 =	sand.u32 $0x4000, s31;
	s1 =	sadd.s32 s1, s30  }
0xba: {  	s0 =	sor.u32 s3, s0;
	s1 =	sshll.u32 s1, $0x11  }
0xbb: {  	s0 =	sor.u32 s1, s0  }
0xbc: {  	s0 =	sadd.s32 $0x8F2B, s0  }
0xbd: {  	[sflag:s0] =	ssyncadd.remote.s32 $0x1  }
0xbe: {  	_ =	sfence.sel $0xFFFF  }
0xbf: {  	[dreg:$0x0] =	wrdreg $0xFFFFFFFF;
	(pc) =	sbr.abs _section_cstart, $3  }
0xc0: {  	[dreg:$0x1] =	wrdreg $0xFFFFFFFF  }
0xc1: {  	_ =	task.clear_ibuf [dreg:s6], $0x2FFFF;
	_ =	strace $0x9FFFFFFF  }
0xc2: {  	(tm) =	ssettm $0x7FFFFFFF  }
0xc3: {  	_ =	shalt  }
tec
execute0_lowered:
.L_overlay_start_1:
0x0: {  	(tag) =	ssettag $0x1  }
0x1: {  	s0 =	srdreg.scid  }
0x2: {  	s9 =	stileid.u32;
	s1 =	rddreg [dreg:$0x0]  }
0x3: {  	s2 =	rddreg [dreg:$0x1];
	s18 =	simm.s32 $0x2800;
	s19 =	simm.s32 $0x5  }
0x4: {  	s20 =	simm.s32 $0x1400;
	s21 =	simm.s32 $0x7D;
	s22 =	simm.s32 $0x80  }
0x5: {  	s28 =	simm.s32 $0x3;
	s29 =	simm.s32 $0x4;
	s30 =	simm.s32 $0x2700  }
0x6: {  	s0 =	sand.u32 $0x1, s0;
	s3 =	sshll.u32 s9, $0x1;
	s7 =	smul.u32 $0x50000, s9  }
0x7: {  	s31 =	simm.s32 $0x2780;
	s25 =	smul.u32 $0x2800, s9;
	s4 =	sor.u32 s0, s3  }
0x8: {  	s3 =	simm.s32 $0x0;
	s6 =	smul.u32 $0x28000, s0;
	s0 =	ssub.s32 $0x2, s0  }
0x9: {  	s5 =	smul.u32 $0x500, s4;
	[smem:$0x7FF] =	sst s3;
	s4 =	sadd.s32 $0xD600, s1  }
0xa: {  	s23 =	sshrl.u32 s0, $0x1;
	s24 =	sshrl.u32 s7, $0x2;
	_ =	strace $0x80000050  }
0xb: {  	s0 =	ssub.s32 s0, s23;
	s23 =	simm.s32 $0x6800;
	s8 =	sadd.s32 s5, s1  }
0xc: {  	s1 =	sadd.s32 s6, s1;
	s5 =	sadd.s32 s24, s2;
	s0 =	smax.u32 s0, $0x1  }
0xd: {  	s6 =	sadd.s32 $0x5D600, s8;
	s7 =	sadd.s32 $0x3600, s8;
	s1 =	sadd.s32 $0x67600, s1  }
0xe: {  	[dreg:$0x3] =	wrdreg s0;
	s26 =	sadd.s32 $0x2000, s5;
	s10 =	sadd.s32 $0x4000, s5  }
0xf: {  	s11 =	sadd.s32 $0x6000, s5;
	s12 =	sadd.s32 $0x8000, s5;
	s13 =	sadd.s32 $0xA000, s5  }
0x10: {  	s14 =	sadd.s32 $0xC000, s5;
	s15 =	sadd.s32 $0xE000, s5;
	s16 =	sadd.s32 $0x10000, s5  }
0x11: {  	s17 =	sadd.s32 $0x12000, s5;
	[dreg:$0x4] =	wrdreg s26;
	s24 =	sadd.s32 s25, s1  }
0x12: {  	v0 =	vimm.f32 $0.0e+00;
	s25 =	simm.s32 $0x1;
	s26 =	simm.s32 $0x2;
	s1 =	simm.s32 $0x0  }
.LBB2_1:
0x13: {  	s0 =	simm.s32 $0x0;
	s8 =	simm.s32 $0x200  }
.LBB2_2:
0x14: {  	p0 =	sne.s32 s8, $0x7E00;
	[tilespmem:s0+$0x2870] =	vst v0  }
0x15: {  	[tilespmem:s0+$0x2800] =	vst v0  }
0x16: {  	[tilespmem:s0+$0x2810] =	vst v0  }
.Ltmp0:
0x17: {  	[tilespmem:s0+$0x2820] =	vst v0;
	(pc) =	sbr.rel @p0 .LBB2_2-.Ltmp0, $4  }
0x18: {  	[tilespmem:s0+$0x2830] =	vst v0  }
0x19: {  	[tilespmem:s0+$0x2840] =	vst v0  }
0x1a: {  	[tilespmem:s0+$0x2850] =	vst v0  }
0x1b: {  	[tilespmem:s0+$0x2860] =	vst v0;
	s0 =	sshra.s32 s8, $0x2;
	s8 =	sadd.s32 $0x200, s8  }
0x1c: {  	[tilespmem:s0+$0x2870] =	vst v0  }
0x1d: {  	[tilespmem:s0+$0x2800] =	vst v0  }
0x1e: {  	[tilespmem:s0+$0x2810] =	vst v0  }
0x1f: {  	[tilespmem:s0+$0x2820] =	vst v0  }
0x20: {  	[tilespmem:s0+$0x2830] =	vst v0  }
0x21: {  	[tilespmem:s0+$0x2840] =	vst v0  }
0x22: {  	[tilespmem:s0+$0x2850] =	vst v0  }
0x23: {  	[tilespmem:s0+$0x2860] =	vst v0  }
0x24: {  	[spmem:s5] =	stream.linear.scatter [tilespmem:s18], [sflag:$0x5], $0x2000, $0x38;
	[tilespmem:$0x1E800] =	vst v63  }
0x25: {  	_ =	swait.ge [sflag:s19], $0x2000  }
0x26: {  	[sflag:s19] =	ssyncset.done $0x0  }
0x27: {  	s8 =	rddreg [dreg:$0x4];
	[sflag:s19] =	ssyncadd.s32 $0xFFFFE000  }
0x28: {  	[spmem:s8] =	stream.linear.scatter [tilespmem:s18], [sflag:$0x5], $0x2000, $0x38;
	[tilespmem:$0x1E800] =	vst v63  }
0x29: {  	_ =	swait.ge [sflag:s19], $0x2000  }
0x2a: {  	[sflag:s19] =	ssyncset.done $0x0  }
0x2b: {  	[sflag:s19] =	ssyncadd.s32 $0xFFFFE000  }
0x2c: {  	[spmem:s10] =	stream.linear.scatter [tilespmem:s18], [sflag:$0x5], $0x2000, $0x38;
	[tilespmem:$0x1E800] =	vst v63  }
0x2d: {  	_ =	swait.ge [sflag:s19], $0x2000  }
0x2e: {  	[sflag:s19] =	ssyncset.done $0x0  }
0x2f: {  	[sflag:s19] =	ssyncadd.s32 $0xFFFFE000  }
0x30: {  	[spmem:s11] =	stream.linear.scatter [tilespmem:s18], [sflag:$0x5], $0x2000, $0x38;
	[tilespmem:$0x1E800] =	vst v63  }
0x31: {  	_ =	swait.ge [sflag:s19], $0x2000  }
0x32: {  	[sflag:s19] =	ssyncset.done $0x0  }
0x33: {  	[sflag:s19] =	ssyncadd.s32 $0xFFFFE000  }
0x34: {  	[spmem:s12] =	stream.linear.scatter [tilespmem:s18], [sflag:$0x5], $0x2000, $0x38;
	[tilespmem:$0x1E800] =	vst v63  }
0x35: {  	_ =	swait.ge [sflag:s19], $0x2000  }
0x36: {  	[sflag:s19] =	ssyncset.done $0x0  }
0x37: {  	[sflag:s19] =	ssyncadd.s32 $0xFFFFE000  }
0x38: {  	[spmem:s13] =	stream.linear.scatter [tilespmem:s18], [sflag:$0x5], $0x2000, $0x38;
	[tilespmem:$0x1E800] =	vst v63  }
0x39: {  	_ =	swait.ge [sflag:s19], $0x2000  }
0x3a: {  	[sflag:s19] =	ssyncset.done $0x0  }
0x3b: {  	[sflag:s19] =	ssyncadd.s32 $0xFFFFE000  }
0x3c: {  	[spmem:s14] =	stream.linear.scatter [tilespmem:s18], [sflag:$0x5], $0x2000, $0x38;
	[tilespmem:$0x1E800] =	vst v63  }
0x3d: {  	_ =	swait.ge [sflag:s19], $0x2000  }
0x3e: {  	[sflag:s19] =	ssyncset.done $0x0  }
0x3f: {  	[sflag:s19] =	ssyncadd.s32 $0xFFFFE000  }
0x40: {  	[spmem:s15] =	stream.linear.scatter [tilespmem:s18], [sflag:$0x5], $0x2000, $0x38;
	[tilespmem:$0x1E800] =	vst v63  }
0x41: {  	_ =	swait.ge [sflag:s19], $0x2000  }
0x42: {  	[sflag:s19] =	ssyncset.done $0x0  }
0x43: {  	[sflag:s19] =	ssyncadd.s32 $0xFFFFE000  }
0x44: {  	[spmem:s16] =	stream.linear.scatter [tilespmem:s18], [sflag:$0x5], $0x2000, $0x38;
	[tilespmem:$0x1E800] =	vst v63  }
0x45: {  	_ =	swait.ge [sflag:s19], $0x2000  }
0x46: {  	[sflag:s19] =	ssyncset.done $0x0  }
0x47: {  	[sflag:s19] =	ssyncadd.s32 $0xFFFFE000  }
0x48: {  	[spmem:s17] =	stream.linear.scatter [tilespmem:s18], [sflag:$0x5], $0x2000, $0x38;
	[tilespmem:$0x1E800] =	vst v63  }
0x49: {  	_ =	swait.ge [sflag:s19], $0x2000  }
0x4a: {  	[sflag:s19] =	ssyncset.done $0x0  }
0x4b: {  	[sflag:s19] =	ssyncadd.s32 $0xFFFFE000  }
0x4c: {  	[bflag:$0x0] =	sbarrier.arrive $0xFFFF  }
0x4d: {  	[tilespmem:s3], [sflag:$0x5] =	stream.linear.gather [hbm4b:s6+s3], $0x1400, $0x38;
	[tilespmem:$0x1E800] =	vst v63  }
0x4e: {  	_ =	swait.ge [sflag:s19], $0x1400  }
0x4f: {  	[sflag:s19] =	ssyncset.done $0x0  }
0x50: {  	[sflag:s19] =	ssyncadd.s32 $0xFFFFEC00  }
0x51: {  	[tilespmem:s20], [sflag:$0x5] =	stream.linear.gather [hbm4b:s7+s3], $0x1400, $0x38;
	[tilespmem:$0x1E800] =	vst v63  }
0x52: {  	_ =	swait.ge [sflag:s19], $0x1400  }
0x53: {  	[sflag:s19] =	ssyncset.done $0x0  }
0x54: {  	[sflag:s19] =	ssyncadd.s32 $0xFFFFEC00  }
0x55: {  	[tilespmem:s18], [sflag:$0x1] =	stream.indirect.gather [hbm4b:s4+s21], $0x80, s3, s21, $0xb8;
	[tilespmem:$0x1E800] =	vst v63  }
0x56: {  	_ = 	snop  }
0x57: {  	[tilespmem:s23], [sflag:$0x2] =	stream.indirect.gather [hbm4b:s4+s21], $0x80, s22, s21, $0xb8;
	[tilespmem:$0x1E800] =	vst v63  }
0x58: {  	_ =	swait.ge [sflag:s25], $0x3E80  }
0x59: {  	[sflag:s25] =	ssyncset.done $0x0  }
0x5a: {  	s9 =	simm.s32 $0x1400;
	[sflag:s25] =	ssyncadd.s32 $0xFFFFC180  }
0x5b: {  	[spmem:s2] =	stream.indirect.scatter.add.f32 [tilespmem:s18], [sflag:$0x3], $0x80, s9, s21, $0xb8;
	[tilespmem:$0x1E800] =	vst v63  }
0x5c: {  	_ =	swait.ge [sflag:s26], $0x3E80  }
0x5d: {  	[sflag:s26] =	ssyncset.done $0x0  }
0x5e: {  	s8 =	simm.s32 $0x1480;
	[sflag:s26] =	ssyncadd.s32 $0xFFFFC180  }
0x5f: {  	[spmem:s2] =	stream.indirect.scatter.add.f32 [tilespmem:s23], [sflag:$0x4], $0x80, s8, s21, $0xb8;
	[tilespmem:$0x1E800] =	vst v63  }
0x60: {  	_ =	swait.ge [sflag:s28], $0x3E80  }
0x61: {  	[sflag:s28] =	ssyncset.done $0x0  }
0x62: {  	s9 =	simm.s32 $0x100;
	[sflag:s28] =	ssyncadd.s32 $0xFFFFC180  }
0x63: {  	[tilespmem:s18], [sflag:$0x1] =	stream.indirect.gather [hbm4b:s4+s21], $0x80, s9, s21, $0xb8;
	[tilespmem:$0x1E800] =	vst v63  }
0x64: {  	_ =	swait.ge [sflag:s29], $0x3E80  }
0x65: {  	[sflag:s29] =	ssyncset.done $0x0  }
0x66: {  	s0 =	simm.s32 $0x800;
	s8 =	simm.s32 $0x180;
	[sflag:s29] =	ssyncadd.s32 $0xFFFFC180  }
.LBB2_4:
0x67: {  	[tilespmem:s23], [sflag:$0x2] =	stream.indirect.gather [hbm4b:s4+s21], $0x80, s8, s21, $0xb8;
	[tilespmem:$0x1E800] =	vst v63  }
0x68: {  	s8 =	smov.u32 s0  }
0x69: {  	p0 =	sne.s32 s0, $0x4C00;
	s0 =	sadd.s32 $0x400, s0;
	_ =	swait.ge [sflag:s25], $0x3E80  }
0x6a: {  	s8 =	sshra.s32 s8, $0x2;
	[sflag:s25] =	ssyncset.done $0x0  }
0x6b: {  	s9 =	sadd.s32 $0x1300, s8;
	[sflag:s25] =	ssyncadd.s32 $0xFFFFC180  }
0x6c: {  	[spmem:s2] =	stream.indirect.scatter.add.f32 [tilespmem:s18], [sflag:$0x3], $0x80, s9, s21, $0xb8;
	[tilespmem:$0x1E800] =	vst v63  }
0x6d: {  	_ =	swait.ge [sflag:s26], $0x3E80  }
0x6e: {  	[sflag:s26] =	ssyncset.done $0x0  }
0x6f: {  	s9 =	sadd.s32 $0x1380, s8;
	[sflag:s26] =	ssyncadd.s32 $0xFFFFC180  }
0x70: {  	[spmem:s2] =	stream.indirect.scatter.add.f32 [tilespmem:s23], [sflag:$0x4], $0x80, s9, s21, $0xb8;
	[tilespmem:$0x1E800] =	vst v63  }
0x71: {  	_ =	swait.ge [sflag:s28], $0x3E80  }
0x72: {  	[sflag:s28] =	ssyncset.done $0x0  }
.Ltmp1:
0x73: {  	[sflag:s28] =	ssyncadd.s32 $0xFFFFC180;
	(pc) =	sbr.rel @p0 .LBB2_4-.Ltmp1, $4  }
0x74: {  	[tilespmem:s18], [sflag:$0x1] =	stream.indirect.gather [hbm4b:s4+s21], $0x80, s8, s21, $0xb8;
	[tilespmem:$0x1E800] =	vst v63  }
0x75: {  	_ =	swait.ge [sflag:s29], $0x3E80  }
0x76: {  	[sflag:s29] =	ssyncset.done $0x0  }
0x77: {  	s8 =	sadd.s32 $0x80, s8;
	[sflag:s29] =	ssyncadd.s32 $0xFFFFC180  }
0x78: {  	[tilespmem:s23], [sflag:$0x2] =	stream.indirect.gather [hbm4b:s4+s21], $0x80, s8, s21, $0xb8;
	[tilespmem:$0x1E800] =	vst v63  }
0x79: {  	_ =	swait.ge [sflag:s25], $0x3E80  }
0x7a: {  	[sflag:s25] =	ssyncset.done $0x0  }
0x7b: {  	[sflag:s25] =	ssyncadd.s32 $0xFFFFC180  }
0x7c: {  	[spmem:s2] =	stream.indirect.scatter.add.f32 [tilespmem:s18], [sflag:$0x5], $0x80, s30, s21, $0xb8;
	[tilespmem:$0x1E800] =	vst v63  }
0x7d: {  	_ =	swait.ge [sflag:s19], $0x3E80  }
0x7e: {  	[sflag:s19] =	ssyncset.done $0x0  }
0x7f: {  	[sflag:s19] =	ssyncadd.s32 $0xFFFFC180  }
0x80: {  	_ =	swait.ge [sflag:s26], $0x3E80  }
0x81: {  	[sflag:s26] =	ssyncset.done $0x0  }
0x82: {  	[sflag:s26] =	ssyncadd.s32 $0xFFFFC180  }
0x83: {  	[spmem:s2] =	stream.indirect.scatter.add.f32 [tilespmem:s23], [sflag:$0x5], $0x80, s31, s21, $0xb8;
	[tilespmem:$0x1E800] =	vst v63  }
0x84: {  	_ =	swait.ge [sflag:s19], $0x3E80  }
0x85: {  	[sflag:s19] =	ssyncset.done $0x0  }
0x86: {  	s0 =	sadd.s32 $0x280, s6;
	[sflag:s19] =	ssyncadd.s32 $0xFFFFC180  }
0x87: {  	[tilespmem:s3], [sflag:$0x5] =	stream.linear.gather [hbm4b:s0+s3], $0x1400, $0x38;
	[tilespmem:$0x1E800] =	vst v63  }
0x88: {  	_ =	swait.ge [sflag:s19], $0x1400  }
0x89: {  	[sflag:s19] =	ssyncset.done $0x0  }
0x8a: {  	s8 =	sadd.s32 $0x280, s7;
	[sflag:s19] =	ssyncadd.s32 $0xFFFFEC00  }
0x8b: {  	[tilespmem:s20], [sflag:$0x5] =	stream.linear.gather [hbm4b:s8+s3], $0x1400, $0x38;
	[tilespmem:$0x1E800] =	vst v63  }
0x8c: {  	_ =	swait.ge [sflag:s19], $0x1400  }
0x8d: {  	[sflag:s19] =	ssyncset.done $0x0  }
0x8e: {  	[sflag:s19] =	ssyncadd.s32 $0xFFFFEC00  }
0x8f: {  	[tilespmem:s18], [sflag:$0x1] =	stream.indirect.gather [hbm4b:s4+s21], $0x80, s3, s21, $0xb8;
	[tilespmem:$0x1E800] =	vst v63  }
0x90: {  	_ = 	snop  }
0x91: {  	[tilespmem:s23], [sflag:$0x2] =	stream.indirect.gather [hbm4b:s4+s21], $0x80, s22, s21, $0xb8;
	[tilespmem:$0x1E800] =	vst v63  }
0x92: {  	_ =	swait.ge [sflag:s25], $0x3E80  }
0x93: {  	[sflag:s25] =	ssyncset.done $0x0  }
0x94: {  	s9 =	simm.s32 $0x1400;
	[sflag:s25] =	ssyncadd.s32 $0xFFFFC180  }
0x95: {  	[spmem:s2] =	stream.indirect.scatter.add.f32 [tilespmem:s18], [sflag:$0x3], $0x80, s9, s21, $0xb8;
	[tilespmem:$0x1E800] =	vst v63  }
0x96: {  	_ =	swait.ge [sflag:s26], $0x3E80  }
0x97: {  	[sflag:s26] =	ssyncset.done $0x0  }
0x98: {  	s8 =	simm.s32 $0x1480;
	[sflag:s26] =	ssyncadd.s32 $0xFFFFC180  }
0x99: {  	[spmem:s2] =	stream.indirect.scatter.add.f32 [tilespmem:s23], [sflag:$0x4], $0x80, s8, s21, $0xb8;
	[tilespmem:$0x1E800] =	vst v63  }
0x9a: {  	_ =	swait.ge [sflag:s28], $0x3E80  }
0x9b: {  	[sflag:s28] =	ssyncset.done $0x0  }
0x9c: {  	s9 =	simm.s32 $0x100;
	[sflag:s28] =	ssyncadd.s32 $0xFFFFC180  }
0x9d: {  	[tilespmem:s18], [sflag:$0x1] =	stream.indirect.gather [hbm4b:s4+s21], $0x80, s9, s21, $0xb8;
	[tilespmem:$0x1E800] =	vst v63  }
0x9e: {  	_ =	swait.ge [sflag:s29], $0x3E80  }
0x9f: {  	[sflag:s29] =	ssyncset.done $0x0  }
0xa0: {  	s0 =	simm.s32 $0x800;
	s8 =	simm.s32 $0x180;
	[sflag:s29] =	ssyncadd.s32 $0xFFFFC180  }
.LBB2_6:
0xa1: {  	[tilespmem:s23], [sflag:$0x2] =	stream.indirect.gather [hbm4b:s4+s21], $0x80, s8, s21, $0xb8;
	[tilespmem:$0x1E800] =	vst v63  }
0xa2: {  	s8 =	smov.u32 s0  }
0xa3: {  	p0 =	sne.s32 s0, $0x4C00;
	s0 =	sadd.s32 $0x400, s0;
	_ =	swait.ge [sflag:s25], $0x3E80  }
0xa4: {  	s8 =	sshra.s32 s8, $0x2;
	[sflag:s25] =	ssyncset.done $0x0  }
0xa5: {  	s9 =	sadd.s32 $0x1300, s8;
	[sflag:s25] =	ssyncadd.s32 $0xFFFFC180  }
0xa6: {  	[spmem:s2] =	stream.indirect.scatter.add.f32 [tilespmem:s18], [sflag:$0x3], $0x80, s9, s21, $0xb8;
	[tilespmem:$0x1E800] =	vst v63  }
0xa7: {  	_ =	swait.ge [sflag:s26], $0x3E80  }
0xa8: {  	[sflag:s26] =	ssyncset.done $0x0  }
0xa9: {  	s9 =	sadd.s32 $0x1380, s8;
	[sflag:s26] =	ssyncadd.s32 $0xFFFFC180  }
0xaa: {  	[spmem:s2] =	stream.indirect.scatter.add.f32 [tilespmem:s23], [sflag:$0x4], $0x80, s9, s21, $0xb8;
	[tilespmem:$0x1E800] =	vst v63  }
0xab: {  	_ =	swait.ge [sflag:s28], $0x3E80  }
0xac: {  	[sflag:s28] =	ssyncset.done $0x0  }
.Ltmp2:
0xad: {  	[sflag:s28] =	ssyncadd.s32 $0xFFFFC180;
	(pc) =	sbr.rel @p0 .LBB2_6-.Ltmp2, $4  }
0xae: {  	[tilespmem:s18], [sflag:$0x1] =	stream.indirect.gather [hbm4b:s4+s21], $0x80, s8, s21, $0xb8;
	[tilespmem:$0x1E800] =	vst v63  }
0xaf: {  	_ =	swait.ge [sflag:s29], $0x3E80  }
0xb0: {  	[sflag:s29] =	ssyncset.done $0x0  }
0xb1: {  	s8 =	sadd.s32 $0x80, s8;
	[sflag:s29] =	ssyncadd.s32 $0xFFFFC180  }
0xb2: {  	[tilespmem:s23], [sflag:$0x2] =	stream.indirect.gather [hbm4b:s4+s21], $0x80, s8, s21, $0xb8;
	[tilespmem:$0x1E800] =	vst v63  }
0xb3: {  	_ =	swait.ge [sflag:s25], $0x3E80  }
0xb4: {  	[sflag:s25] =	ssyncset.done $0x0  }
0xb5: {  	[sflag:s25] =	ssyncadd.s32 $0xFFFFC180  }
0xb6: {  	[spmem:s2] =	stream.indirect.scatter.add.f32 [tilespmem:s18], [sflag:$0x5], $0x80, s30, s21, $0xb8;
	[tilespmem:$0x1E800] =	vst v63  }
0xb7: {  	_ =	swait.ge [sflag:s19], $0x3E80  }
0xb8: {  	[sflag:s19] =	ssyncset.done $0x0  }
0xb9: {  	[sflag:s19] =	ssyncadd.s32 $0xFFFFC180  }
0xba: {  	_ =	swait.ge [sflag:s26], $0x3E80  }
0xbb: {  	[sflag:s26] =	ssyncset.done $0x0  }
0xbc: {  	[sflag:s26] =	ssyncadd.s32 $0xFFFFC180  }
0xbd: {  	[spmem:s2] =	stream.indirect.scatter.add.f32 [tilespmem:s23], [sflag:$0x5], $0x80, s31, s21, $0xb8;
	[tilespmem:$0x1E800] =	vst v63  }
0xbe: {  	_ =	swait.ge [sflag:s19], $0x3E80  }
0xbf: {  	s0 =	stileid.u32;
	[sflag:s19] =	ssyncset.done $0x0  }
0xc0: {  	s0 =	sshll.u32 s0, $0x6;
	[sflag:s19] =	ssyncadd.s32 $0xFFFFC180  }
0xc1: {  	s9 =	sshrl.u32 s5, $0x3;
	s0 =	sor.u32 $0x1C05, s0;
	[bflag:$0x0] =	sbarrier.arrive $0xFFFF  }
0xc2: {  	[hbm:s24], [sflag:s0] =	dma.local [spmem:s9], $0x2800  }
0xc3: {  	_ =	swait.ge [sflag:s19], $0x2800  }
0xc4: {  	s1 =	sadd.s32 $0x1, s1;
	s9 =	rddreg [dreg:$0x3]  }
0xc5: {  	p0 =	sne.s32 s1, s9  }
.Ltmp3:
0xc6: {  	_ = 	snop;
	(pc) =	sbr.rel @p0 .LBB2_1-.Ltmp3, $3  }
0xc7: {  	_ =	sdelay $0x1  }
0xc8: {  	[sflag:s19] =	ssyncset.done $0x0  }
0xc9: {  	[sflag:s19] =	ssyncadd.s32 $0xFFFFD800  }
0xca: {  	_ =	sfence.sel $0x180000  }
0xcb: {  	[bflag:$0x0] =	sbarrier.arrive $0xFFFF  }
0xcc: {  	_ =	strace $0x90000050  }
0xcd: {  	s0 =	stileid.u32;
	[bflag:$0x2] =	sbarrier.arrive $0xFFFF  }
0xce: {  	p0 =	sne.s32 s0, $0x0;
	s0 =	rddreg [dreg:$0x2]  }
0xcf: {  	s0 =	sadd.s32 @!p0 $0x100000, s0  }
0xd0: {  	[sflag:s0] =	ssyncadd.tile.s32 @!p0 $0x1;
	_ =	shalt  }
.Lfunc_end2:
_tile_overlayer_lowered:
.L_overlay_start_2:
0xd1: {  	(tag) =	ssettag $0x2  }
0xd2: {  	s0 =	rddreg [dreg:$0x0];
	s2 =	stileid.u32  }
0xd3: {  	s1 =	rddreg [dreg:$0x1];
	p0 =	sne.s32 s2, $0x0  }
0xd4: {  	s3 =	rddreg [dreg:$0x2];
	[bflag:$0x3] =	sbarrier.arrive $0xFFFF;
	s2 =	simm.s32 @!p0 $0x1C05  }
0xd5: {  	[timem:s3], [sflag:s2] =	dma.local @!p0 [hbm:s0], s1  }
0xd6: {  	s0 =	simm.s32 @!p0 $0x5  }
0xd7: {  	_ =	swait.ge @!p0 [sflag:s0], s1  }
0xd8: {  	s1 =	ssub.s32 @!p0 $0x0, s1;
	[sflag:s0] =	ssyncset.done @!p0 $0x0  }
0xd9: {  	[sflag:s0] =	ssyncadd.s32 @!p0 s1  }
0xda: {  	[bflag:$0x3] =	sbarrier.arrive $0xFFFF  }
0xdb: {  	_ =	shalt  }

</sc_bundles>
